<compile_context>
chip_gen: v7x
topology: tpu7x:2x2x1
jax: 0.10.2.dev20260603
libtpu: 0.0.44.dev20260713+nightly
codegen_flags: <defaults>
</compile_context>

<pallas_src>
import functools

import jax
import jax.numpy as jnp
from jax import lax
from jax.experimental import pallas as pl
from jax.experimental.pallas import tpu as pltpu
from jax.experimental.pallas import tpu_sc as plsc

B = 50000
D = 128
E = 128
C = 16
S1 = 11

NC, NS = 2, 16
NW = NC * NS
RPS = 24
IPS = RPS * S1
IDXW = IPS
NSTEPS = 66
BPW = NSTEPS * RPS
BPAD = NW * BPW

NROWS = 50000
HALF = NROWS // 2


PBLK = 5000


def _tc_pack(features):

    def body(xa_ref, xb_ref, o_ref):
        def pack64(x):
            u = lax.bitcast_convert_type(x, jnp.uint32) + jnp.uint32(0x8000)
            w = (u[:, :64] >> 16) | (u[:, 64:] & jnp.uint32(0xFFFF0000))
            return lax.bitcast_convert_type(w, jnp.int32)
        w = jnp.concatenate(
            [pack64(xa_ref[...]), pack64(xb_ref[...])], axis=1)
        o_ref[...] = w.reshape(PBLK * D)

    return pl.pallas_call(
        body,
        grid=(HALF // PBLK,),
        in_specs=[pl.BlockSpec((PBLK, D), lambda i: (i, 0)),
                  pl.BlockSpec((PBLK, D), lambda i: (i + HALF // PBLK, 0))],
        out_specs=pl.BlockSpec((PBLK * D,), lambda i: (i,)),
        out_shape=jax.ShapeDtypeStruct((HALF * D,), jnp.int32),
    )(features, features)


def _sc_gather_sum(features, idx_grp):
    mesh = plsc.VectorSubcoreMesh(core_axis_name="c", subcore_axis_name="s")
    NBUF = 3
    NGRP = NSTEPS // NBUF

    @functools.partial(
        pl.kernel,
        mesh=mesh,
        compiler_params=pltpu.CompilerParams(needs_layout_passes=False, use_tc_tiling_on_sc=False),
        out_type=jax.ShapeDtypeStruct((BPAD * D,), jnp.float32),
        scratch_types=[
            pltpu.VMEM((NSTEPS * IDXW,), jnp.int32),
            pltpu.VMEM((NBUF, IDXW, D // 2), jnp.int32),
            pltpu.VMEM((NBUF, RPS * D), jnp.float32),
            pltpu.SemaphoreType.DMA((NBUF,)),
            pltpu.SemaphoreType.DMA((NBUF,)),
        ],
    )
    def k(idx_hbm, feat_hbm, out_hbm, idx_slab, rows, acc, gsem, osem):
        wid = lax.axis_index("s") * NC + lax.axis_index("c")
        pltpu.sync_copy(idx_hbm.at[pl.ds(wid * (NSTEPS * IDXW), NSTEPS * IDXW)],
                        idx_slab)

        for b in range(NBUF):
            pltpu.async_copy(feat_hbm.at[idx_slab.at[pl.ds(b * IDXW, IDXW)]], rows.at[b], gsem.at[b])

        def group(p, carry):
            for b in range(NBUF):
                i = p * NBUF + b
                pltpu.make_async_copy(
                    feat_hbm.at[idx_slab.at[pl.ds(i * IDXW, IDXW)]], rows.at[b], gsem.at[b]).wait()
                @pl.when(p > 0)
                def _():
                    pltpu.make_async_copy(
                        acc.at[b], out_hbm.at[pl.ds(0, RPS * D)], osem.at[b]).wait()

                def acc_row(r, c):
                    for g in range(D // 32):
                        def _ld(j):
                            return rows[b, r * S1 + j, pl.ds(g * 16, 16)]
                        xi = _ld(0)
                        ve = lax.bitcast_convert_type(xi << 16, jnp.float32)
                        vo = lax.bitcast_convert_type(xi, jnp.float32)
                        for j in range(1, S1):
                            xi = _ld(j)
                            ve = ve + lax.bitcast_convert_type(xi << 16, jnp.float32)
                            vo = vo + lax.bitcast_convert_type(xi, jnp.float32)
                        acc[b, pl.ds(r * D + g * 16, 16)] = ve
                        acc[b, pl.ds(r * D + 64 + g * 16, 16)] = vo
                    return c

                lax.fori_loop(0, RPS, acc_row, 0)
                pltpu.async_copy(
                    acc.at[b],
                    out_hbm.at[pl.ds((wid * BPW + i * RPS) * D, RPS * D)],
                    osem.at[b])
                @pl.when(i + NBUF < NSTEPS)
                def _():
                    pltpu.async_copy(
                        feat_hbm.at[idx_slab.at[pl.ds((i + NBUF) * IDXW, IDXW)]], rows.at[b],
                        gsem.at[b])
            return carry

        lax.fori_loop(0, NGRP, group, 0)
        for b in range(NBUF):
            pltpu.make_async_copy(
                acc.at[b], out_hbm.at[pl.ds(0, RPS * D)], osem.at[b]).wait()

    return k(idx_grp, features)


BLK = 5000


def _tc_head(sums, W0, W_cls):

    def body(x_ref, w0_ref, wc_ref, o_ref):
        x = x_ref[...] * (1.0 / S1)
        h = lax.dot_general(x, w0_ref[...], (((1,), (1,)), ((), ())),
                            preferred_element_type=jnp.float32)
        h = jnp.maximum(h, 0.0)
        s = lax.dot_general(h, wc_ref[...], (((1,), (1,)), ((), ())),
                            preferred_element_type=jnp.float32)
        o_ref[...] = jax.nn.sigmoid(s)

    return pl.pallas_call(
        body,
        grid=(B // BLK,),
        in_specs=[
            pl.BlockSpec((BLK, D), lambda i: (i, 0)),
            pl.BlockSpec((E, D), lambda i: (0, 0)),
            pl.BlockSpec((C, E), lambda i: (0, 0)),
        ],
        out_specs=pl.BlockSpec((BLK, C), lambda i: (i, 0)),
        out_shape=jax.ShapeDtypeStruct((B, C), jnp.float32),
    )(sums, W0, W_cls)


def kernel(features, W0, W_cls, nodes, neigh_idx):
    samp = jnp.concatenate([nodes[:, None], neigh_idx], axis=1)
    filler = (jnp.arange(BPAD - B, dtype=jnp.int32)[:, None] * 11
              + jnp.arange(S1, dtype=jnp.int32)[None, :]) % jnp.int32(50000)
    samp = jnp.concatenate([samp, filler], axis=0)
    samp = jnp.where(samp < HALF, samp * 2, samp * 2 - (NROWS - 1))
    idx_flat = samp.reshape(-1)
    fi = _tc_pack(features).reshape(NROWS, D // 2)
    sums = _sc_gather_sum(fi, idx_flat).reshape(BPAD, D)
    return _tc_head(sums, W0, W_cls)

# --- scband reference (transcript-rebuilt; emitter-appended) ---
"""Pipeline reference for scband-supervised-graph-sage-51642686767897 (READ-ONLY COPY).

The authoritative reference and input builder live on the scoring server;
editing this copy changes nothing except your own understanding.
"""

import jax, jax.numpy as jnp
import numpy as np

N_NODES = 50000
D_FEAT = 128
EMBED_DIM = 128
NUM_CLASSES = 16
NUM_SAMPLE = 10
BATCH = 50000


def setup_inputs(seed: int = 0) -> dict:
    key = jax.random.key(seed)
    k1, k2, k3, k4, k5 = jax.random.split(key, 5)
    nodes = jax.random.randint(k1, (BATCH,), 0, N_NODES, dtype=jnp.int32)
    # pre-sampled neighbor ids (MeanAggregator samples num_sample neighbors per node)
    neigh_idx = jax.random.randint(k2, (BATCH, NUM_SAMPLE), 0, N_NODES, dtype=jnp.int32)
    # learned parameters
    features = jax.random.normal(k3, (N_NODES, D_FEAT), dtype=jnp.float32)  # nn.Embedding table
    lim0 = float(np.sqrt(6.0 / (EMBED_DIM + D_FEAT)))
    W0 = jax.random.uniform(k4, (EMBED_DIM, D_FEAT), dtype=jnp.float32, minval=-lim0, maxval=lim0)
    limc = float(np.sqrt(6.0 / (NUM_CLASSES + EMBED_DIM)))
    W_cls = jax.random.uniform(k5, (NUM_CLASSES, EMBED_DIM), dtype=jnp.float32, minval=-limc, maxval=limc)
    return {"features": features, "W0": W0, "W_cls": W_cls, "nodes": nodes, "neigh_idx": neigh_idx}


def reference(features, W0, W_cls, nodes, neigh_idx):
    # MeanAggregator (gcn=True): sampled neighbor set plus self-node, mean of their features.
    # mask.div(num_neigh).mm(embed_matrix) == per-row mean over gathered feature rows.
    samp = jnp.concatenate([nodes[:, None], neigh_idx], axis=1)          # [B, S+1]
    embed_matrix = jnp.take(features, samp, axis=0)                      # gather [B, S+1, D]
    to_feats = embed_matrix.mean(axis=1)                                 # [B, D]
    # Encoder (gcn=True): relu(W0 @ combined.T)
    embeds = jax.nn.relu(W0 @ to_feats.T)                                # [E, B]
    # num_layers=2 -> loop range(1, 1) executes zero times
    scores = W_cls @ embeds                                              # [C, B]
    return jax.nn.sigmoid(scores.T).squeeze()                            # [B, C]

if __name__ == "__main__":
    import jax
    _d = setup_inputs()
    print(jax.jit(kernel)(*tuple(_d.values())))

</pallas_src>

<mosaic_0001>
#map = affine_map<(d0, d1) -> (0)>
#map1 = affine_map<(d0, d1) -> (0, 0)>
module attributes {stable_mosaic.version = 14 : i64} {
  func.func @k(%arg0: i32, %arg1: i32, %arg2: memref<557568xi32, #tpu.memory_space<hbm>>, %arg3: memref<50000x64xi32, #tpu.memory_space<hbm>>, %arg4: memref<6488064xf32, #tpu.memory_space<hbm>>, %arg5: memref<17424xi32, #tpu.memory_space<vmem>>, %arg6: memref<3x264x64xi32, #tpu.memory_space<vmem>>, %arg7: memref<3x3072xf32, #tpu.memory_space<vmem>>, %arg8: memref<3x!tpu.dma_semaphore, #tpu.memory_space<semaphore_mem>>, %arg9: memref<3x!tpu.dma_semaphore, #tpu.memory_space<semaphore_mem>>) attributes {dimension_semantics = [#tpu.dimension_semantics<core_parallel>, #tpu.dimension_semantics<subcore_parallel>], iteration_bounds = array<i64: 2, 16>, scalar_prefetch = 0 : i64, scratch_operands = 5 : i64, tpu.core_type = #tpu.core_type<sc_vector_subcore>, window_params = [{transform_indices = #map}, {transform_indices = #map1}, {transform_indices = #map}]} {
    %mul3A = arith.constant 2 : i32
    %mul3A_0 = arith.muli %arg1, %mul3A : i32
    %add3A = arith.addi %mul3A_0, %arg0 : i32
    %mul3A_1 = arith.constant 17424 : i32
    %mul3A_2 = arith.muli %add3A, %mul3A_1 : i32
    "tpu.region"() ({
      %run_scoped3A = tpu.sem_alloc : memref<!tpu.dma_semaphore, #tpu.memory_space<semaphore_mem>>
      %dma_start3A_87 = tpu.memref_slice %arg2[%mul3A_2] : memref<557568xi32, #tpu.memory_space<hbm>> -> memref<17424xi32, #tpu.memory_space<hbm>>
      %dma_start3A_88 = tpu.memref_slice %arg2[%mul3A_2] : memref<557568xi32, #tpu.memory_space<hbm>> -> memref<17424xi32, #tpu.memory_space<hbm>>
      tpu.enqueue_dma source(%dma_start3A_88 : memref<17424xi32, #tpu.memory_space<hbm>>) target(%arg5 : memref<17424xi32, #tpu.memory_space<vmem>>) target_semaphore(%run_scoped3A : memref<!tpu.dma_semaphore, #tpu.memory_space<semaphore_mem>>)
      %dma_wait3A_89 = tpu.memref_slice %arg2[%mul3A_2] : memref<557568xi32, #tpu.memory_space<hbm>> -> memref<17424xi32, #tpu.memory_space<hbm>>
      %dma_wait3A_90 = tpu.memref_slice %arg2[%mul3A_2] : memref<557568xi32, #tpu.memory_space<hbm>> -> memref<17424xi32, #tpu.memory_space<hbm>>
      tpu.wait_dma2 semaphore(%run_scoped3A : memref<!tpu.dma_semaphore, #tpu.memory_space<semaphore_mem>>) src(%dma_wait3A_90 : memref<17424xi32, #tpu.memory_space<hbm>>) dst(%arg5 : memref<17424xi32, #tpu.memory_space<vmem>>)
      tpu.yield
    }) : () -> ()
    %dma_start3A = arith.constant 0 : i32
    %dma_start3A_3 = arith.constant 0 : i32
    %dma_start3A_4 = arith.constant 0 : i32
    %dma_start3A_5 = arith.constant 0 : i32
    %dma_start3A_6 = tpu.memref_slice %arg6[%dma_start3A, %dma_start3A_4, %dma_start3A_5] : memref<3x264x64xi32, #tpu.memory_space<vmem>> -> memref<1x264x64xi32, #tpu.memory_space<vmem>>
    %dma_start3A_7 = tpu.memref_squeeze %dma_start3A_6 : memref<1x264x64xi32, #tpu.memory_space<vmem>> -> memref<264x64xi32, #tpu.memory_space<vmem>>
    %dma_start3A_8 = arith.constant 0 : i32
    %dma_start3A_9 = tpu.memref_slice %arg5[%dma_start3A_8] : memref<17424xi32, #tpu.memory_space<vmem>> -> memref<264xi32, #tpu.memory_space<vmem>>
    %dma_start3A_10 = arith.constant 0 : i32
    %dma_start3A_11 = arith.constant 0 : i32
    %dma_start3A_12 = tpu.memref_slice %arg3[%dma_start3A_10, %dma_start3A_11] : memref<50000x64xi32, #tpu.memory_space<hbm>> -> memref<50000x64xi32, #tpu.memory_space<hbm>>
    %dma_start3A_13 = tpu.memref_slice %arg8[%dma_start3A_3] : memref<3x!tpu.dma_semaphore, #tpu.memory_space<semaphore_mem>> -> memref<1x!tpu.dma_semaphore, #tpu.memory_space<semaphore_mem>>
    %dma_start3A_14 = tpu.memref_squeeze %dma_start3A_13 : memref<1x!tpu.dma_semaphore, #tpu.memory_space<semaphore_mem>> -> memref<!tpu.dma_semaphore, #tpu.memory_space<semaphore_mem>>
    tpu.enqueue_indirect_dma source(%dma_start3A_12 : memref<50000x64xi32, #tpu.memory_space<hbm>>) target(%dma_start3A_7 : memref<264x64xi32, #tpu.memory_space<vmem>>) offsets(%dma_start3A_9 : memref<264xi32, #tpu.memory_space<vmem>>) semaphore(%dma_start3A_14 : memref<!tpu.dma_semaphore, #tpu.memory_space<semaphore_mem>>)
    %dma_start3A_15 = arith.constant 1 : i32
    %dma_start3A_16 = arith.constant 1 : i32
    %dma_start3A_17 = arith.constant 0 : i32
    %dma_start3A_18 = arith.constant 0 : i32
    %dma_start3A_19 = tpu.memref_slice %arg6[%dma_start3A_15, %dma_start3A_17, %dma_start3A_18] : memref<3x264x64xi32, #tpu.memory_space<vmem>> -> memref<1x264x64xi32, #tpu.memory_space<vmem>>
    %dma_start3A_20 = tpu.memref_squeeze %dma_start3A_19 : memref<1x264x64xi32, #tpu.memory_space<vmem>> -> memref<264x64xi32, #tpu.memory_space<vmem>>
    %dma_start3A_21 = arith.constant 264 : i32
    %dma_start3A_22 = tpu.memref_slice %arg5[%dma_start3A_21] : memref<17424xi32, #tpu.memory_space<vmem>> -> memref<264xi32, #tpu.memory_space<vmem>>
    %dma_start3A_23 = arith.constant 0 : i32
    %dma_start3A_24 = arith.constant 0 : i32
    %dma_start3A_25 = tpu.memref_slice %arg3[%dma_start3A_23, %dma_start3A_24] : memref<50000x64xi32, #tpu.memory_space<hbm>> -> memref<50000x64xi32, #tpu.memory_space<hbm>>
    %dma_start3A_26 = tpu.memref_slice %arg8[%dma_start3A_16] : memref<3x!tpu.dma_semaphore, #tpu.memory_space<semaphore_mem>> -> memref<1x!tpu.dma_semaphore, #tpu.memory_space<semaphore_mem>>
    %dma_start3A_27 = tpu.memref_squeeze %dma_start3A_26 : memref<1x!tpu.dma_semaphore, #tpu.memory_space<semaphore_mem>> -> memref<!tpu.dma_semaphore, #tpu.memory_space<semaphore_mem>>
    tpu.enqueue_indirect_dma source(%dma_start3A_25 : memref<50000x64xi32, #tpu.memory_space<hbm>>) target(%dma_start3A_20 : memref<264x64xi32, #tpu.memory_space<vmem>>) offsets(%dma_start3A_22 : memref<264xi32, #tpu.memory_space<vmem>>) semaphore(%dma_start3A_27 : memref<!tpu.dma_semaphore, #tpu.memory_space<semaphore_mem>>)
    %dma_start3A_28 = arith.constant 2 : i32
    %dma_start3A_29 = arith.constant 2 : i32
    %dma_start3A_30 = arith.constant 0 : i32
    %dma_start3A_31 = arith.constant 0 : i32
    %dma_start3A_32 = tpu.memref_slice %arg6[%dma_start3A_28, %dma_start3A_30, %dma_start3A_31] : memref<3x264x64xi32, #tpu.memory_space<vmem>> -> memref<1x264x64xi32, #tpu.memory_space<vmem>>
    %dma_start3A_33 = tpu.memref_squeeze %dma_start3A_32 : memref<1x264x64xi32, #tpu.memory_space<vmem>> -> memref<264x64xi32, #tpu.memory_space<vmem>>
    %dma_start3A_34 = arith.constant 528 : i32
    %dma_start3A_35 = tpu.memref_slice %arg5[%dma_start3A_34] : memref<17424xi32, #tpu.memory_space<vmem>> -> memref<264xi32, #tpu.memory_space<vmem>>
    %dma_start3A_36 = arith.constant 0 : i32
    %dma_start3A_37 = arith.constant 0 : i32
    %dma_start3A_38 = tpu.memref_slice %arg3[%dma_start3A_36, %dma_start3A_37] : memref<50000x64xi32, #tpu.memory_space<hbm>> -> memref<50000x64xi32, #tpu.memory_space<hbm>>
    %dma_start3A_39 = tpu.memref_slice %arg8[%dma_start3A_29] : memref<3x!tpu.dma_semaphore, #tpu.memory_space<semaphore_mem>> -> memref<1x!tpu.dma_semaphore, #tpu.memory_space<semaphore_mem>>
    %dma_start3A_40 = tpu.memref_squeeze %dma_start3A_39 : memref<1x!tpu.dma_semaphore, #tpu.memory_space<semaphore_mem>> -> memref<!tpu.dma_semaphore, #tpu.memory_space<semaphore_mem>>
    tpu.enqueue_indirect_dma source(%dma_start3A_38 : memref<50000x64xi32, #tpu.memory_space<hbm>>) target(%dma_start3A_33 : memref<264x64xi32, #tpu.memory_space<vmem>>) offsets(%dma_start3A_35 : memref<264xi32, #tpu.memory_space<vmem>>) semaphore(%dma_start3A_40 : memref<!tpu.dma_semaphore, #tpu.memory_space<semaphore_mem>>)
    %scan3A = arith.constant 0 : i32
    %scan3A_41 = arith.constant 0 : i32
    %scan3A_42 = arith.constant 22 : i32
    %scan3A_43 = arith.addi %scan3A_41, %scan3A_42 : i32
    %scan3A_44 = arith.constant 1 : i32
    scf.for %scan3A_87 = %scan3A_41 to %scan3A_43 step %scan3A_44  : i32 {
      %mul3A_88 = arith.constant 3 : i32
      %mul3A_89 = arith.muli %scan3A_87, %mul3A_88 : i32
      %add3A_90 = arith.constant 0 : i32
      %add3A_91 = arith.addi %mul3A_89, %add3A_90 : i32
      %mul3A_92 = arith.constant 264 : i32
      %mul3A_93 = arith.muli %add3A_91, %mul3A_92 : i32
      %dma_wait3A_94 = arith.constant 0 : i32
      %dma_wait3A_95 = arith.constant 0 : i32
      %dma_wait3A_96 = arith.constant 0 : i32
      %dma_wait3A_97 = arith.constant 0 : i32
      %dma_wait3A_98 = tpu.memref_slice %arg6[%dma_wait3A_94, %dma_wait3A_96, %dma_wait3A_97] : memref<3x264x64xi32, #tpu.memory_space<vmem>> -> memref<1x264x64xi32, #tpu.memory_space<vmem>>
      %dma_wait3A_99 = tpu.memref_squeeze %dma_wait3A_98 : memref<1x264x64xi32, #tpu.memory_space<vmem>> -> memref<264x64xi32, #tpu.memory_space<vmem>>
      %dma_wait3A_100 = tpu.memref_slice %arg5[%mul3A_93] : memref<17424xi32, #tpu.memory_space<vmem>> -> memref<264xi32, #tpu.memory_space<vmem>>
      %dma_wait3A_101 = arith.constant 0 : i32
      %dma_wait3A_102 = arith.constant 0 : i32
      %dma_wait3A_103 = tpu.memref_slice %arg3[%dma_wait3A_101, %dma_wait3A_102] : memref<50000x64xi32, #tpu.memory_space<hbm>> -> memref<50000x64xi32, #tpu.memory_space<hbm>>
      %dma_wait3A_104 = tpu.memref_slice %arg8[%dma_wait3A_95] : memref<3x!tpu.dma_semaphore, #tpu.memory_space<semaphore_mem>> -> memref<1x!tpu.dma_semaphore, #tpu.memory_space<semaphore_mem>>
      %dma_wait3A_105 = tpu.memref_squeeze %dma_wait3A_104 : memref<1x!tpu.dma_semaphore, #tpu.memory_space<semaphore_mem>> -> memref<!tpu.dma_semaphore, #tpu.memory_space<semaphore_mem>>
      tpu.wait_indirect_dma semaphore(%dma_wait3A_105 : memref<!tpu.dma_semaphore, #tpu.memory_space<semaphore_mem>>) src(%dma_wait3A_103 : memref<50000x64xi32, #tpu.memory_space<hbm>>) dst(%dma_wait3A_99 : memref<264x64xi32, #tpu.memory_space<vmem>>)
      %gt3A = arith.constant 0 : i32
      %gt3A_106 = arith.cmpi sgt, %scan3A_87, %gt3A : i32
      %convert_element_type3A = arith.extui %gt3A_106 : i1 to i32
      %cond3A = arith.constant 0 : i32
      %cond3A_107 = arith.cmpi ne, %convert_element_type3A, %cond3A : i32
      scf.if %cond3A_107 {
        %dma_wait3A_249 = arith.constant 0 : i32
        %dma_wait3A_250 = arith.constant 0 : i32
        %dma_wait3A_251 = arith.constant 0 : i32
        %dma_wait3A_252 = tpu.memref_slice %arg7[%dma_wait3A_249, %dma_wait3A_251] : memref<3x3072xf32, #tpu.memory_space<vmem>> -> memref<1x3072xf32, #tpu.memory_space<vmem>>
        %dma_wait3A_253 = tpu.memref_squeeze %dma_wait3A_252 : memref<1x3072xf32, #tpu.memory_space<vmem>> -> memref<3072xf32, #tpu.memory_space<vmem>>
        %dma_wait3A_254 = arith.constant 0 : i32
        %dma_wait3A_255 = tpu.memref_slice %arg4[%dma_wait3A_254] : memref<6488064xf32, #tpu.memory_space<hbm>> -> memref<3072xf32, #tpu.memory_space<hbm>>
        %dma_wait3A_256 = tpu.memref_slice %arg9[%dma_wait3A_250] : memref<3x!tpu.dma_semaphore, #tpu.memory_space<semaphore_mem>> -> memref<1x!tpu.dma_semaphore, #tpu.memory_space<semaphore_mem>>
        %dma_wait3A_257 = tpu.memref_squeeze %dma_wait3A_256 : memref<1x!tpu.dma_semaphore, #tpu.memory_space<semaphore_mem>> -> memref<!tpu.dma_semaphore, #tpu.memory_space<semaphore_mem>>
        %dma_wait3A_258 = arith.constant 0 : i32
        %dma_wait3A_259 = tpu.memref_slice %arg4[%dma_wait3A_258] : memref<6488064xf32, #tpu.memory_space<hbm>> -> memref<3072xf32, #tpu.memory_space<hbm>>
        %dma_wait3A_260 = arith.constant 0 : i32
        %dma_wait3A_261 = tpu.memref_slice %arg7[%dma_wait3A_249, %dma_wait3A_260] : memref<3x3072xf32, #tpu.memory_space<vmem>> -> memref<1x3072xf32, #tpu.memory_space<vmem>>
        %dma_wait3A_262 = tpu.memref_squeeze %dma_wait3A_261 : memref<1x3072xf32, #tpu.memory_space<vmem>> -> memref<3072xf32, #tpu.memory_space<vmem>>
        tpu.wait_dma2 semaphore(%dma_wait3A_257 : memref<!tpu.dma_semaphore, #tpu.memory_space<semaphore_mem>>) src(%dma_wait3A_262 : memref<3072xf32, #tpu.memory_space<vmem>>) dst(%dma_wait3A_259 : memref<3072xf32, #tpu.memory_space<hbm>>)
      } else {
      }
      %scan3A_108 = arith.constant 0 : i32
      %scan3A_109 = arith.constant 0 : i32
      %scan3A_110 = arith.constant 24 : i32
      %scan3A_111 = arith.addi %scan3A_109, %scan3A_110 : i32
      %scan3A_112 = arith.constant 1 : i32
      scf.for %scan3A_249 = %scan3A_109 to %scan3A_111 step %scan3A_112  : i32 {
        %mul3A_250 = arith.constant 11 : i32
        %mul3A_251 = arith.muli %scan3A_249, %mul3A_250 : i32
        %add3A_252 = arith.constant 0 : i32
        %add3A_253 = arith.addi %mul3A_251, %add3A_252 : i32
        %get3A = arith.constant 0 : i32
        %get3A_254 = arith.index_cast %get3A : i32 to index
        %get3A_255 = arith.index_cast %add3A_253 : i32 to index
        %get3A_256 = arith.constant 0 : index
        %get3A_257 = tpu.vector_load %arg6[%get3A_254, %get3A_255, %get3A_256] {strides = array<i32>} : memref<3x264x64xi32, #tpu.memory_space<vmem>>, vector<16xi32>,
        %shift_left3A = arith.constant 16 : i32
        %shift_left3A_258 = vector.broadcast %shift_left3A : i32 to vector<16xi32>
        %shift_left3A_259 = arith.shli %get3A_257, %shift_left3A_258 : vector<16xi32>
        %bitcast_convert_type3A = tpu.bitcast %shift_left3A_259 : vector<16xi32> -> vector<16xf32>
        %bitcast_convert_type3A_260 = tpu.bitcast %get3A_257 : vector<16xi32> -> vector<16xf32>
        %mul3A_261 = arith.constant 11 : i32
        %mul3A_262 = arith.muli %scan3A_249, %mul3A_261 : i32
        %add3A_263 = arith.constant 1 : i32
        %add3A_264 = arith.addi %mul3A_262, %add3A_263 : i32
        %get3A_265 = arith.constant 0 : i32
        %get3A_266 = arith.index_cast %get3A_265 : i32 to index
        %get3A_267 = arith.index_cast %add3A_264 : i32 to index
        %get3A_268 = arith.constant 0 : index
        %get3A_269 = tpu.vector_load %arg6[%get3A_266, %get3A_267, %get3A_268] {strides = array<i32>} : memref<3x264x64xi32, #tpu.memory_space<vmem>>, vector<16xi32>,
        %shift_left3A_270 = arith.constant 16 : i32
        %shift_left3A_271 = vector.broadcast %shift_left3A_270 : i32 to vector<16xi32>
        %shift_left3A_272 = arith.shli %get3A_269, %shift_left3A_271 : vector<16xi32>
        %bitcast_convert_type3A_273 = tpu.bitcast %shift_left3A_272 : vector<16xi32> -> vector<16xf32>
        %add3A_274 = arith.addf %bitcast_convert_type3A, %bitcast_convert_type3A_273 : vector<16xf32>
        %bitcast_convert_type3A_275 = tpu.bitcast %get3A_269 : vector<16xi32> -> vector<16xf32>
        %add3A_276 = arith.addf %bitcast_convert_type3A_260, %bitcast_convert_type3A_275 : vector<16xf32>
        %mul3A_277 = arith.constant 11 : i32
        %mul3A_278 = arith.muli %scan3A_249, %mul3A_277 : i32
        %add3A_279 = arith.constant 2 : i32
        %add3A_280 = arith.addi %mul3A_278, %add3A_279 : i32
        %get3A_281 = arith.constant 0 : i32
        %get3A_282 = arith.index_cast %get3A_281 : i32 to index
        %get3A_283 = arith.index_cast %add3A_280 : i32 to index
        %get3A_284 = arith.constant 0 : index
        %get3A_285 = tpu.vector_load %arg6[%get3A_282, %get3A_283, %get3A_284] {strides = array<i32>} : memref<3x264x64xi32, #tpu.memory_space<vmem>>, vector<16xi32>,
        %shift_left3A_286 = arith.constant 16 : i32
        %shift_left3A_287 = vector.broadcast %shift_left3A_286 : i32 to vector<16xi32>
        %shift_left3A_288 = arith.shli %get3A_285, %shift_left3A_287 : vector<16xi32>
        %bitcast_convert_type3A_289 = tpu.bitcast %shift_left3A_288 : vector<16xi32> -> vector<16xf32>
        %add3A_290 = arith.addf %add3A_274, %bitcast_convert_type3A_289 : vector<16xf32>
        %bitcast_convert_type3A_291 = tpu.bitcast %get3A_285 : vector<16xi32> -> vector<16xf32>
        %add3A_292 = arith.addf %add3A_276, %bitcast_convert_type3A_291 : vector<16xf32>
        %mul3A_293 = arith.constant 11 : i32
        %mul3A_294 = arith.muli %scan3A_249, %mul3A_293 : i32
        %add3A_295 = arith.constant 3 : i32
        %add3A_296 = arith.addi %mul3A_294, %add3A_295 : i32
        %get3A_297 = arith.constant 0 : i32
        %get3A_298 = arith.index_cast %get3A_297 : i32 to index
        %get3A_299 = arith.index_cast %add3A_296 : i32 to index
        %get3A_300 = arith.constant 0 : index
        %get3A_301 = tpu.vector_load %arg6[%get3A_298, %get3A_299, %get3A_300] {strides = array<i32>} : memref<3x264x64xi32, #tpu.memory_space<vmem>>, vector<16xi32>,
        %shift_left3A_302 = arith.constant 16 : i32
        %shift_left3A_303 = vector.broadcast %shift_left3A_302 : i32 to vector<16xi32>
        %shift_left3A_304 = arith.shli %get3A_301, %shift_left3A_303 : vector<16xi32>
        %bitcast_convert_type3A_305 = tpu.bitcast %shift_left3A_304 : vector<16xi32> -> vector<16xf32>
        %add3A_306 = arith.addf %add3A_290, %bitcast_convert_type3A_305 : vector<16xf32>
        %bitcast_convert_type3A_307 = tpu.bitcast %get3A_301 : vector<16xi32> -> vector<16xf32>
        %add3A_308 = arith.addf %add3A_292, %bitcast_convert_type3A_307 : vector<16xf32>
        %mul3A_309 = arith.constant 11 : i32
        %mul3A_310 = arith.muli %scan3A_249, %mul3A_309 : i32
        %add3A_311 = arith.constant 4 : i32
        %add3A_312 = arith.addi %mul3A_310, %add3A_311 : i32
        %get3A_313 = arith.constant 0 : i32
        %get3A_314 = arith.index_cast %get3A_313 : i32 to index
        %get3A_315 = arith.index_cast %add3A_312 : i32 to index
        %get3A_316 = arith.constant 0 : index
        %get3A_317 = tpu.vector_load %arg6[%get3A_314, %get3A_315, %get3A_316] {strides = array<i32>} : memref<3x264x64xi32, #tpu.memory_space<vmem>>, vector<16xi32>,
        %shift_left3A_318 = arith.constant 16 : i32
        %shift_left3A_319 = vector.broadcast %shift_left3A_318 : i32 to vector<16xi32>
        %shift_left3A_320 = arith.shli %get3A_317, %shift_left3A_319 : vector<16xi32>
        %bitcast_convert_type3A_321 = tpu.bitcast %shift_left3A_320 : vector<16xi32> -> vector<16xf32>
        %add3A_322 = arith.addf %add3A_306, %bitcast_convert_type3A_321 : vector<16xf32>
        %bitcast_convert_type3A_323 = tpu.bitcast %get3A_317 : vector<16xi32> -> vector<16xf32>
        %add3A_324 = arith.addf %add3A_308, %bitcast_convert_type3A_323 : vector<16xf32>
        %mul3A_325 = arith.constant 11 : i32
        %mul3A_326 = arith.muli %scan3A_249, %mul3A_325 : i32
        %add3A_327 = arith.constant 5 : i32
        %add3A_328 = arith.addi %mul3A_326, %add3A_327 : i32
        %get3A_329 = arith.constant 0 : i32
        %get3A_330 = arith.index_cast %get3A_329 : i32 to index
        %get3A_331 = arith.index_cast %add3A_328 : i32 to index
        %get3A_332 = arith.constant 0 : index
        %get3A_333 = tpu.vector_load %arg6[%get3A_330, %get3A_331, %get3A_332] {strides = array<i32>} : memref<3x264x64xi32, #tpu.memory_space<vmem>>, vector<16xi32>,
        %shift_left3A_334 = arith.constant 16 : i32
        %shift_left3A_335 = vector.broadcast %shift_left3A_334 : i32 to vector<16xi32>
        %shift_left3A_336 = arith.shli %get3A_333, %shift_left3A_335 : vector<16xi32>
        %bitcast_convert_type3A_337 = tpu.bitcast %shift_left3A_336 : vector<16xi32> -> vector<16xf32>
        %add3A_338 = arith.addf %add3A_322, %bitcast_convert_type3A_337 : vector<16xf32>
        %bitcast_convert_type3A_339 = tpu.bitcast %get3A_333 : vector<16xi32> -> vector<16xf32>
        %add3A_340 = arith.addf %add3A_324, %bitcast_convert_type3A_339 : vector<16xf32>
        %mul3A_341 = arith.constant 11 : i32
        %mul3A_342 = arith.muli %scan3A_249, %mul3A_341 : i32
        %add3A_343 = arith.constant 6 : i32
        %add3A_344 = arith.addi %mul3A_342, %add3A_343 : i32
        %get3A_345 = arith.constant 0 : i32
        %get3A_346 = arith.index_cast %get3A_345 : i32 to index
        %get3A_347 = arith.index_cast %add3A_344 : i32 to index
        %get3A_348 = arith.constant 0 : index
        %get3A_349 = tpu.vector_load %arg6[%get3A_346, %get3A_347, %get3A_348] {strides = array<i32>} : memref<3x264x64xi32, #tpu.memory_space<vmem>>, vector<16xi32>,
        %shift_left3A_350 = arith.constant 16 : i32
        %shift_left3A_351 = vector.broadcast %shift_left3A_350 : i32 to vector<16xi32>
        %shift_left3A_352 = arith.shli %get3A_349, %shift_left3A_351 : vector<16xi32>
        %bitcast_convert_type3A_353 = tpu.bitcast %shift_left3A_352 : vector<16xi32> -> vector<16xf32>
        %add3A_354 = arith.addf %add3A_338, %bitcast_convert_type3A_353 : vector<16xf32>
        %bitcast_convert_type3A_355 = tpu.bitcast %get3A_349 : vector<16xi32> -> vector<16xf32>
        %add3A_356 = arith.addf %add3A_340, %bitcast_convert_type3A_355 : vector<16xf32>
        %mul3A_357 = arith.constant 11 : i32
        %mul3A_358 = arith.muli %scan3A_249, %mul3A_357 : i32
        %add3A_359 = arith.constant 7 : i32
        %add3A_360 = arith.addi %mul3A_358, %add3A_359 : i32
        %get3A_361 = arith.constant 0 : i32
        %get3A_362 = arith.index_cast %get3A_361 : i32 to index
        %get3A_363 = arith.index_cast %add3A_360 : i32 to index
        %get3A_364 = arith.constant 0 : index
        %get3A_365 = tpu.vector_load %arg6[%get3A_362, %get3A_363, %get3A_364] {strides = array<i32>} : memref<3x264x64xi32, #tpu.memory_space<vmem>>, vector<16xi32>,
        %shift_left3A_366 = arith.constant 16 : i32
        %shift_left3A_367 = vector.broadcast %shift_left3A_366 : i32 to vector<16xi32>
        %shift_left3A_368 = arith.shli %get3A_365, %shift_left3A_367 : vector<16xi32>
        %bitcast_convert_type3A_369 = tpu.bitcast %shift_left3A_368 : vector<16xi32> -> vector<16xf32>
        %add3A_370 = arith.addf %add3A_354, %bitcast_convert_type3A_369 : vector<16xf32>
        %bitcast_convert_type3A_371 = tpu.bitcast %get3A_365 : vector<16xi32> -> vector<16xf32>
        %add3A_372 = arith.addf %add3A_356, %bitcast_convert_type3A_371 : vector<16xf32>
        %mul3A_373 = arith.constant 11 : i32
        %mul3A_374 = arith.muli %scan3A_249, %mul3A_373 : i32
        %add3A_375 = arith.constant 8 : i32
        %add3A_376 = arith.addi %mul3A_374, %add3A_375 : i32
        %get3A_377 = arith.constant 0 : i32
        %get3A_378 = arith.index_cast %get3A_377 : i32 to index
        %get3A_379 = arith.index_cast %add3A_376 : i32 to index
        %get3A_380 = arith.constant 0 : index
        %get3A_381 = tpu.vector_load %arg6[%get3A_378, %get3A_379, %get3A_380] {strides = array<i32>} : memref<3x264x64xi32, #tpu.memory_space<vmem>>, vector<16xi32>,
        %shift_left3A_382 = arith.constant 16 : i32
        %shift_left3A_383 = vector.broadcast %shift_left3A_382 : i32 to vector<16xi32>
        %shift_left3A_384 = arith.shli %get3A_381, %shift_left3A_383 : vector<16xi32>
        %bitcast_convert_type3A_385 = tpu.bitcast %shift_left3A_384 : vector<16xi32> -> vector<16xf32>
        %add3A_386 = arith.addf %add3A_370, %bitcast_convert_type3A_385 : vector<16xf32>
        %bitcast_convert_type3A_387 = tpu.bitcast %get3A_381 : vector<16xi32> -> vector<16xf32>
        %add3A_388 = arith.addf %add3A_372, %bitcast_convert_type3A_387 : vector<16xf32>
        %mul3A_389 = arith.constant 11 : i32
        %mul3A_390 = arith.muli %scan3A_249, %mul3A_389 : i32
        %add3A_391 = arith.constant 9 : i32
        %add3A_392 = arith.addi %mul3A_390, %add3A_391 : i32
        %get3A_393 = arith.constant 0 : i32
        %get3A_394 = arith.index_cast %get3A_393 : i32 to index
        %get3A_395 = arith.index_cast %add3A_392 : i32 to index
        %get3A_396 = arith.constant 0 : index
        %get3A_397 = tpu.vector_load %arg6[%get3A_394, %get3A_395, %get3A_396] {strides = array<i32>} : memref<3x264x64xi32, #tpu.memory_space<vmem>>, vector<16xi32>,
        %shift_left3A_398 = arith.constant 16 : i32
        %shift_left3A_399 = vector.broadcast %shift_left3A_398 : i32 to vector<16xi32>
        %shift_left3A_400 = arith.shli %get3A_397, %shift_left3A_399 : vector<16xi32>
        %bitcast_convert_type3A_401 = tpu.bitcast %shift_left3A_400 : vector<16xi32> -> vector<16xf32>
        %add3A_402 = arith.addf %add3A_386, %bitcast_convert_type3A_401 : vector<16xf32>
        %bitcast_convert_type3A_403 = tpu.bitcast %get3A_397 : vector<16xi32> -> vector<16xf32>
        %add3A_404 = arith.addf %add3A_388, %bitcast_convert_type3A_403 : vector<16xf32>
        %mul3A_405 = arith.constant 11 : i32
        %mul3A_406 = arith.muli %scan3A_249, %mul3A_405 : i32
        %add3A_407 = arith.constant 10 : i32
        %add3A_408 = arith.addi %mul3A_406, %add3A_407 : i32
        %get3A_409 = arith.constant 0 : i32
        %get3A_410 = arith.index_cast %get3A_409 : i32 to index
        %get3A_411 = arith.index_cast %add3A_408 : i32 to index
        %get3A_412 = arith.constant 0 : index
        %get3A_413 = tpu.vector_load %arg6[%get3A_410, %get3A_411, %get3A_412] {strides = array<i32>} : memref<3x264x64xi32, #tpu.memory_space<vmem>>, vector<16xi32>,
        %shift_left3A_414 = arith.constant 16 : i32
        %shift_left3A_415 = vector.broadcast %shift_left3A_414 : i32 to vector<16xi32>
        %shift_left3A_416 = arith.shli %get3A_413, %shift_left3A_415 : vector<16xi32>
        %bitcast_convert_type3A_417 = tpu.bitcast %shift_left3A_416 : vector<16xi32> -> vector<16xf32>
        %add3A_418 = arith.addf %add3A_402, %bitcast_convert_type3A_417 : vector<16xf32>
        %bitcast_convert_type3A_419 = tpu.bitcast %get3A_413 : vector<16xi32> -> vector<16xf32>
        %add3A_420 = arith.addf %add3A_404, %bitcast_convert_type3A_419 : vector<16xf32>
        %mul3A_421 = arith.constant 128 : i32
        %mul3A_422 = arith.muli %scan3A_249, %mul3A_421 : i32
        %add3A_423 = arith.constant 0 : i32
        %add3A_424 = arith.addi %mul3A_422, %add3A_423 : i32
        %swap3A = arith.constant 0 : i32
        %swap3A_425 = arith.index_cast %swap3A : i32 to index
        %swap3A_426 = arith.index_cast %add3A_424 : i32 to index
        %swap3A_427 = tpu.vector_load %arg7[%swap3A_425, %swap3A_426] {strides = array<i32>} : memref<3x3072xf32, #tpu.memory_space<vmem>>, vector<16xf32>,
        tpu.vector_store %arg7[%swap3A_425, %swap3A_426], %add3A_418 {strides = array<i32>} : memref<3x3072xf32, #tpu.memory_space<vmem>>, vector<16xf32>,
        %mul3A_428 = arith.constant 128 : i32
        %mul3A_429 = arith.muli %scan3A_249, %mul3A_428 : i32
        %add3A_430 = arith.constant 64 : i32
        %add3A_431 = arith.addi %mul3A_429, %add3A_430 : i32
        %add3A_432 = arith.constant 0 : i32
        %add3A_433 = arith.addi %add3A_431, %add3A_432 : i32
        %swap3A_434 = arith.constant 0 : i32
        %swap3A_435 = arith.index_cast %swap3A_434 : i32 to index
        %swap3A_436 = arith.index_cast %add3A_433 : i32 to index
        %swap3A_437 = tpu.vector_load %arg7[%swap3A_435, %swap3A_436] {strides = array<i32>} : memref<3x3072xf32, #tpu.memory_space<vmem>>, vector<16xf32>,
        tpu.vector_store %arg7[%swap3A_435, %swap3A_436], %add3A_420 {strides = array<i32>} : memref<3x3072xf32, #tpu.memory_space<vmem>>, vector<16xf32>,
        %mul3A_438 = arith.constant 11 : i32
        %mul3A_439 = arith.muli %scan3A_249, %mul3A_438 : i32
        %add3A_440 = arith.constant 0 : i32
        %add3A_441 = arith.addi %mul3A_439, %add3A_440 : i32
        %get3A_442 = arith.constant 0 : i32
        %get3A_443 = arith.index_cast %get3A_442 : i32 to index
        %get3A_444 = arith.index_cast %add3A_441 : i32 to index
        %get3A_445 = arith.constant 16 : index
        %get3A_446 = tpu.vector_load %arg6[%get3A_443, %get3A_444, %get3A_445] {strides = array<i32>} : memref<3x264x64xi32, #tpu.memory_space<vmem>>, vector<16xi32>,
        %shift_left3A_447 = arith.constant 16 : i32
        %shift_left3A_448 = vector.broadcast %shift_left3A_447 : i32 to vector<16xi32>
        %shift_left3A_449 = arith.shli %get3A_446, %shift_left3A_448 : vector<16xi32>
        %bitcast_convert_type3A_450 = tpu.bitcast %shift_left3A_449 : vector<16xi32> -> vector<16xf32>
        %bitcast_convert_type3A_451 = tpu.bitcast %get3A_446 : vector<16xi32> -> vector<16xf32>
        %mul3A_452 = arith.constant 11 : i32
        %mul3A_453 = arith.muli %scan3A_249, %mul3A_452 : i32
        %add3A_454 = arith.constant 1 : i32
        %add3A_455 = arith.addi %mul3A_453, %add3A_454 : i32
        %get3A_456 = arith.constant 0 : i32
        %get3A_457 = arith.index_cast %get3A_456 : i32 to index
        %get3A_458 = arith.index_cast %add3A_455 : i32 to index
        %get3A_459 = arith.constant 16 : index
        %get3A_460 = tpu.vector_load %arg6[%get3A_457, %get3A_458, %get3A_459] {strides = array<i32>} : memref<3x264x64xi32, #tpu.memory_space<vmem>>, vector<16xi32>,
        %shift_left3A_461 = arith.constant 16 : i32
        %shift_left3A_462 = vector.broadcast %shift_left3A_461 : i32 to vector<16xi32>
        %shift_left3A_463 = arith.shli %get3A_460, %shift_left3A_462 : vector<16xi32>
        %bitcast_convert_type3A_464 = tpu.bitcast %shift_left3A_463 : vector<16xi32> -> vector<16xf32>
        %add3A_465 = arith.addf %bitcast_convert_type3A_450, %bitcast_convert_type3A_464 : vector<16xf32>
        %bitcast_convert_type3A_466 = tpu.bitcast %get3A_460 : vector<16xi32> -> vector<16xf32>
        %add3A_467 = arith.addf %bitcast_convert_type3A_451, %bitcast_convert_type3A_466 : vector<16xf32>
        %mul3A_468 = arith.constant 11 : i32
        %mul3A_469 = arith.muli %scan3A_249, %mul3A_468 : i32
        %add3A_470 = arith.constant 2 : i32
        %add3A_471 = arith.addi %mul3A_469, %add3A_470 : i32
        %get3A_472 = arith.constant 0 : i32
        %get3A_473 = arith.index_cast %get3A_472 : i32 to index
        %get3A_474 = arith.index_cast %add3A_471 : i32 to index
        %get3A_475 = arith.constant 16 : index
        %get3A_476 = tpu.vector_load %arg6[%get3A_473, %get3A_474, %get3A_475] {strides = array<i32>} : memref<3x264x64xi32, #tpu.memory_space<vmem>>, vector<16xi32>,
        %shift_left3A_477 = arith.constant 16 : i32
        %shift_left3A_478 = vector.broadcast %shift_left3A_477 : i32 to vector<16xi32>
        %shift_left3A_479 = arith.shli %get3A_476, %shift_left3A_478 : vector<16xi32>
        %bitcast_convert_type3A_480 = tpu.bitcast %shift_left3A_479 : vector<16xi32> -> vector<16xf32>
        %add3A_481 = arith.addf %add3A_465, %bitcast_convert_type3A_480 : vector<16xf32>
        %bitcast_convert_type3A_482 = tpu.bitcast %get3A_476 : vector<16xi32> -> vector<16xf32>
        %add3A_483 = arith.addf %add3A_467, %bitcast_convert_type3A_482 : vector<16xf32>
        %mul3A_484 = arith.constant 11 : i32
        %mul3A_485 = arith.muli %scan3A_249, %mul3A_484 : i32
        %add3A_486 = arith.constant 3 : i32
        %add3A_487 = arith.addi %mul3A_485, %add3A_486 : i32
        %get3A_488 = arith.constant 0 : i32
        %get3A_489 = arith.index_cast %get3A_488 : i32 to index
        %get3A_490 = arith.index_cast %add3A_487 : i32 to index
        %get3A_491 = arith.constant 16 : index
        %get3A_492 = tpu.vector_load %arg6[%get3A_489, %get3A_490, %get3A_491] {strides = array<i32>} : memref<3x264x64xi32, #tpu.memory_space<vmem>>, vector<16xi32>,
        %shift_left3A_493 = arith.constant 16 : i32
        %shift_left3A_494 = vector.broadcast %shift_left3A_493 : i32 to vector<16xi32>
        %shift_left3A_495 = arith.shli %get3A_492, %shift_left3A_494 : vector<16xi32>
        %bitcast_convert_type3A_496 = tpu.bitcast %shift_left3A_495 : vector<16xi32> -> vector<16xf32>
        %add3A_497 = arith.addf %add3A_481, %bitcast_convert_type3A_496 : vector<16xf32>
        %bitcast_convert_type3A_498 = tpu.bitcast %get3A_492 : vector<16xi32> -> vector<16xf32>
        %add3A_499 = arith.addf %add3A_483, %bitcast_convert_type3A_498 : vector<16xf32>
        %mul3A_500 = arith.constant 11 : i32
        %mul3A_501 = arith.muli %scan3A_249, %mul3A_500 : i32
        %add3A_502 = arith.constant 4 : i32
        %add3A_503 = arith.addi %mul3A_501, %add3A_502 : i32
        %get3A_504 = arith.constant 0 : i32
        %get3A_505 = arith.index_cast %get3A_504 : i32 to index
        %get3A_506 = arith.index_cast %add3A_503 : i32 to index
        %get3A_507 = arith.constant 16 : index
        %get3A_508 = tpu.vector_load %arg6[%get3A_505, %get3A_506, %get3A_507] {strides = array<i32>} : memref<3x264x64xi32, #tpu.memory_space<vmem>>, vector<16xi32>,
        %shift_left3A_509 = arith.constant 16 : i32
        %shift_left3A_510 = vector.broadcast %shift_left3A_509 : i32 to vector<16xi32>
        %shift_left3A_511 = arith.shli %get3A_508, %shift_left3A_510 : vector<16xi32>
        %bitcast_convert_type3A_512 = tpu.bitcast %shift_left3A_511 : vector<16xi32> -> vector<16xf32>
        %add3A_513 = arith.addf %add3A_497, %bitcast_convert_type3A_512 : vector<16xf32>
        %bitcast_convert_type3A_514 = tpu.bitcast %get3A_508 : vector<16xi32> -> vector<16xf32>
        %add3A_515 = arith.addf %add3A_499, %bitcast_convert_type3A_514 : vector<16xf32>
        %mul3A_516 = arith.constant 11 : i32
        %mul3A_517 = arith.muli %scan3A_249, %mul3A_516 : i32
        %add3A_518 = arith.constant 5 : i32
        %add3A_519 = arith.addi %mul3A_517, %add3A_518 : i32
        %get3A_520 = arith.constant 0 : i32
        %get3A_521 = arith.index_cast %get3A_520 : i32 to index
        %get3A_522 = arith.index_cast %add3A_519 : i32 to index
        %get3A_523 = arith.constant 16 : index
        %get3A_524 = tpu.vector_load %arg6[%get3A_521, %get3A_522, %get3A_523] {strides = array<i32>} : memref<3x264x64xi32, #tpu.memory_space<vmem>>, vector<16xi32>,
        %shift_left3A_525 = arith.constant 16 : i32
        %shift_left3A_526 = vector.broadcast %shift_left3A_525 : i32 to vector<16xi32>
        %shift_left3A_527 = arith.shli %get3A_524, %shift_left3A_526 : vector<16xi32>
        %bitcast_convert_type3A_528 = tpu.bitcast %shift_left3A_527 : vector<16xi32> -> vector<16xf32>
        %add3A_529 = arith.addf %add3A_513, %bitcast_convert_type3A_528 : vector<16xf32>
        %bitcast_convert_type3A_530 = tpu.bitcast %get3A_524 : vector<16xi32> -> vector<16xf32>
        %add3A_531 = arith.addf %add3A_515, %bitcast_convert_type3A_530 : vector<16xf32>
        %mul3A_532 = arith.constant 11 : i32
        %mul3A_533 = arith.muli %scan3A_249, %mul3A_532 : i32
        %add3A_534 = arith.constant 6 : i32
        %add3A_535 = arith.addi %mul3A_533, %add3A_534 : i32
        %get3A_536 = arith.constant 0 : i32
        %get3A_537 = arith.index_cast %get3A_536 : i32 to index
        %get3A_538 = arith.index_cast %add3A_535 : i32 to index
        %get3A_539 = arith.constant 16 : index
        %get3A_540 = tpu.vector_load %arg6[%get3A_537, %get3A_538, %get3A_539] {strides = array<i32>} : memref<3x264x64xi32, #tpu.memory_space<vmem>>, vector<16xi32>,
        %shift_left3A_541 = arith.constant 16 : i32
        %shift_left3A_542 = vector.broadcast %shift_left3A_541 : i32 to vector<16xi32>
        %shift_left3A_543 = arith.shli %get3A_540, %shift_left3A_542 : vector<16xi32>
        %bitcast_convert_type3A_544 = tpu.bitcast %shift_left3A_543 : vector<16xi32> -> vector<16xf32>
        %add3A_545 = arith.addf %add3A_529, %bitcast_convert_type3A_544 : vector<16xf32>
        %bitcast_convert_type3A_546 = tpu.bitcast %get3A_540 : vector<16xi32> -> vector<16xf32>
        %add3A_547 = arith.addf %add3A_531, %bitcast_convert_type3A_546 : vector<16xf32>
        %mul3A_548 = arith.constant 11 : i32
        %mul3A_549 = arith.muli %scan3A_249, %mul3A_548 : i32
        %add3A_550 = arith.constant 7 : i32
        %add3A_551 = arith.addi %mul3A_549, %add3A_550 : i32
        %get3A_552 = arith.constant 0 : i32
        %get3A_553 = arith.index_cast %get3A_552 : i32 to index
        %get3A_554 = arith.index_cast %add3A_551 : i32 to index
        %get3A_555 = arith.constant 16 : index
        %get3A_556 = tpu.vector_load %arg6[%get3A_553, %get3A_554, %get3A_555] {strides = array<i32>} : memref<3x264x64xi32, #tpu.memory_space<vmem>>, vector<16xi32>,
        %shift_left3A_557 = arith.constant 16 : i32
        %shift_left3A_558 = vector.broadcast %shift_left3A_557 : i32 to vector<16xi32>
        %shift_left3A_559 = arith.shli %get3A_556, %shift_left3A_558 : vector<16xi32>
        %bitcast_convert_type3A_560 = tpu.bitcast %shift_left3A_559 : vector<16xi32> -> vector<16xf32>
        %add3A_561 = arith.addf %add3A_545, %bitcast_convert_type3A_560 : vector<16xf32>
        %bitcast_convert_type3A_562 = tpu.bitcast %get3A_556 : vector<16xi32> -> vector<16xf32>
        %add3A_563 = arith.addf %add3A_547, %bitcast_convert_type3A_562 : vector<16xf32>
        %mul3A_564 = arith.constant 11 : i32
        %mul3A_565 = arith.muli %scan3A_249, %mul3A_564 : i32
        %add3A_566 = arith.constant 8 : i32
        %add3A_567 = arith.addi %mul3A_565, %add3A_566 : i32
        %get3A_568 = arith.constant 0 : i32
        %get3A_569 = arith.index_cast %get3A_568 : i32 to index
        %get3A_570 = arith.index_cast %add3A_567 : i32 to index
        %get3A_571 = arith.constant 16 : index
        %get3A_572 = tpu.vector_load %arg6[%get3A_569, %get3A_570, %get3A_571] {strides = array<i32>} : memref<3x264x64xi32, #tpu.memory_space<vmem>>, vector<16xi32>,
        %shift_left3A_573 = arith.constant 16 : i32
        %shift_left3A_574 = vector.broadcast %shift_left3A_573 : i32 to vector<16xi32>
        %shift_left3A_575 = arith.shli %get3A_572, %shift_left3A_574 : vector<16xi32>
        %bitcast_convert_type3A_576 = tpu.bitcast %shift_left3A_575 : vector<16xi32> -> vector<16xf32>
        %add3A_577 = arith.addf %add3A_561, %bitcast_convert_type3A_576 : vector<16xf32>
        %bitcast_convert_type3A_578 = tpu.bitcast %get3A_572 : vector<16xi32> -> vector<16xf32>
        %add3A_579 = arith.addf %add3A_563, %bitcast_convert_type3A_578 : vector<16xf32>
        %mul3A_580 = arith.constant 11 : i32
        %mul3A_581 = arith.muli %scan3A_249, %mul3A_580 : i32
        %add3A_582 = arith.constant 9 : i32
        %add3A_583 = arith.addi %mul3A_581, %add3A_582 : i32
        %get3A_584 = arith.constant 0 : i32
        %get3A_585 = arith.index_cast %get3A_584 : i32 to index
        %get3A_586 = arith.index_cast %add3A_583 : i32 to index
        %get3A_587 = arith.constant 16 : index
        %get3A_588 = tpu.vector_load %arg6[%get3A_585, %get3A_586, %get3A_587] {strides = array<i32>} : memref<3x264x64xi32, #tpu.memory_space<vmem>>, vector<16xi32>,
        %shift_left3A_589 = arith.constant 16 : i32
        %shift_left3A_590 = vector.broadcast %shift_left3A_589 : i32 to vector<16xi32>
        %shift_left3A_591 = arith.shli %get3A_588, %shift_left3A_590 : vector<16xi32>
        %bitcast_convert_type3A_592 = tpu.bitcast %shift_left3A_591 : vector<16xi32> -> vector<16xf32>
        %add3A_593 = arith.addf %add3A_577, %bitcast_convert_type3A_592 : vector<16xf32>
        %bitcast_convert_type3A_594 = tpu.bitcast %get3A_588 : vector<16xi32> -> vector<16xf32>
        %add3A_595 = arith.addf %add3A_579, %bitcast_convert_type3A_594 : vector<16xf32>
        %mul3A_596 = arith.constant 11 : i32
        %mul3A_597 = arith.muli %scan3A_249, %mul3A_596 : i32
        %add3A_598 = arith.constant 10 : i32
        %add3A_599 = arith.addi %mul3A_597, %add3A_598 : i32
        %get3A_600 = arith.constant 0 : i32
        %get3A_601 = arith.index_cast %get3A_600 : i32 to index
        %get3A_602 = arith.index_cast %add3A_599 : i32 to index
        %get3A_603 = arith.constant 16 : index
        %get3A_604 = tpu.vector_load %arg6[%get3A_601, %get3A_602, %get3A_603] {strides = array<i32>} : memref<3x264x64xi32, #tpu.memory_space<vmem>>, vector<16xi32>,
        %shift_left3A_605 = arith.constant 16 : i32
        %shift_left3A_606 = vector.broadcast %shift_left3A_605 : i32 to vector<16xi32>
        %shift_left3A_607 = arith.shli %get3A_604, %shift_left3A_606 : vector<16xi32>
        %bitcast_convert_type3A_608 = tpu.bitcast %shift_left3A_607 : vector<16xi32> -> vector<16xf32>
        %add3A_609 = arith.addf %add3A_593, %bitcast_convert_type3A_608 : vector<16xf32>
        %bitcast_convert_type3A_610 = tpu.bitcast %get3A_604 : vector<16xi32> -> vector<16xf32>
        %add3A_611 = arith.addf %add3A_595, %bitcast_convert_type3A_610 : vector<16xf32>
        %mul3A_612 = arith.constant 128 : i32
        %mul3A_613 = arith.muli %scan3A_249, %mul3A_612 : i32
        %add3A_614 = arith.constant 16 : i32
        %add3A_615 = arith.addi %mul3A_613, %add3A_614 : i32
        %swap3A_616 = arith.constant 0 : i32
        %swap3A_617 = arith.index_cast %swap3A_616 : i32 to index
        %swap3A_618 = arith.index_cast %add3A_615 : i32 to index
        %swap3A_619 = tpu.vector_load %arg7[%swap3A_617, %swap3A_618] {strides = array<i32>} : memref<3x3072xf32, #tpu.memory_space<vmem>>, vector<16xf32>,
        tpu.vector_store %arg7[%swap3A_617, %swap3A_618], %add3A_609 {strides = array<i32>} : memref<3x3072xf32, #tpu.memory_space<vmem>>, vector<16xf32>,
        %mul3A_620 = arith.constant 128 : i32
        %mul3A_621 = arith.muli %scan3A_249, %mul3A_620 : i32
        %add3A_622 = arith.constant 64 : i32
        %add3A_623 = arith.addi %mul3A_621, %add3A_622 : i32
        %add3A_624 = arith.constant 16 : i32
        %add3A_625 = arith.addi %add3A_623, %add3A_624 : i32
        %swap3A_626 = arith.constant 0 : i32
        %swap3A_627 = arith.index_cast %swap3A_626 : i32 to index
        %swap3A_628 = arith.index_cast %add3A_625 : i32 to index
        %swap3A_629 = tpu.vector_load %arg7[%swap3A_627, %swap3A_628] {strides = array<i32>} : memref<3x3072xf32, #tpu.memory_space<vmem>>, vector<16xf32>,
        tpu.vector_store %arg7[%swap3A_627, %swap3A_628], %add3A_611 {strides = array<i32>} : memref<3x3072xf32, #tpu.memory_space<vmem>>, vector<16xf32>,
        %mul3A_630 = arith.constant 11 : i32
        %mul3A_631 = arith.muli %scan3A_249, %mul3A_630 : i32
        %add3A_632 = arith.constant 0 : i32
        %add3A_633 = arith.addi %mul3A_631, %add3A_632 : i32
        %get3A_634 = arith.constant 0 : i32
        %get3A_635 = arith.index_cast %get3A_634 : i32 to index
        %get3A_636 = arith.index_cast %add3A_633 : i32 to index
        %get3A_637 = arith.constant 32 : index
        %get3A_638 = tpu.vector_load %arg6[%get3A_635, %get3A_636, %get3A_637] {strides = array<i32>} : memref<3x264x64xi32, #tpu.memory_space<vmem>>, vector<16xi32>,
        %shift_left3A_639 = arith.constant 16 : i32
        %shift_left3A_640 = vector.broadcast %shift_left3A_639 : i32 to vector<16xi32>
        %shift_left3A_641 = arith.shli %get3A_638, %shift_left3A_640 : vector<16xi32>
        %bitcast_convert_type3A_642 = tpu.bitcast %shift_left3A_641 : vector<16xi32> -> vector<16xf32>
        %bitcast_convert_type3A_643 = tpu.bitcast %get3A_638 : vector<16xi32> -> vector<16xf32>
        %mul3A_644 = arith.constant 11 : i32
        %mul3A_645 = arith.muli %scan3A_249, %mul3A_644 : i32
        %add3A_646 = arith.constant 1 : i32
        %add3A_647 = arith.addi %mul3A_645, %add3A_646 : i32
        %get3A_648 = arith.constant 0 : i32
        %get3A_649 = arith.index_cast %get3A_648 : i32 to index
        %get3A_650 = arith.index_cast %add3A_647 : i32 to index
        %get3A_651 = arith.constant 32 : index
        %get3A_652 = tpu.vector_load %arg6[%get3A_649, %get3A_650, %get3A_651] {strides = array<i32>} : memref<3x264x64xi32, #tpu.memory_space<vmem>>, vector<16xi32>,
        %shift_left3A_653 = arith.constant 16 : i32
        %shift_left3A_654 = vector.broadcast %shift_left3A_653 : i32 to vector<16xi32>
        %shift_left3A_655 = arith.shli %get3A_652, %shift_left3A_654 : vector<16xi32>
        %bitcast_convert_type3A_656 = tpu.bitcast %shift_left3A_655 : vector<16xi32> -> vector<16xf32>
        %add3A_657 = arith.addf %bitcast_convert_type3A_642, %bitcast_convert_type3A_656 : vector<16xf32>
        %bitcast_convert_type3A_658 = tpu.bitcast %get3A_652 : vector<16xi32> -> vector<16xf32>
        %add3A_659 = arith.addf %bitcast_convert_type3A_643, %bitcast_convert_type3A_658 : vector<16xf32>
        %mul3A_660 = arith.constant 11 : i32
        %mul3A_661 = arith.muli %scan3A_249, %mul3A_660 : i32
        %add3A_662 = arith.constant 2 : i32
        %add3A_663 = arith.addi %mul3A_661, %add3A_662 : i32
        %get3A_664 = arith.constant 0 : i32
        %get3A_665 = arith.index_cast %get3A_664 : i32 to index
        %get3A_666 = arith.index_cast %add3A_663 : i32 to index
        %get3A_667 = arith.constant 32 : index
        %get3A_668 = tpu.vector_load %arg6[%get3A_665, %get3A_666, %get3A_667] {strides = array<i32>} : memref<3x264x64xi32, #tpu.memory_space<vmem>>, vector<16xi32>,
        %shift_left3A_669 = arith.constant 16 : i32
        %shift_left3A_670 = vector.broadcast %shift_left3A_669 : i32 to vector<16xi32>
        %shift_left3A_671 = arith.shli %get3A_668, %shift_left3A_670 : vector<16xi32>
        %bitcast_convert_type3A_672 = tpu.bitcast %shift_left3A_671 : vector<16xi32> -> vector<16xf32>
        %add3A_673 = arith.addf %add3A_657, %bitcast_convert_type3A_672 : vector<16xf32>
        %bitcast_convert_type3A_674 = tpu.bitcast %get3A_668 : vector<16xi32> -> vector<16xf32>
        %add3A_675 = arith.addf %add3A_659, %bitcast_convert_type3A_674 : vector<16xf32>
        %mul3A_676 = arith.constant 11 : i32
        %mul3A_677 = arith.muli %scan3A_249, %mul3A_676 : i32
        %add3A_678 = arith.constant 3 : i32
        %add3A_679 = arith.addi %mul3A_677, %add3A_678 : i32
        %get3A_680 = arith.constant 0 : i32
        %get3A_681 = arith.index_cast %get3A_680 : i32 to index
        %get3A_682 = arith.index_cast %add3A_679 : i32 to index
        %get3A_683 = arith.constant 32 : index
        %get3A_684 = tpu.vector_load %arg6[%get3A_681, %get3A_682, %get3A_683] {strides = array<i32>} : memref<3x264x64xi32, #tpu.memory_space<vmem>>, vector<16xi32>,
        %shift_left3A_685 = arith.constant 16 : i32
        %shift_left3A_686 = vector.broadcast %shift_left3A_685 : i32 to vector<16xi32>
        %shift_left3A_687 = arith.shli %get3A_684, %shift_left3A_686 : vector<16xi32>
        %bitcast_convert_type3A_688 = tpu.bitcast %shift_left3A_687 : vector<16xi32> -> vector<16xf32>
        %add3A_689 = arith.addf %add3A_673, %bitcast_convert_type3A_688 : vector<16xf32>
        %bitcast_convert_type3A_690 = tpu.bitcast %get3A_684 : vector<16xi32> -> vector<16xf32>
        %add3A_691 = arith.addf %add3A_675, %bitcast_convert_type3A_690 : vector<16xf32>
        %mul3A_692 = arith.constant 11 : i32
        %mul3A_693 = arith.muli %scan3A_249, %mul3A_692 : i32
        %add3A_694 = arith.constant 4 : i32
        %add3A_695 = arith.addi %mul3A_693, %add3A_694 : i32
        %get3A_696 = arith.constant 0 : i32
        %get3A_697 = arith.index_cast %get3A_696 : i32 to index
        %get3A_698 = arith.index_cast %add3A_695 : i32 to index
        %get3A_699 = arith.constant 32 : index
        %get3A_700 = tpu.vector_load %arg6[%get3A_697, %get3A_698, %get3A_699] {strides = array<i32>} : memref<3x264x64xi32, #tpu.memory_space<vmem>>, vector<16xi32>,
        %shift_left3A_701 = arith.constant 16 : i32
        %shift_left3A_702 = vector.broadcast %shift_left3A_701 : i32 to vector<16xi32>
        %shift_left3A_703 = arith.shli %get3A_700, %shift_left3A_702 : vector<16xi32>
        %bitcast_convert_type3A_704 = tpu.bitcast %shift_left3A_703 : vector<16xi32> -> vector<16xf32>
        %add3A_705 = arith.addf %add3A_689, %bitcast_convert_type3A_704 : vector<16xf32>
        %bitcast_convert_type3A_706 = tpu.bitcast %get3A_700 : vector<16xi32> -> vector<16xf32>
        %add3A_707 = arith.addf %add3A_691, %bitcast_convert_type3A_706 : vector<16xf32>
        %mul3A_708 = arith.constant 11 : i32
        %mul3A_709 = arith.muli %scan3A_249, %mul3A_708 : i32
        %add3A_710 = arith.constant 5 : i32
        %add3A_711 = arith.addi %mul3A_709, %add3A_710 : i32
        %get3A_712 = arith.constant 0 : i32
        %get3A_713 = arith.index_cast %get3A_712 : i32 to index
        %get3A_714 = arith.index_cast %add3A_711 : i32 to index
        %get3A_715 = arith.constant 32 : index
        %get3A_716 = tpu.vector_load %arg6[%get3A_713, %get3A_714, %get3A_715] {strides = array<i32>} : memref<3x264x64xi32, #tpu.memory_space<vmem>>, vector<16xi32>,
        %shift_left3A_717 = arith.constant 16 : i32
        %shift_left3A_718 = vector.broadcast %shift_left3A_717 : i32 to vector<16xi32>
        %shift_left3A_719 = arith.shli %get3A_716, %shift_left3A_718 : vector<16xi32>
        %bitcast_convert_type3A_720 = tpu.bitcast %shift_left3A_719 : vector<16xi32> -> vector<16xf32>
        %add3A_721 = arith.addf %add3A_705, %bitcast_convert_type3A_720 : vector<16xf32>
        %bitcast_convert_type3A_722 = tpu.bitcast %get3A_716 : vector<16xi32> -> vector<16xf32>
        %add3A_723 = arith.addf %add3A_707, %bitcast_convert_type3A_722 : vector<16xf32>
        %mul3A_724 = arith.constant 11 : i32
        %mul3A_725 = arith.muli %scan3A_249, %mul3A_724 : i32
        %add3A_726 = arith.constant 6 : i32
        %add3A_727 = arith.addi %mul3A_725, %add3A_726 : i32
        %get3A_728 = arith.constant 0 : i32
        %get3A_729 = arith.index_cast %get3A_728 : i32 to index
        %get3A_730 = arith.index_cast %add3A_727 : i32 to index
        %get3A_731 = arith.constant 32 : index
        %get3A_732 = tpu.vector_load %arg6[%get3A_729, %get3A_730, %get3A_731] {strides = array<i32>} : memref<3x264x64xi32, #tpu.memory_space<vmem>>, vector<16xi32>,
        %shift_left3A_733 = arith.constant 16 : i32
        %shift_left3A_734 = vector.broadcast %shift_left3A_733 : i32 to vector<16xi32>
        %shift_left3A_735 = arith.shli %get3A_732, %shift_left3A_734 : vector<16xi32>
        %bitcast_convert_type3A_736 = tpu.bitcast %shift_left3A_735 : vector<16xi32> -> vector<16xf32>
        %add3A_737 = arith.addf %add3A_721, %bitcast_convert_type3A_736 : vector<16xf32>
        %bitcast_convert_type3A_738 = tpu.bitcast %get3A_732 : vector<16xi32> -> vector<16xf32>
        %add3A_739 = arith.addf %add3A_723, %bitcast_convert_type3A_738 : vector<16xf32>
        %mul3A_740 = arith.constant 11 : i32
        %mul3A_741 = arith.muli %scan3A_249, %mul3A_740 : i32
        %add3A_742 = arith.constant 7 : i32
        %add3A_743 = arith.addi %mul3A_741, %add3A_742 : i32
        %get3A_744 = arith.constant 0 : i32
        %get3A_745 = arith.index_cast %get3A_744 : i32 to index
        %get3A_746 = arith.index_cast %add3A_743 : i32 to index
        %get3A_747 = arith.constant 32 : index
        %get3A_748 = tpu.vector_load %arg6[%get3A_745, %get3A_746, %get3A_747] {strides = array<i32>} : memref<3x264x64xi32, #tpu.memory_space<vmem>>, vector<16xi32>,
        %shift_left3A_749 = arith.constant 16 : i32
        %shift_left3A_750 = vector.broadcast %shift_left3A_749 : i32 to vector<16xi32>
        %shift_left3A_751 = arith.shli %get3A_748, %shift_left3A_750 : vector<16xi32>
        %bitcast_convert_type3A_752 = tpu.bitcast %shift_left3A_751 : vector<16xi32> -> vector<16xf32>
        %add3A_753 = arith.addf %add3A_737, %bitcast_convert_type3A_752 : vector<16xf32>
        %bitcast_convert_type3A_754 = tpu.bitcast %get3A_748 : vector<16xi32> -> vector<16xf32>
        %add3A_755 = arith.addf %add3A_739, %bitcast_convert_type3A_754 : vector<16xf32>
        %mul3A_756 = arith.constant 11 : i32
        %mul3A_757 = arith.muli %scan3A_249, %mul3A_756 : i32
        %add3A_758 = arith.constant 8 : i32
        %add3A_759 = arith.addi %mul3A_757, %add3A_758 : i32
        %get3A_760 = arith.constant 0 : i32
        %get3A_761 = arith.index_cast %get3A_760 : i32 to index
        %get3A_762 = arith.index_cast %add3A_759 : i32 to index
        %get3A_763 = arith.constant 32 : index
        %get3A_764 = tpu.vector_load %arg6[%get3A_761, %get3A_762, %get3A_763] {strides = array<i32>} : memref<3x264x64xi32, #tpu.memory_space<vmem>>, vector<16xi32>,
        %shift_left3A_765 = arith.constant 16 : i32
        %shift_left3A_766 = vector.broadcast %shift_left3A_765 : i32 to vector<16xi32>
        %shift_left3A_767 = arith.shli %get3A_764, %shift_left3A_766 : vector<16xi32>
        %bitcast_convert_type3A_768 = tpu.bitcast %shift_left3A_767 : vector<16xi32> -> vector<16xf32>
        %add3A_769 = arith.addf %add3A_753, %bitcast_convert_type3A_768 : vector<16xf32>
        %bitcast_convert_type3A_770 = tpu.bitcast %get3A_764 : vector<16xi32> -> vector<16xf32>
        %add3A_771 = arith.addf %add3A_755, %bitcast_convert_type3A_770 : vector<16xf32>
        %mul3A_772 = arith.constant 11 : i32
        %mul3A_773 = arith.muli %scan3A_249, %mul3A_772 : i32
        %add3A_774 = arith.constant 9 : i32
        %add3A_775 = arith.addi %mul3A_773, %add3A_774 : i32
        %get3A_776 = arith.constant 0 : i32
        %get3A_777 = arith.index_cast %get3A_776 : i32 to index
        %get3A_778 = arith.index_cast %add3A_775 : i32 to index
        %get3A_779 = arith.constant 32 : index
        %get3A_780 = tpu.vector_load %arg6[%get3A_777, %get3A_778, %get3A_779] {strides = array<i32>} : memref<3x264x64xi32, #tpu.memory_space<vmem>>, vector<16xi32>,
        %shift_left3A_781 = arith.constant 16 : i32
        %shift_left3A_782 = vector.broadcast %shift_left3A_781 : i32 to vector<16xi32>
        %shift_left3A_783 = arith.shli %get3A_780, %shift_left3A_782 : vector<16xi32>
        %bitcast_convert_type3A_784 = tpu.bitcast %shift_left3A_783 : vector<16xi32> -> vector<16xf32>
        %add3A_785 = arith.addf %add3A_769, %bitcast_convert_type3A_784 : vector<16xf32>
        %bitcast_convert_type3A_786 = tpu.bitcast %get3A_780 : vector<16xi32> -> vector<16xf32>
        %add3A_787 = arith.addf %add3A_771, %bitcast_convert_type3A_786 : vector<16xf32>
        %mul3A_788 = arith.constant 11 : i32
        %mul3A_789 = arith.muli %scan3A_249, %mul3A_788 : i32
        %add3A_790 = arith.constant 10 : i32
        %add3A_791 = arith.addi %mul3A_789, %add3A_790 : i32
        %get3A_792 = arith.constant 0 : i32
        %get3A_793 = arith.index_cast %get3A_792 : i32 to index
        %get3A_794 = arith.index_cast %add3A_791 : i32 to index
        %get3A_795 = arith.constant 32 : index
        %get3A_796 = tpu.vector_load %arg6[%get3A_793, %get3A_794, %get3A_795] {strides = array<i32>} : memref<3x264x64xi32, #tpu.memory_space<vmem>>, vector<16xi32>,
        %shift_left3A_797 = arith.constant 16 : i32
        %shift_left3A_798 = vector.broadcast %shift_left3A_797 : i32 to vector<16xi32>
        %shift_left3A_799 = arith.shli %get3A_796, %shift_left3A_798 : vector<16xi32>
        %bitcast_convert_type3A_800 = tpu.bitcast %shift_left3A_799 : vector<16xi32> -> vector<16xf32>
        %add3A_801 = arith.addf %add3A_785, %bitcast_convert_type3A_800 : vector<16xf32>
        %bitcast_convert_type3A_802 = tpu.bitcast %get3A_796 : vector<16xi32> -> vector<16xf32>
        %add3A_803 = arith.addf %add3A_787, %bitcast_convert_type3A_802 : vector<16xf32>
        %mul3A_804 = arith.constant 128 : i32
        %mul3A_805 = arith.muli %scan3A_249, %mul3A_804 : i32
        %add3A_806 = arith.constant 32 : i32
        %add3A_807 = arith.addi %mul3A_805, %add3A_806 : i32
        %swap3A_808 = arith.constant 0 : i32
        %swap3A_809 = arith.index_cast %swap3A_808 : i32 to index
        %swap3A_810 = arith.index_cast %add3A_807 : i32 to index
        %swap3A_811 = tpu.vector_load %arg7[%swap3A_809, %swap3A_810] {strides = array<i32>} : memref<3x3072xf32, #tpu.memory_space<vmem>>, vector<16xf32>,
        tpu.vector_store %arg7[%swap3A_809, %swap3A_810], %add3A_801 {strides = array<i32>} : memref<3x3072xf32, #tpu.memory_space<vmem>>, vector<16xf32>,
        %mul3A_812 = arith.constant 128 : i32
        %mul3A_813 = arith.muli %scan3A_249, %mul3A_812 : i32
        %add3A_814 = arith.constant 64 : i32
        %add3A_815 = arith.addi %mul3A_813, %add3A_814 : i32
        %add3A_816 = arith.constant 32 : i32
        %add3A_817 = arith.addi %add3A_815, %add3A_816 : i32
        %swap3A_818 = arith.constant 0 : i32
        %swap3A_819 = arith.index_cast %swap3A_818 : i32 to index
        %swap3A_820 = arith.index_cast %add3A_817 : i32 to index
        %swap3A_821 = tpu.vector_load %arg7[%swap3A_819, %swap3A_820] {strides = array<i32>} : memref<3x3072xf32, #tpu.memory_space<vmem>>, vector<16xf32>,
        tpu.vector_store %arg7[%swap3A_819, %swap3A_820], %add3A_803 {strides = array<i32>} : memref<3x3072xf32, #tpu.memory_space<vmem>>, vector<16xf32>,
        %mul3A_822 = arith.constant 11 : i32
        %mul3A_823 = arith.muli %scan3A_249, %mul3A_822 : i32
        %add3A_824 = arith.constant 0 : i32
        %add3A_825 = arith.addi %mul3A_823, %add3A_824 : i32
        %get3A_826 = arith.constant 0 : i32
        %get3A_827 = arith.index_cast %get3A_826 : i32 to index
        %get3A_828 = arith.index_cast %add3A_825 : i32 to index
        %get3A_829 = arith.constant 48 : index
        %get3A_830 = tpu.vector_load %arg6[%get3A_827, %get3A_828, %get3A_829] {strides = array<i32>} : memref<3x264x64xi32, #tpu.memory_space<vmem>>, vector<16xi32>,
        %shift_left3A_831 = arith.constant 16 : i32
        %shift_left3A_832 = vector.broadcast %shift_left3A_831 : i32 to vector<16xi32>
        %shift_left3A_833 = arith.shli %get3A_830, %shift_left3A_832 : vector<16xi32>
        %bitcast_convert_type3A_834 = tpu.bitcast %shift_left3A_833 : vector<16xi32> -> vector<16xf32>
        %bitcast_convert_type3A_835 = tpu.bitcast %get3A_830 : vector<16xi32> -> vector<16xf32>
        %mul3A_836 = arith.constant 11 : i32
        %mul3A_837 = arith.muli %scan3A_249, %mul3A_836 : i32
        %add3A_838 = arith.constant 1 : i32
        %add3A_839 = arith.addi %mul3A_837, %add3A_838 : i32
        %get3A_840 = arith.constant 0 : i32
        %get3A_841 = arith.index_cast %get3A_840 : i32 to index
        %get3A_842 = arith.index_cast %add3A_839 : i32 to index
        %get3A_843 = arith.constant 48 : index
        %get3A_844 = tpu.vector_load %arg6[%get3A_841, %get3A_842, %get3A_843] {strides = array<i32>} : memref<3x264x64xi32, #tpu.memory_space<vmem>>, vector<16xi32>,
        %shift_left3A_845 = arith.constant 16 : i32
        %shift_left3A_846 = vector.broadcast %shift_left3A_845 : i32 to vector<16xi32>
        %shift_left3A_847 = arith.shli %get3A_844, %shift_left3A_846 : vector<16xi32>
        %bitcast_convert_type3A_848 = tpu.bitcast %shift_left3A_847 : vector<16xi32> -> vector<16xf32>
        %add3A_849 = arith.addf %bitcast_convert_type3A_834, %bitcast_convert_type3A_848 : vector<16xf32>
        %bitcast_convert_type3A_850 = tpu.bitcast %get3A_844 : vector<16xi32> -> vector<16xf32>
        %add3A_851 = arith.addf %bitcast_convert_type3A_835, %bitcast_convert_type3A_850 : vector<16xf32>
        %mul3A_852 = arith.constant 11 : i32
        %mul3A_853 = arith.muli %scan3A_249, %mul3A_852 : i32
        %add3A_854 = arith.constant 2 : i32
        %add3A_855 = arith.addi %mul3A_853, %add3A_854 : i32
        %get3A_856 = arith.constant 0 : i32
        %get3A_857 = arith.index_cast %get3A_856 : i32 to index
        %get3A_858 = arith.index_cast %add3A_855 : i32 to index
        %get3A_859 = arith.constant 48 : index
        %get3A_860 = tpu.vector_load %arg6[%get3A_857, %get3A_858, %get3A_859] {strides = array<i32>} : memref<3x264x64xi32, #tpu.memory_space<vmem>>, vector<16xi32>,
        %shift_left3A_861 = arith.constant 16 : i32
        %shift_left3A_862 = vector.broadcast %shift_left3A_861 : i32 to vector<16xi32>
        %shift_left3A_863 = arith.shli %get3A_860, %shift_left3A_862 : vector<16xi32>
        %bitcast_convert_type3A_864 = tpu.bitcast %shift_left3A_863 : vector<16xi32> -> vector<16xf32>
        %add3A_865 = arith.addf %add3A_849, %bitcast_convert_type3A_864 : vector<16xf32>
        %bitcast_convert_type3A_866 = tpu.bitcast %get3A_860 : vector<16xi32> -> vector<16xf32>
        %add3A_867 = arith.addf %add3A_851, %bitcast_convert_type3A_866 : vector<16xf32>
        %mul3A_868 = arith.constant 11 : i32
        %mul3A_869 = arith.muli %scan3A_249, %mul3A_868 : i32
        %add3A_870 = arith.constant 3 : i32
        %add3A_871 = arith.addi %mul3A_869, %add3A_870 : i32
        %get3A_872 = arith.constant 0 : i32
        %get3A_873 = arith.index_cast %get3A_872 : i32 to index
        %get3A_874 = arith.index_cast %add3A_871 : i32 to index
        %get3A_875 = arith.constant 48 : index
        %get3A_876 = tpu.vector_load %arg6[%get3A_873, %get3A_874, %get3A_875] {strides = array<i32>} : memref<3x264x64xi32, #tpu.memory_space<vmem>>, vector<16xi32>,
        %shift_left3A_877 = arith.constant 16 : i32
        %shift_left3A_878 = vector.broadcast %shift_left3A_877 : i32 to vector<16xi32>
        %shift_left3A_879 = arith.shli %get3A_876, %shift_left3A_878 : vector<16xi32>
        %bitcast_convert_type3A_880 = tpu.bitcast %shift_left3A_879 : vector<16xi32> -> vector<16xf32>
        %add3A_881 = arith.addf %add3A_865, %bitcast_convert_type3A_880 : vector<16xf32>
        %bitcast_convert_type3A_882 = tpu.bitcast %get3A_876 : vector<16xi32> -> vector<16xf32>
        %add3A_883 = arith.addf %add3A_867, %bitcast_convert_type3A_882 : vector<16xf32>
        %mul3A_884 = arith.constant 11 : i32
        %mul3A_885 = arith.muli %scan3A_249, %mul3A_884 : i32
        %add3A_886 = arith.constant 4 : i32
        %add3A_887 = arith.addi %mul3A_885, %add3A_886 : i32
        %get3A_888 = arith.constant 0 : i32
        %get3A_889 = arith.index_cast %get3A_888 : i32 to index
        %get3A_890 = arith.index_cast %add3A_887 : i32 to index
        %get3A_891 = arith.constant 48 : index
        %get3A_892 = tpu.vector_load %arg6[%get3A_889, %get3A_890, %get3A_891] {strides = array<i32>} : memref<3x264x64xi32, #tpu.memory_space<vmem>>, vector<16xi32>,
        %shift_left3A_893 = arith.constant 16 : i32
        %shift_left3A_894 = vector.broadcast %shift_left3A_893 : i32 to vector<16xi32>
        %shift_left3A_895 = arith.shli %get3A_892, %shift_left3A_894 : vector<16xi32>
        %bitcast_convert_type3A_896 = tpu.bitcast %shift_left3A_895 : vector<16xi32> -> vector<16xf32>
        %add3A_897 = arith.addf %add3A_881, %bitcast_convert_type3A_896 : vector<16xf32>
        %bitcast_convert_type3A_898 = tpu.bitcast %get3A_892 : vector<16xi32> -> vector<16xf32>
        %add3A_899 = arith.addf %add3A_883, %bitcast_convert_type3A_898 : vector<16xf32>
        %mul3A_900 = arith.constant 11 : i32
        %mul3A_901 = arith.muli %scan3A_249, %mul3A_900 : i32
        %add3A_902 = arith.constant 5 : i32
        %add3A_903 = arith.addi %mul3A_901, %add3A_902 : i32
        %get3A_904 = arith.constant 0 : i32
        %get3A_905 = arith.index_cast %get3A_904 : i32 to index
        %get3A_906 = arith.index_cast %add3A_903 : i32 to index
        %get3A_907 = arith.constant 48 : index
        %get3A_908 = tpu.vector_load %arg6[%get3A_905, %get3A_906, %get3A_907] {strides = array<i32>} : memref<3x264x64xi32, #tpu.memory_space<vmem>>, vector<16xi32>,
        %shift_left3A_909 = arith.constant 16 : i32
        %shift_left3A_910 = vector.broadcast %shift_left3A_909 : i32 to vector<16xi32>
        %shift_left3A_911 = arith.shli %get3A_908, %shift_left3A_910 : vector<16xi32>
        %bitcast_convert_type3A_912 = tpu.bitcast %shift_left3A_911 : vector<16xi32> -> vector<16xf32>
        %add3A_913 = arith.addf %add3A_897, %bitcast_convert_type3A_912 : vector<16xf32>
        %bitcast_convert_type3A_914 = tpu.bitcast %get3A_908 : vector<16xi32> -> vector<16xf32>
        %add3A_915 = arith.addf %add3A_899, %bitcast_convert_type3A_914 : vector<16xf32>
        %mul3A_916 = arith.constant 11 : i32
        %mul3A_917 = arith.muli %scan3A_249, %mul3A_916 : i32
        %add3A_918 = arith.constant 6 : i32
        %add3A_919 = arith.addi %mul3A_917, %add3A_918 : i32
        %get3A_920 = arith.constant 0 : i32
        %get3A_921 = arith.index_cast %get3A_920 : i32 to index
        %get3A_922 = arith.index_cast %add3A_919 : i32 to index
        %get3A_923 = arith.constant 48 : index
        %get3A_924 = tpu.vector_load %arg6[%get3A_921, %get3A_922, %get3A_923] {strides = array<i32>} : memref<3x264x64xi32, #tpu.memory_space<vmem>>, vector<16xi32>,
        %shift_left3A_925 = arith.constant 16 : i32
        %shift_left3A_926 = vector.broadcast %shift_left3A_925 : i32 to vector<16xi32>
        %shift_left3A_927 = arith.shli %get3A_924, %shift_left3A_926 : vector<16xi32>
        %bitcast_convert_type3A_928 = tpu.bitcast %shift_left3A_927 : vector<16xi32> -> vector<16xf32>
        %add3A_929 = arith.addf %add3A_913, %bitcast_convert_type3A_928 : vector<16xf32>
        %bitcast_convert_type3A_930 = tpu.bitcast %get3A_924 : vector<16xi32> -> vector<16xf32>
        %add3A_931 = arith.addf %add3A_915, %bitcast_convert_type3A_930 : vector<16xf32>
        %mul3A_932 = arith.constant 11 : i32
        %mul3A_933 = arith.muli %scan3A_249, %mul3A_932 : i32
        %add3A_934 = arith.constant 7 : i32
        %add3A_935 = arith.addi %mul3A_933, %add3A_934 : i32
        %get3A_936 = arith.constant 0 : i32
        %get3A_937 = arith.index_cast %get3A_936 : i32 to index
        %get3A_938 = arith.index_cast %add3A_935 : i32 to index
        %get3A_939 = arith.constant 48 : index
        %get3A_940 = tpu.vector_load %arg6[%get3A_937, %get3A_938, %get3A_939] {strides = array<i32>} : memref<3x264x64xi32, #tpu.memory_space<vmem>>, vector<16xi32>,
        %shift_left3A_941 = arith.constant 16 : i32
        %shift_left3A_942 = vector.broadcast %shift_left3A_941 : i32 to vector<16xi32>
        %shift_left3A_943 = arith.shli %get3A_940, %shift_left3A_942 : vector<16xi32>
        %bitcast_convert_type3A_944 = tpu.bitcast %shift_left3A_943 : vector<16xi32> -> vector<16xf32>
        %add3A_945 = arith.addf %add3A_929, %bitcast_convert_type3A_944 : vector<16xf32>
        %bitcast_convert_type3A_946 = tpu.bitcast %get3A_940 : vector<16xi32> -> vector<16xf32>
        %add3A_947 = arith.addf %add3A_931, %bitcast_convert_type3A_946 : vector<16xf32>
        %mul3A_948 = arith.constant 11 : i32
        %mul3A_949 = arith.muli %scan3A_249, %mul3A_948 : i32
        %add3A_950 = arith.constant 8 : i32
        %add3A_951 = arith.addi %mul3A_949, %add3A_950 : i32
        %get3A_952 = arith.constant 0 : i32
        %get3A_953 = arith.index_cast %get3A_952 : i32 to index
        %get3A_954 = arith.index_cast %add3A_951 : i32 to index
        %get3A_955 = arith.constant 48 : index
        %get3A_956 = tpu.vector_load %arg6[%get3A_953, %get3A_954, %get3A_955] {strides = array<i32>} : memref<3x264x64xi32, #tpu.memory_space<vmem>>, vector<16xi32>,
        %shift_left3A_957 = arith.constant 16 : i32
        %shift_left3A_958 = vector.broadcast %shift_left3A_957 : i32 to vector<16xi32>
        %shift_left3A_959 = arith.shli %get3A_956, %shift_left3A_958 : vector<16xi32>
        %bitcast_convert_type3A_960 = tpu.bitcast %shift_left3A_959 : vector<16xi32> -> vector<16xf32>
        %add3A_961 = arith.addf %add3A_945, %bitcast_convert_type3A_960 : vector<16xf32>
        %bitcast_convert_type3A_962 = tpu.bitcast %get3A_956 : vector<16xi32> -> vector<16xf32>
        %add3A_963 = arith.addf %add3A_947, %bitcast_convert_type3A_962 : vector<16xf32>
        %mul3A_964 = arith.constant 11 : i32
        %mul3A_965 = arith.muli %scan3A_249, %mul3A_964 : i32
        %add3A_966 = arith.constant 9 : i32
        %add3A_967 = arith.addi %mul3A_965, %add3A_966 : i32
        %get3A_968 = arith.constant 0 : i32
        %get3A_969 = arith.index_cast %get3A_968 : i32 to index
        %get3A_970 = arith.index_cast %add3A_967 : i32 to index
        %get3A_971 = arith.constant 48 : index
        %get3A_972 = tpu.vector_load %arg6[%get3A_969, %get3A_970, %get3A_971] {strides = array<i32>} : memref<3x264x64xi32, #tpu.memory_space<vmem>>, vector<16xi32>,
        %shift_left3A_973 = arith.constant 16 : i32
        %shift_left3A_974 = vector.broadcast %shift_left3A_973 : i32 to vector<16xi32>
        %shift_left3A_975 = arith.shli %get3A_972, %shift_left3A_974 : vector<16xi32>
        %bitcast_convert_type3A_976 = tpu.bitcast %shift_left3A_975 : vector<16xi32> -> vector<16xf32>
        %add3A_977 = arith.addf %add3A_961, %bitcast_convert_type3A_976 : vector<16xf32>
        %bitcast_convert_type3A_978 = tpu.bitcast %get3A_972 : vector<16xi32> -> vector<16xf32>
        %add3A_979 = arith.addf %add3A_963, %bitcast_convert_type3A_978 : vector<16xf32>
        %mul3A_980 = arith.constant 11 : i32
        %mul3A_981 = arith.muli %scan3A_249, %mul3A_980 : i32
        %add3A_982 = arith.constant 10 : i32
        %add3A_983 = arith.addi %mul3A_981, %add3A_982 : i32
        %get3A_984 = arith.constant 0 : i32
        %get3A_985 = arith.index_cast %get3A_984 : i32 to index
        %get3A_986 = arith.index_cast %add3A_983 : i32 to index
        %get3A_987 = arith.constant 48 : index
        %get3A_988 = tpu.vector_load %arg6[%get3A_985, %get3A_986, %get3A_987] {strides = array<i32>} : memref<3x264x64xi32, #tpu.memory_space<vmem>>, vector<16xi32>,
        %shift_left3A_989 = arith.constant 16 : i32
        %shift_left3A_990 = vector.broadcast %shift_left3A_989 : i32 to vector<16xi32>
        %shift_left3A_991 = arith.shli %get3A_988, %shift_left3A_990 : vector<16xi32>
        %bitcast_convert_type3A_992 = tpu.bitcast %shift_left3A_991 : vector<16xi32> -> vector<16xf32>
        %add3A_993 = arith.addf %add3A_977, %bitcast_convert_type3A_992 : vector<16xf32>
        %bitcast_convert_type3A_994 = tpu.bitcast %get3A_988 : vector<16xi32> -> vector<16xf32>
        %add3A_995 = arith.addf %add3A_979, %bitcast_convert_type3A_994 : vector<16xf32>
        %mul3A_996 = arith.constant 128 : i32
        %mul3A_997 = arith.muli %scan3A_249, %mul3A_996 : i32
        %add3A_998 = arith.constant 48 : i32
        %add3A_999 = arith.addi %mul3A_997, %add3A_998 : i32
        %swap3A_1000 = arith.constant 0 : i32
        %swap3A_1001 = arith.index_cast %swap3A_1000 : i32 to index
        %swap3A_1002 = arith.index_cast %add3A_999 : i32 to index
        %swap3A_1003 = tpu.vector_load %arg7[%swap3A_1001, %swap3A_1002] {strides = array<i32>} : memref<3x3072xf32, #tpu.memory_space<vmem>>, vector<16xf32>,
        tpu.vector_store %arg7[%swap3A_1001, %swap3A_1002], %add3A_993 {strides = array<i32>} : memref<3x3072xf32, #tpu.memory_space<vmem>>, vector<16xf32>,
        %mul3A_1004 = arith.constant 128 : i32
        %mul3A_1005 = arith.muli %scan3A_249, %mul3A_1004 : i32
        %add3A_1006 = arith.constant 64 : i32
        %add3A_1007 = arith.addi %mul3A_1005, %add3A_1006 : i32
        %add3A_1008 = arith.constant 48 : i32
        %add3A_1009 = arith.addi %add3A_1007, %add3A_1008 : i32
        %swap3A_1010 = arith.constant 0 : i32
        %swap3A_1011 = arith.index_cast %swap3A_1010 : i32 to index
        %swap3A_1012 = arith.index_cast %add3A_1009 : i32 to index
        %swap3A_1013 = tpu.vector_load %arg7[%swap3A_1011, %swap3A_1012] {strides = array<i32>} : memref<3x3072xf32, #tpu.memory_space<vmem>>, vector<16xf32>,
        tpu.vector_store %arg7[%swap3A_1011, %swap3A_1012], %add3A_995 {strides = array<i32>} : memref<3x3072xf32, #tpu.memory_space<vmem>>, vector<16xf32>,
      }
      %scan3A_113 = arith.constant 24 : i32
      %mul3A_114 = arith.constant 1584 : i32
      %mul3A_115 = arith.muli %add3A, %mul3A_114 : i32
      %mul3A_116 = arith.constant 24 : i32
      %mul3A_117 = arith.muli %add3A_91, %mul3A_116 : i32
      %add3A_118 = arith.addi %mul3A_115, %mul3A_117 : i32
      %mul3A_119 = arith.constant 128 : i32
      %mul3A_120 = arith.muli %add3A_118, %mul3A_119 : i32
      %dma_start3A_121 = arith.constant 0 : i32
      %dma_start3A_122 = arith.constant 0 : i32
      %dma_start3A_123 = arith.constant 0 : i32
      %dma_start3A_124 = tpu.memref_slice %arg7[%dma_start3A_121, %dma_start3A_123] : memref<3x3072xf32, #tpu.memory_space<vmem>> -> memref<1x3072xf32, #tpu.memory_space<vmem>>
      %dma_start3A_125 = tpu.memref_squeeze %dma_start3A_124 : memref<1x3072xf32, #tpu.memory_space<vmem>> -> memref<3072xf32, #tpu.memory_space<vmem>>
      %dma_start3A_126 = tpu.memref_slice %arg4[%mul3A_120] : memref<6488064xf32, #tpu.memory_space<hbm>> -> memref<3072xf32, #tpu.memory_space<hbm>>
      %dma_start3A_127 = tpu.memref_slice %arg9[%dma_start3A_122] : memref<3x!tpu.dma_semaphore, #tpu.memory_space<semaphore_mem>> -> memref<1x!tpu.dma_semaphore, #tpu.memory_space<semaphore_mem>>
      %dma_start3A_128 = tpu.memref_squeeze %dma_start3A_127 : memref<1x!tpu.dma_semaphore, #tpu.memory_space<semaphore_mem>> -> memref<!tpu.dma_semaphore, #tpu.memory_space<semaphore_mem>>
      %dma_start3A_129 = tpu.memref_slice %arg4[%mul3A_120] : memref<6488064xf32, #tpu.memory_space<hbm>> -> memref<3072xf32, #tpu.memory_space<hbm>>
      %dma_start3A_130 = arith.constant 0 : i32
      %dma_start3A_131 = tpu.memref_slice %arg7[%dma_start3A_121, %dma_start3A_130] : memref<3x3072xf32, #tpu.memory_space<vmem>> -> memref<1x3072xf32, #tpu.memory_space<vmem>>
      %dma_start3A_132 = tpu.memref_squeeze %dma_start3A_131 : memref<1x3072xf32, #tpu.memory_space<vmem>> -> memref<3072xf32, #tpu.memory_space<vmem>>
      tpu.enqueue_dma source(%dma_start3A_132 : memref<3072xf32, #tpu.memory_space<vmem>>) target(%dma_start3A_129 : memref<3072xf32, #tpu.memory_space<hbm>>) target_semaphore(%dma_start3A_128 : memref<!tpu.dma_semaphore, #tpu.memory_space<semaphore_mem>>)
      %add3A_133 = arith.constant 3 : i32
      %add3A_134 = arith.addi %add3A_91, %add3A_133 : i32
      %lt3A = arith.constant 66 : i32
      %lt3A_135 = arith.cmpi slt, %add3A_134, %lt3A : i32
      %convert_element_type3A_136 = arith.extui %lt3A_135 : i1 to i32
      %cond3A_137 = arith.constant 0 : i32
      %cond3A_138 = arith.cmpi ne, %convert_element_type3A_136, %cond3A_137 : i32
      scf.if %cond3A_138 {
        %add3A_249 = arith.constant 3 : i32
        %add3A_250 = arith.addi %add3A_91, %add3A_249 : i32
        %mul3A_251 = arith.constant 264 : i32
        %mul3A_252 = arith.muli %add3A_250, %mul3A_251 : i32
        %dma_start3A_253 = arith.constant 0 : i32
        %dma_start3A_254 = arith.constant 0 : i32
        %dma_start3A_255 = arith.constant 0 : i32
        %dma_start3A_256 = arith.constant 0 : i32
        %dma_start3A_257 = tpu.memref_slice %arg6[%dma_start3A_253, %dma_start3A_255, %dma_start3A_256] : memref<3x264x64xi32, #tpu.memory_space<vmem>> -> memref<1x264x64xi32, #tpu.memory_space<vmem>>
        %dma_start3A_258 = tpu.memref_squeeze %dma_start3A_257 : memref<1x264x64xi32, #tpu.memory_space<vmem>> -> memref<264x64xi32, #tpu.memory_space<vmem>>
        %dma_start3A_259 = tpu.memref_slice %arg5[%mul3A_252] : memref<17424xi32, #tpu.memory_space<vmem>> -> memref<264xi32, #tpu.memory_space<vmem>>
        %dma_start3A_260 = arith.constant 0 : i32
        %dma_start3A_261 = arith.constant 0 : i32
        %dma_start3A_262 = tpu.memref_slice %arg3[%dma_start3A_260, %dma_start3A_261] : memref<50000x64xi32, #tpu.memory_space<hbm>> -> memref<50000x64xi32, #tpu.memory_space<hbm>>
        %dma_start3A_263 = tpu.memref_slice %arg8[%dma_start3A_254] : memref<3x!tpu.dma_semaphore, #tpu.memory_space<semaphore_mem>> -> memref<1x!tpu.dma_semaphore, #tpu.memory_space<semaphore_mem>>
        %dma_start3A_264 = tpu.memref_squeeze %dma_start3A_263 : memref<1x!tpu.dma_semaphore, #tpu.memory_space<semaphore_mem>> -> memref<!tpu.dma_semaphore, #tpu.memory_space<semaphore_mem>>
        tpu.enqueue_indirect_dma source(%dma_start3A_262 : memref<50000x64xi32, #tpu.memory_space<hbm>>) target(%dma_start3A_258 : memref<264x64xi32, #tpu.memory_space<vmem>>) offsets(%dma_start3A_259 : memref<264xi32, #tpu.memory_space<vmem>>) semaphore(%dma_start3A_264 : memref<!tpu.dma_semaphore, #tpu.memory_space<semaphore_mem>>)
      } else {
      }
      %mul3A_139 = arith.constant 3 : i32
      %mul3A_140 = arith.muli %scan3A_87, %mul3A_139 : i32
      %add3A_141 = arith.constant 1 : i32
      %add3A_142 = arith.addi %mul3A_140, %add3A_141 : i32
      %mul3A_143 = arith.constant 264 : i32
      %mul3A_144 = arith.muli %add3A_142, %mul3A_143 : i32
      %dma_wait3A_145 = arith.constant 1 : i32
      %dma_wait3A_146 = arith.constant 1 : i32
      %dma_wait3A_147 = arith.constant 0 : i32
      %dma_wait3A_148 = arith.constant 0 : i32
      %dma_wait3A_149 = tpu.memref_slice %arg6[%dma_wait3A_145, %dma_wait3A_147, %dma_wait3A_148] : memref<3x264x64xi32, #tpu.memory_space<vmem>> -> memref<1x264x64xi32, #tpu.memory_space<vmem>>
      %dma_wait3A_150 = tpu.memref_squeeze %dma_wait3A_149 : memref<1x264x64xi32, #tpu.memory_space<vmem>> -> memref<264x64xi32, #tpu.memory_space<vmem>>
      %dma_wait3A_151 = tpu.memref_slice %arg5[%mul3A_144] : memref<17424xi32, #tpu.memory_space<vmem>> -> memref<264xi32, #tpu.memory_space<vmem>>
      %dma_wait3A_152 = arith.constant 0 : i32
      %dma_wait3A_153 = arith.constant 0 : i32
      %dma_wait3A_154 = tpu.memref_slice %arg3[%dma_wait3A_152, %dma_wait3A_153] : memref<50000x64xi32, #tpu.memory_space<hbm>> -> memref<50000x64xi32, #tpu.memory_space<hbm>>
      %dma_wait3A_155 = tpu.memref_slice %arg8[%dma_wait3A_146] : memref<3x!tpu.dma_semaphore, #tpu.memory_space<semaphore_mem>> -> memref<1x!tpu.dma_semaphore, #tpu.memory_space<semaphore_mem>>
      %dma_wait3A_156 = tpu.memref_squeeze %dma_wait3A_155 : memref<1x!tpu.dma_semaphore, #tpu.memory_space<semaphore_mem>> -> memref<!tpu.dma_semaphore, #tpu.memory_space<semaphore_mem>>
      tpu.wait_indirect_dma semaphore(%dma_wait3A_156 : memref<!tpu.dma_semaphore, #tpu.memory_space<semaphore_mem>>) src(%dma_wait3A_154 : memref<50000x64xi32, #tpu.memory_space<hbm>>) dst(%dma_wait3A_150 : memref<264x64xi32, #tpu.memory_space<vmem>>)
      %gt3A_157 = arith.constant 0 : i32
      %gt3A_158 = arith.cmpi sgt, %scan3A_87, %gt3A_157 : i32
      %convert_element_type3A_159 = arith.extui %gt3A_158 : i1 to i32
      %cond3A_160 = arith.constant 0 : i32
      %cond3A_161 = arith.cmpi ne, %convert_element_type3A_159, %cond3A_160 : i32
      scf.if %cond3A_161 {
        %dma_wait3A_249 = arith.constant 1 : i32
        %dma_wait3A_250 = arith.constant 1 : i32
        %dma_wait3A_251 = arith.constant 0 : i32
        %dma_wait3A_252 = tpu.memref_slice %arg7[%dma_wait3A_249, %dma_wait3A_251] : memref<3x3072xf32, #tpu.memory_space<vmem>> -> memref<1x3072xf32, #tpu.memory_space<vmem>>
        %dma_wait3A_253 = tpu.memref_squeeze %dma_wait3A_252 : memref<1x3072xf32, #tpu.memory_space<vmem>> -> memref<3072xf32, #tpu.memory_space<vmem>>
        %dma_wait3A_254 = arith.constant 0 : i32
        %dma_wait3A_255 = tpu.memref_slice %arg4[%dma_wait3A_254] : memref<6488064xf32, #tpu.memory_space<hbm>> -> memref<3072xf32, #tpu.memory_space<hbm>>
        %dma_wait3A_256 = tpu.memref_slice %arg9[%dma_wait3A_250] : memref<3x!tpu.dma_semaphore, #tpu.memory_space<semaphore_mem>> -> memref<1x!tpu.dma_semaphore, #tpu.memory_space<semaphore_mem>>
        %dma_wait3A_257 = tpu.memref_squeeze %dma_wait3A_256 : memref<1x!tpu.dma_semaphore, #tpu.memory_space<semaphore_mem>> -> memref<!tpu.dma_semaphore, #tpu.memory_space<semaphore_mem>>
        %dma_wait3A_258 = arith.constant 0 : i32
        %dma_wait3A_259 = tpu.memref_slice %arg4[%dma_wait3A_258] : memref<6488064xf32, #tpu.memory_space<hbm>> -> memref<3072xf32, #tpu.memory_space<hbm>>
        %dma_wait3A_260 = arith.constant 0 : i32
        %dma_wait3A_261 = tpu.memref_slice %arg7[%dma_wait3A_249, %dma_wait3A_260] : memref<3x3072xf32, #tpu.memory_space<vmem>> -> memref<1x3072xf32, #tpu.memory_space<vmem>>
        %dma_wait3A_262 = tpu.memref_squeeze %dma_wait3A_261 : memref<1x3072xf32, #tpu.memory_space<vmem>> -> memref<3072xf32, #tpu.memory_space<vmem>>
        tpu.wait_dma2 semaphore(%dma_wait3A_257 : memref<!tpu.dma_semaphore, #tpu.memory_space<semaphore_mem>>) src(%dma_wait3A_262 : memref<3072xf32, #tpu.memory_space<vmem>>) dst(%dma_wait3A_259 : memref<3072xf32, #tpu.memory_space<hbm>>)
      } else {
      }
      %scan3A_162 = arith.constant 0 : i32
      %scan3A_163 = arith.constant 0 : i32
      %scan3A_164 = arith.constant 24 : i32
      %scan3A_165 = arith.addi %scan3A_163, %scan3A_164 : i32
      %scan3A_166 = arith.constant 1 : i32
      scf.for %scan3A_249 = %scan3A_163 to %scan3A_165 step %scan3A_166  : i32 {
        %mul3A_250 = arith.constant 11 : i32
        %mul3A_251 = arith.muli %scan3A_249, %mul3A_250 : i32
        %add3A_252 = arith.constant 0 : i32
        %add3A_253 = arith.addi %mul3A_251, %add3A_252 : i32
        %get3A = arith.constant 1 : i32
        %get3A_254 = arith.index_cast %get3A : i32 to index
        %get3A_255 = arith.index_cast %add3A_253 : i32 to index
        %get3A_256 = arith.constant 0 : index
        %get3A_257 = tpu.vector_load %arg6[%get3A_254, %get3A_255, %get3A_256] {strides = array<i32>} : memref<3x264x64xi32, #tpu.memory_space<vmem>>, vector<16xi32>,
        %shift_left3A = arith.constant 16 : i32
        %shift_left3A_258 = vector.broadcast %shift_left3A : i32 to vector<16xi32>
        %shift_left3A_259 = arith.shli %get3A_257, %shift_left3A_258 : vector<16xi32>
        %bitcast_convert_type3A = tpu.bitcast %shift_left3A_259 : vector<16xi32> -> vector<16xf32>
        %bitcast_convert_type3A_260 = tpu.bitcast %get3A_257 : vector<16xi32> -> vector<16xf32>
        %mul3A_261 = arith.constant 11 : i32
        %mul3A_262 = arith.muli %scan3A_249, %mul3A_261 : i32
        %add3A_263 = arith.constant 1 : i32
        %add3A_264 = arith.addi %mul3A_262, %add3A_263 : i32
        %get3A_265 = arith.constant 1 : i32
        %get3A_266 = arith.index_cast %get3A_265 : i32 to index
        %get3A_267 = arith.index_cast %add3A_264 : i32 to index
        %get3A_268 = arith.constant 0 : index
        %get3A_269 = tpu.vector_load %arg6[%get3A_266, %get3A_267, %get3A_268] {strides = array<i32>} : memref<3x264x64xi32, #tpu.memory_space<vmem>>, vector<16xi32>,
        %shift_left3A_270 = arith.constant 16 : i32
        %shift_left3A_271 = vector.broadcast %shift_left3A_270 : i32 to vector<16xi32>
        %shift_left3A_272 = arith.shli %get3A_269, %shift_left3A_271 : vector<16xi32>
        %bitcast_convert_type3A_273 = tpu.bitcast %shift_left3A_272 : vector<16xi32> -> vector<16xf32>
        %add3A_274 = arith.addf %bitcast_convert_type3A, %bitcast_convert_type3A_273 : vector<16xf32>
        %bitcast_convert_type3A_275 = tpu.bitcast %get3A_269 : vector<16xi32> -> vector<16xf32>
        %add3A_276 = arith.addf %bitcast_convert_type3A_260, %bitcast_convert_type3A_275 : vector<16xf32>
        %mul3A_277 = arith.constant 11 : i32
        %mul3A_278 = arith.muli %scan3A_249, %mul3A_277 : i32
        %add3A_279 = arith.constant 2 : i32
        %add3A_280 = arith.addi %mul3A_278, %add3A_279 : i32
        %get3A_281 = arith.constant 1 : i32
        %get3A_282 = arith.index_cast %get3A_281 : i32 to index
        %get3A_283 = arith.index_cast %add3A_280 : i32 to index
        %get3A_284 = arith.constant 0 : index
        %get3A_285 = tpu.vector_load %arg6[%get3A_282, %get3A_283, %get3A_284] {strides = array<i32>} : memref<3x264x64xi32, #tpu.memory_space<vmem>>, vector<16xi32>,
        %shift_left3A_286 = arith.constant 16 : i32
        %shift_left3A_287 = vector.broadcast %shift_left3A_286 : i32 to vector<16xi32>
        %shift_left3A_288 = arith.shli %get3A_285, %shift_left3A_287 : vector<16xi32>
        %bitcast_convert_type3A_289 = tpu.bitcast %shift_left3A_288 : vector<16xi32> -> vector<16xf32>
        %add3A_290 = arith.addf %add3A_274, %bitcast_convert_type3A_289 : vector<16xf32>
        %bitcast_convert_type3A_291 = tpu.bitcast %get3A_285 : vector<16xi32> -> vector<16xf32>
        %add3A_292 = arith.addf %add3A_276, %bitcast_convert_type3A_291 : vector<16xf32>
        %mul3A_293 = arith.constant 11 : i32
        %mul3A_294 = arith.muli %scan3A_249, %mul3A_293 : i32
        %add3A_295 = arith.constant 3 : i32
        %add3A_296 = arith.addi %mul3A_294, %add3A_295 : i32
        %get3A_297 = arith.constant 1 : i32
        %get3A_298 = arith.index_cast %get3A_297 : i32 to index
        %get3A_299 = arith.index_cast %add3A_296 : i32 to index
        %get3A_300 = arith.constant 0 : index
        %get3A_301 = tpu.vector_load %arg6[%get3A_298, %get3A_299, %get3A_300] {strides = array<i32>} : memref<3x264x64xi32, #tpu.memory_space<vmem>>, vector<16xi32>,
        %shift_left3A_302 = arith.constant 16 : i32
        %shift_left3A_303 = vector.broadcast %shift_left3A_302 : i32 to vector<16xi32>
        %shift_left3A_304 = arith.shli %get3A_301, %shift_left3A_303 : vector<16xi32>
        %bitcast_convert_type3A_305 = tpu.bitcast %shift_left3A_304 : vector<16xi32> -> vector<16xf32>
        %add3A_306 = arith.addf %add3A_290, %bitcast_convert_type3A_305 : vector<16xf32>
        %bitcast_convert_type3A_307 = tpu.bitcast %get3A_301 : vector<16xi32> -> vector<16xf32>
        %add3A_308 = arith.addf %add3A_292, %bitcast_convert_type3A_307 : vector<16xf32>
        %mul3A_309 = arith.constant 11 : i32
        %mul3A_310 = arith.muli %scan3A_249, %mul3A_309 : i32
        %add3A_311 = arith.constant 4 : i32
        %add3A_312 = arith.addi %mul3A_310, %add3A_311 : i32
        %get3A_313 = arith.constant 1 : i32
        %get3A_314 = arith.index_cast %get3A_313 : i32 to index
        %get3A_315 = arith.index_cast %add3A_312 : i32 to index
        %get3A_316 = arith.constant 0 : index
        %get3A_317 = tpu.vector_load %arg6[%get3A_314, %get3A_315, %get3A_316] {strides = array<i32>} : memref<3x264x64xi32, #tpu.memory_space<vmem>>, vector<16xi32>,
        %shift_left3A_318 = arith.constant 16 : i32
        %shift_left3A_319 = vector.broadcast %shift_left3A_318 : i32 to vector<16xi32>
        %shift_left3A_320 = arith.shli %get3A_317, %shift_left3A_319 : vector<16xi32>
        %bitcast_convert_type3A_321 = tpu.bitcast %shift_left3A_320 : vector<16xi32> -> vector<16xf32>
        %add3A_322 = arith.addf %add3A_306, %bitcast_convert_type3A_321 : vector<16xf32>
        %bitcast_convert_type3A_323 = tpu.bitcast %get3A_317 : vector<16xi32> -> vector<16xf32>
        %add3A_324 = arith.addf %add3A_308, %bitcast_convert_type3A_323 : vector<16xf32>
        %mul3A_325 = arith.constant 11 : i32
        %mul3A_326 = arith.muli %scan3A_249, %mul3A_325 : i32
        %add3A_327 = arith.constant 5 : i32
        %add3A_328 = arith.addi %mul3A_326, %add3A_327 : i32
        %get3A_329 = arith.constant 1 : i32
        %get3A_330 = arith.index_cast %get3A_329 : i32 to index
        %get3A_331 = arith.index_cast %add3A_328 : i32 to index
        %get3A_332 = arith.constant 0 : index
        %get3A_333 = tpu.vector_load %arg6[%get3A_330, %get3A_331, %get3A_332] {strides = array<i32>} : memref<3x264x64xi32, #tpu.memory_space<vmem>>, vector<16xi32>,
        %shift_left3A_334 = arith.constant 16 : i32
        %shift_left3A_335 = vector.broadcast %shift_left3A_334 : i32 to vector<16xi32>
        %shift_left3A_336 = arith.shli %get3A_333, %shift_left3A_335 : vector<16xi32>
        %bitcast_convert_type3A_337 = tpu.bitcast %shift_left3A_336 : vector<16xi32> -> vector<16xf32>
        %add3A_338 = arith.addf %add3A_322, %bitcast_convert_type3A_337 : vector<16xf32>
        %bitcast_convert_type3A_339 = tpu.bitcast %get3A_333 : vector<16xi32> -> vector<16xf32>
        %add3A_340 = arith.addf %add3A_324, %bitcast_convert_type3A_339 : vector<16xf32>
        %mul3A_341 = arith.constant 11 : i32
        %mul3A_342 = arith.muli %scan3A_249, %mul3A_341 : i32
        %add3A_343 = arith.constant 6 : i32
        %add3A_344 = arith.addi %mul3A_342, %add3A_343 : i32
        %get3A_345 = arith.constant 1 : i32
        %get3A_346 = arith.index_cast %get3A_345 : i32 to index
        %get3A_347 = arith.index_cast %add3A_344 : i32 to index
        %get3A_348 = arith.constant 0 : index
        %get3A_349 = tpu.vector_load %arg6[%get3A_346, %get3A_347, %get3A_348] {strides = array<i32>} : memref<3x264x64xi32, #tpu.memory_space<vmem>>, vector<16xi32>,
        %shift_left3A_350 = arith.constant 16 : i32
        %shift_left3A_351 = vector.broadcast %shift_left3A_350 : i32 to vector<16xi32>
        %shift_left3A_352 = arith.shli %get3A_349, %shift_left3A_351 : vector<16xi32>
        %bitcast_convert_type3A_353 = tpu.bitcast %shift_left3A_352 : vector<16xi32> -> vector<16xf32>
        %add3A_354 = arith.addf %add3A_338, %bitcast_convert_type3A_353 : vector<16xf32>
        %bitcast_convert_type3A_355 = tpu.bitcast %get3A_349 : vector<16xi32> -> vector<16xf32>
        %add3A_356 = arith.addf %add3A_340, %bitcast_convert_type3A_355 : vector<16xf32>
        %mul3A_357 = arith.constant 11 : i32
        %mul3A_358 = arith.muli %scan3A_249, %mul3A_357 : i32
        %add3A_359 = arith.constant 7 : i32
        %add3A_360 = arith.addi %mul3A_358, %add3A_359 : i32
        %get3A_361 = arith.constant 1 : i32
        %get3A_362 = arith.index_cast %get3A_361 : i32 to index
        %get3A_363 = arith.index_cast %add3A_360 : i32 to index
        %get3A_364 = arith.constant 0 : index
        %get3A_365 = tpu.vector_load %arg6[%get3A_362, %get3A_363, %get3A_364] {strides = array<i32>} : memref<3x264x64xi32, #tpu.memory_space<vmem>>, vector<16xi32>,
        %shift_left3A_366 = arith.constant 16 : i32
        %shift_left3A_367 = vector.broadcast %shift_left3A_366 : i32 to vector<16xi32>
        %shift_left3A_368 = arith.shli %get3A_365, %shift_left3A_367 : vector<16xi32>
        %bitcast_convert_type3A_369 = tpu.bitcast %shift_left3A_368 : vector<16xi32> -> vector<16xf32>
        %add3A_370 = arith.addf %add3A_354, %bitcast_convert_type3A_369 : vector<16xf32>
        %bitcast_convert_type3A_371 = tpu.bitcast %get3A_365 : vector<16xi32> -> vector<16xf32>
        %add3A_372 = arith.addf %add3A_356, %bitcast_convert_type3A_371 : vector<16xf32>
        %mul3A_373 = arith.constant 11 : i32
        %mul3A_374 = arith.muli %scan3A_249, %mul3A_373 : i32
        %add3A_375 = arith.constant 8 : i32
        %add3A_376 = arith.addi %mul3A_374, %add3A_375 : i32
        %get3A_377 = arith.constant 1 : i32
        %get3A_378 = arith.index_cast %get3A_377 : i32 to index
        %get3A_379 = arith.index_cast %add3A_376 : i32 to index
        %get3A_380 = arith.constant 0 : index
        %get3A_381 = tpu.vector_load %arg6[%get3A_378, %get3A_379, %get3A_380] {strides = array<i32>} : memref<3x264x64xi32, #tpu.memory_space<vmem>>, vector<16xi32>,
        %shift_left3A_382 = arith.constant 16 : i32
        %shift_left3A_383 = vector.broadcast %shift_left3A_382 : i32 to vector<16xi32>
        %shift_left3A_384 = arith.shli %get3A_381, %shift_left3A_383 : vector<16xi32>
        %bitcast_convert_type3A_385 = tpu.bitcast %shift_left3A_384 : vector<16xi32> -> vector<16xf32>
        %add3A_386 = arith.addf %add3A_370, %bitcast_convert_type3A_385 : vector<16xf32>
        %bitcast_convert_type3A_387 = tpu.bitcast %get3A_381 : vector<16xi32> -> vector<16xf32>
        %add3A_388 = arith.addf %add3A_372, %bitcast_convert_type3A_387 : vector<16xf32>
        %mul3A_389 = arith.constant 11 : i32
        %mul3A_390 = arith.muli %scan3A_249, %mul3A_389 : i32
        %add3A_391 = arith.constant 9 : i32
        %add3A_392 = arith.addi %mul3A_390, %add3A_391 : i32
        %get3A_393 = arith.constant 1 : i32
        %get3A_394 = arith.index_cast %get3A_393 : i32 to index
        %get3A_395 = arith.index_cast %add3A_392 : i32 to index
        %get3A_396 = arith.constant 0 : index
        %get3A_397 = tpu.vector_load %arg6[%get3A_394, %get3A_395, %get3A_396] {strides = array<i32>} : memref<3x264x64xi32, #tpu.memory_space<vmem>>, vector<16xi32>,
        %shift_left3A_398 = arith.constant 16 : i32
        %shift_left3A_399 = vector.broadcast %shift_left3A_398 : i32 to vector<16xi32>
        %shift_left3A_400 = arith.shli %get3A_397, %shift_left3A_399 : vector<16xi32>
        %bitcast_convert_type3A_401 = tpu.bitcast %shift_left3A_400 : vector<16xi32> -> vector<16xf32>
        %add3A_402 = arith.addf %add3A_386, %bitcast_convert_type3A_401 : vector<16xf32>
        %bitcast_convert_type3A_403 = tpu.bitcast %get3A_397 : vector<16xi32> -> vector<16xf32>
        %add3A_404 = arith.addf %add3A_388, %bitcast_convert_type3A_403 : vector<16xf32>
        %mul3A_405 = arith.constant 11 : i32
        %mul3A_406 = arith.muli %scan3A_249, %mul3A_405 : i32
        %add3A_407 = arith.constant 10 : i32
        %add3A_408 = arith.addi %mul3A_406, %add3A_407 : i32
        %get3A_409 = arith.constant 1 : i32
        %get3A_410 = arith.index_cast %get3A_409 : i32 to index
        %get3A_411 = arith.index_cast %add3A_408 : i32 to index
        %get3A_412 = arith.constant 0 : index
        %get3A_413 = tpu.vector_load %arg6[%get3A_410, %get3A_411, %get3A_412] {strides = array<i32>} : memref<3x264x64xi32, #tpu.memory_space<vmem>>, vector<16xi32>,
        %shift_left3A_414 = arith.constant 16 : i32
        %shift_left3A_415 = vector.broadcast %shift_left3A_414 : i32 to vector<16xi32>
        %shift_left3A_416 = arith.shli %get3A_413, %shift_left3A_415 : vector<16xi32>
        %bitcast_convert_type3A_417 = tpu.bitcast %shift_left3A_416 : vector<16xi32> -> vector<16xf32>
        %add3A_418 = arith.addf %add3A_402, %bitcast_convert_type3A_417 : vector<16xf32>
        %bitcast_convert_type3A_419 = tpu.bitcast %get3A_413 : vector<16xi32> -> vector<16xf32>
        %add3A_420 = arith.addf %add3A_404, %bitcast_convert_type3A_419 : vector<16xf32>
        %mul3A_421 = arith.constant 128 : i32
        %mul3A_422 = arith.muli %scan3A_249, %mul3A_421 : i32
        %add3A_423 = arith.constant 0 : i32
        %add3A_424 = arith.addi %mul3A_422, %add3A_423 : i32
        %swap3A = arith.constant 1 : i32
        %swap3A_425 = arith.index_cast %swap3A : i32 to index
        %swap3A_426 = arith.index_cast %add3A_424 : i32 to index
        %swap3A_427 = tpu.vector_load %arg7[%swap3A_425, %swap3A_426] {strides = array<i32>} : memref<3x3072xf32, #tpu.memory_space<vmem>>, vector<16xf32>,
        tpu.vector_store %arg7[%swap3A_425, %swap3A_426], %add3A_418 {strides = array<i32>} : memref<3x3072xf32, #tpu.memory_space<vmem>>, vector<16xf32>,
        %mul3A_428 = arith.constant 128 : i32
        %mul3A_429 = arith.muli %scan3A_249, %mul3A_428 : i32
        %add3A_430 = arith.constant 64 : i32
        %add3A_431 = arith.addi %mul3A_429, %add3A_430 : i32
        %add3A_432 = arith.constant 0 : i32
        %add3A_433 = arith.addi %add3A_431, %add3A_432 : i32
        %swap3A_434 = arith.constant 1 : i32
        %swap3A_435 = arith.index_cast %swap3A_434 : i32 to index
        %swap3A_436 = arith.index_cast %add3A_433 : i32 to index
        %swap3A_437 = tpu.vector_load %arg7[%swap3A_435, %swap3A_436] {strides = array<i32>} : memref<3x3072xf32, #tpu.memory_space<vmem>>, vector<16xf32>,
        tpu.vector_store %arg7[%swap3A_435, %swap3A_436], %add3A_420 {strides = array<i32>} : memref<3x3072xf32, #tpu.memory_space<vmem>>, vector<16xf32>,
        %mul3A_438 = arith.constant 11 : i32
        %mul3A_439 = arith.muli %scan3A_249, %mul3A_438 : i32
        %add3A_440 = arith.constant 0 : i32
        %add3A_441 = arith.addi %mul3A_439, %add3A_440 : i32
        %get3A_442 = arith.constant 1 : i32
        %get3A_443 = arith.index_cast %get3A_442 : i32 to index
        %get3A_444 = arith.index_cast %add3A_441 : i32 to index
        %get3A_445 = arith.constant 16 : index
        %get3A_446 = tpu.vector_load %arg6[%get3A_443, %get3A_444, %get3A_445] {strides = array<i32>} : memref<3x264x64xi32, #tpu.memory_space<vmem>>, vector<16xi32>,
        %shift_left3A_447 = arith.constant 16 : i32
        %shift_left3A_448 = vector.broadcast %shift_left3A_447 : i32 to vector<16xi32>
        %shift_left3A_449 = arith.shli %get3A_446, %shift_left3A_448 : vector<16xi32>
        %bitcast_convert_type3A_450 = tpu.bitcast %shift_left3A_449 : vector<16xi32> -> vector<16xf32>
        %bitcast_convert_type3A_451 = tpu.bitcast %get3A_446 : vector<16xi32> -> vector<16xf32>
        %mul3A_452 = arith.constant 11 : i32
        %mul3A_453 = arith.muli %scan3A_249, %mul3A_452 : i32
        %add3A_454 = arith.constant 1 : i32
        %add3A_455 = arith.addi %mul3A_453, %add3A_454 : i32
        %get3A_456 = arith.constant 1 : i32
        %get3A_457 = arith.index_cast %get3A_456 : i32 to index
        %get3A_458 = arith.index_cast %add3A_455 : i32 to index
        %get3A_459 = arith.constant 16 : index
        %get3A_460 = tpu.vector_load %arg6[%get3A_457, %get3A_458, %get3A_459] {strides = array<i32>} : memref<3x264x64xi32, #tpu.memory_space<vmem>>, vector<16xi32>,
        %shift_left3A_461 = arith.constant 16 : i32
        %shift_left3A_462 = vector.broadcast %shift_left3A_461 : i32 to vector<16xi32>
        %shift_left3A_463 = arith.shli %get3A_460, %shift_left3A_462 : vector<16xi32>
        %bitcast_convert_type3A_464 = tpu.bitcast %shift_left3A_463 : vector<16xi32> -> vector<16xf32>
        %add3A_465 = arith.addf %bitcast_convert_type3A_450, %bitcast_convert_type3A_464 : vector<16xf32>
        %bitcast_convert_type3A_466 = tpu.bitcast %get3A_460 : vector<16xi32> -> vector<16xf32>
        %add3A_467 = arith.addf %bitcast_convert_type3A_451, %bitcast_convert_type3A_466 : vector<16xf32>
        %mul3A_468 = arith.constant 11 : i32
        %mul3A_469 = arith.muli %scan3A_249, %mul3A_468 : i32
        %add3A_470 = arith.constant 2 : i32
        %add3A_471 = arith.addi %mul3A_469, %add3A_470 : i32
        %get3A_472 = arith.constant 1 : i32
        %get3A_473 = arith.index_cast %get3A_472 : i32 to index
        %get3A_474 = arith.index_cast %add3A_471 : i32 to index
        %get3A_475 = arith.constant 16 : index
        %get3A_476 = tpu.vector_load %arg6[%get3A_473, %get3A_474, %get3A_475] {strides = array<i32>} : memref<3x264x64xi32, #tpu.memory_space<vmem>>, vector<16xi32>,
        %shift_left3A_477 = arith.constant 16 : i32
        %shift_left3A_478 = vector.broadcast %shift_left3A_477 : i32 to vector<16xi32>
        %shift_left3A_479 = arith.shli %get3A_476, %shift_left3A_478 : vector<16xi32>
        %bitcast_convert_type3A_480 = tpu.bitcast %shift_left3A_479 : vector<16xi32> -> vector<16xf32>
        %add3A_481 = arith.addf %add3A_465, %bitcast_convert_type3A_480 : vector<16xf32>
        %bitcast_convert_type3A_482 = tpu.bitcast %get3A_476 : vector<16xi32> -> vector<16xf32>
        %add3A_483 = arith.addf %add3A_467, %bitcast_convert_type3A_482 : vector<16xf32>
        %mul3A_484 = arith.constant 11 : i32
        %mul3A_485 = arith.muli %scan3A_249, %mul3A_484 : i32
        %add3A_486 = arith.constant 3 : i32
        %add3A_487 = arith.addi %mul3A_485, %add3A_486 : i32
        %get3A_488 = arith.constant 1 : i32
        %get3A_489 = arith.index_cast %get3A_488 : i32 to index
        %get3A_490 = arith.index_cast %add3A_487 : i32 to index
        %get3A_491 = arith.constant 16 : index
        %get3A_492 = tpu.vector_load %arg6[%get3A_489, %get3A_490, %get3A_491] {strides = array<i32>} : memref<3x264x64xi32, #tpu.memory_space<vmem>>, vector<16xi32>,
        %shift_left3A_493 = arith.constant 16 : i32
        %shift_left3A_494 = vector.broadcast %shift_left3A_493 : i32 to vector<16xi32>
        %shift_left3A_495 = arith.shli %get3A_492, %shift_left3A_494 : vector<16xi32>
        %bitcast_convert_type3A_496 = tpu.bitcast %shift_left3A_495 : vector<16xi32> -> vector<16xf32>
        %add3A_497 = arith.addf %add3A_481, %bitcast_convert_type3A_496 : vector<16xf32>
        %bitcast_convert_type3A_498 = tpu.bitcast %get3A_492 : vector<16xi32> -> vector<16xf32>
        %add3A_499 = arith.addf %add3A_483, %bitcast_convert_type3A_498 : vector<16xf32>
        %mul3A_500 = arith.constant 11 : i32
        %mul3A_501 = arith.muli %scan3A_249, %mul3A_500 : i32
        %add3A_502 = arith.constant 4 : i32
        %add3A_503 = arith.addi %mul3A_501, %add3A_502 : i32
        %get3A_504 = arith.constant 1 : i32
        %get3A_505 = arith.index_cast %get3A_504 : i32 to index
        %get3A_506 = arith.index_cast %add3A_503 : i32 to index
        %get3A_507 = arith.constant 16 : index
        %get3A_508 = tpu.vector_load %arg6[%get3A_505, %get3A_506, %get3A_507] {strides = array<i32>} : memref<3x264x64xi32, #tpu.memory_space<vmem>>, vector<16xi32>,
        %shift_left3A_509 = arith.constant 16 : i32
        %shift_left3A_510 = vector.broadcast %shift_left3A_509 : i32 to vector<16xi32>
        %shift_left3A_511 = arith.shli %get3A_508, %shift_left3A_510 : vector<16xi32>
        %bitcast_convert_type3A_512 = tpu.bitcast %shift_left3A_511 : vector<16xi32> -> vector<16xf32>
        %add3A_513 = arith.addf %add3A_497, %bitcast_convert_type3A_512 : vector<16xf32>
        %bitcast_convert_type3A_514 = tpu.bitcast %get3A_508 : vector<16xi32> -> vector<16xf32>
        %add3A_515 = arith.addf %add3A_499, %bitcast_convert_type3A_514 : vector<16xf32>
        %mul3A_516 = arith.constant 11 : i32
        %mul3A_517 = arith.muli %scan3A_249, %mul3A_516 : i32
        %add3A_518 = arith.constant 5 : i32
        %add3A_519 = arith.addi %mul3A_517, %add3A_518 : i32
        %get3A_520 = arith.constant 1 : i32
        %get3A_521 = arith.index_cast %get3A_520 : i32 to index
        %get3A_522 = arith.index_cast %add3A_519 : i32 to index
        %get3A_523 = arith.constant 16 : index
        %get3A_524 = tpu.vector_load %arg6[%get3A_521, %get3A_522, %get3A_523] {strides = array<i32>} : memref<3x264x64xi32, #tpu.memory_space<vmem>>, vector<16xi32>,
        %shift_left3A_525 = arith.constant 16 : i32
        %shift_left3A_526 = vector.broadcast %shift_left3A_525 : i32 to vector<16xi32>
        %shift_left3A_527 = arith.shli %get3A_524, %shift_left3A_526 : vector<16xi32>
        %bitcast_convert_type3A_528 = tpu.bitcast %shift_left3A_527 : vector<16xi32> -> vector<16xf32>
        %add3A_529 = arith.addf %add3A_513, %bitcast_convert_type3A_528 : vector<16xf32>
        %bitcast_convert_type3A_530 = tpu.bitcast %get3A_524 : vector<16xi32> -> vector<16xf32>
        %add3A_531 = arith.addf %add3A_515, %bitcast_convert_type3A_530 : vector<16xf32>
        %mul3A_532 = arith.constant 11 : i32
        %mul3A_533 = arith.muli %scan3A_249, %mul3A_532 : i32
        %add3A_534 = arith.constant 6 : i32
        %add3A_535 = arith.addi %mul3A_533, %add3A_534 : i32
        %get3A_536 = arith.constant 1 : i32
        %get3A_537 = arith.index_cast %get3A_536 : i32 to index
        %get3A_538 = arith.index_cast %add3A_535 : i32 to index
        %get3A_539 = arith.constant 16 : index
        %get3A_540 = tpu.vector_load %arg6[%get3A_537, %get3A_538, %get3A_539] {strides = array<i32>} : memref<3x264x64xi32, #tpu.memory_space<vmem>>, vector<16xi32>,
        %shift_left3A_541 = arith.constant 16 : i32
        %shift_left3A_542 = vector.broadcast %shift_left3A_541 : i32 to vector<16xi32>
        %shift_left3A_543 = arith.shli %get3A_540, %shift_left3A_542 : vector<16xi32>
        %bitcast_convert_type3A_544 = tpu.bitcast %shift_left3A_543 : vector<16xi32> -> vector<16xf32>
        %add3A_545 = arith.addf %add3A_529, %bitcast_convert_type3A_544 : vector<16xf32>
        %bitcast_convert_type3A_546 = tpu.bitcast %get3A_540 : vector<16xi32> -> vector<16xf32>
        %add3A_547 = arith.addf %add3A_531, %bitcast_convert_type3A_546 : vector<16xf32>
        %mul3A_548 = arith.constant 11 : i32
        %mul3A_549 = arith.muli %scan3A_249, %mul3A_548 : i32
        %add3A_550 = arith.constant 7 : i32
        %add3A_551 = arith.addi %mul3A_549, %add3A_550 : i32
        %get3A_552 = arith.constant 1 : i32
        %get3A_553 = arith.index_cast %get3A_552 : i32 to index
        %get3A_554 = arith.index_cast %add3A_551 : i32 to index
        %get3A_555 = arith.constant 16 : index
        %get3A_556 = tpu.vector_load %arg6[%get3A_553, %get3A_554, %get3A_555] {strides = array<i32>} : memref<3x264x64xi32, #tpu.memory_space<vmem>>, vector<16xi32>,
        %shift_left3A_557 = arith.constant 16 : i32
        %shift_left3A_558 = vector.broadcast %shift_left3A_557 : i32 to vector<16xi32>
        %shift_left3A_559 = arith.shli %get3A_556, %shift_left3A_558 : vector<16xi32>
        %bitcast_convert_type3A_560 = tpu.bitcast %shift_left3A_559 : vector<16xi32> -> vector<16xf32>
        %add3A_561 = arith.addf %add3A_545, %bitcast_convert_type3A_560 : vector<16xf32>
        %bitcast_convert_type3A_562 = tpu.bitcast %get3A_556 : vector<16xi32> -> vector<16xf32>
        %add3A_563 = arith.addf %add3A_547, %bitcast_convert_type3A_562 : vector<16xf32>
        %mul3A_564 = arith.constant 11 : i32
        %mul3A_565 = arith.muli %scan3A_249, %mul3A_564 : i32
        %add3A_566 = arith.constant 8 : i32
        %add3A_567 = arith.addi %mul3A_565, %add3A_566 : i32
        %get3A_568 = arith.constant 1 : i32
        %get3A_569 = arith.index_cast %get3A_568 : i32 to index
        %get3A_570 = arith.index_cast %add3A_567 : i32 to index
        %get3A_571 = arith.constant 16 : index
        %get3A_572 = tpu.vector_load %arg6[%get3A_569, %get3A_570, %get3A_571] {strides = array<i32>} : memref<3x264x64xi32, #tpu.memory_space<vmem>>, vector<16xi32>,
        %shift_left3A_573 = arith.constant 16 : i32
        %shift_left3A_574 = vector.broadcast %shift_left3A_573 : i32 to vector<16xi32>
        %shift_left3A_575 = arith.shli %get3A_572, %shift_left3A_574 : vector<16xi32>
        %bitcast_convert_type3A_576 = tpu.bitcast %shift_left3A_575 : vector<16xi32> -> vector<16xf32>
        %add3A_577 = arith.addf %add3A_561, %bitcast_convert_type3A_576 : vector<16xf32>
        %bitcast_convert_type3A_578 = tpu.bitcast %get3A_572 : vector<16xi32> -> vector<16xf32>
        %add3A_579 = arith.addf %add3A_563, %bitcast_convert_type3A_578 : vector<16xf32>
        %mul3A_580 = arith.constant 11 : i32
        %mul3A_581 = arith.muli %scan3A_249, %mul3A_580 : i32
        %add3A_582 = arith.constant 9 : i32
        %add3A_583 = arith.addi %mul3A_581, %add3A_582 : i32
        %get3A_584 = arith.constant 1 : i32
        %get3A_585 = arith.index_cast %get3A_584 : i32 to index
        %get3A_586 = arith.index_cast %add3A_583 : i32 to index
        %get3A_587 = arith.constant 16 : index
        %get3A_588 = tpu.vector_load %arg6[%get3A_585, %get3A_586, %get3A_587] {strides = array<i32>} : memref<3x264x64xi32, #tpu.memory_space<vmem>>, vector<16xi32>,
        %shift_left3A_589 = arith.constant 16 : i32
        %shift_left3A_590 = vector.broadcast %shift_left3A_589 : i32 to vector<16xi32>
        %shift_left3A_591 = arith.shli %get3A_588, %shift_left3A_590 : vector<16xi32>
        %bitcast_convert_type3A_592 = tpu.bitcast %shift_left3A_591 : vector<16xi32> -> vector<16xf32>
        %add3A_593 = arith.addf %add3A_577, %bitcast_convert_type3A_592 : vector<16xf32>
        %bitcast_convert_type3A_594 = tpu.bitcast %get3A_588 : vector<16xi32> -> vector<16xf32>
        %add3A_595 = arith.addf %add3A_579, %bitcast_convert_type3A_594 : vector<16xf32>
        %mul3A_596 = arith.constant 11 : i32
        %mul3A_597 = arith.muli %scan3A_249, %mul3A_596 : i32
        %add3A_598 = arith.constant 10 : i32
        %add3A_599 = arith.addi %mul3A_597, %add3A_598 : i32
        %get3A_600 = arith.constant 1 : i32
        %get3A_601 = arith.index_cast %get3A_600 : i32 to index
        %get3A_602 = arith.index_cast %add3A_599 : i32 to index
        %get3A_603 = arith.constant 16 : index
        %get3A_604 = tpu.vector_load %arg6[%get3A_601, %get3A_602, %get3A_603] {strides = array<i32>} : memref<3x264x64xi32, #tpu.memory_space<vmem>>, vector<16xi32>,
        %shift_left3A_605 = arith.constant 16 : i32
        %shift_left3A_606 = vector.broadcast %shift_left3A_605 : i32 to vector<16xi32>
        %shift_left3A_607 = arith.shli %get3A_604, %shift_left3A_606 : vector<16xi32>
        %bitcast_convert_type3A_608 = tpu.bitcast %shift_left3A_607 : vector<16xi32> -> vector<16xf32>
        %add3A_609 = arith.addf %add3A_593, %bitcast_convert_type3A_608 : vector<16xf32>
        %bitcast_convert_type3A_610 = tpu.bitcast %get3A_604 : vector<16xi32> -> vector<16xf32>
        %add3A_611 = arith.addf %add3A_595, %bitcast_convert_type3A_610 : vector<16xf32>
        %mul3A_612 = arith.constant 128 : i32
        %mul3A_613 = arith.muli %scan3A_249, %mul3A_612 : i32
        %add3A_614 = arith.constant 16 : i32
        %add3A_615 = arith.addi %mul3A_613, %add3A_614 : i32
        %swap3A_616 = arith.constant 1 : i32
        %swap3A_617 = arith.index_cast %swap3A_616 : i32 to index
        %swap3A_618 = arith.index_cast %add3A_615 : i32 to index
        %swap3A_619 = tpu.vector_load %arg7[%swap3A_617, %swap3A_618] {strides = array<i32>} : memref<3x3072xf32, #tpu.memory_space<vmem>>, vector<16xf32>,
        tpu.vector_store %arg7[%swap3A_617, %swap3A_618], %add3A_609 {strides = array<i32>} : memref<3x3072xf32, #tpu.memory_space<vmem>>, vector<16xf32>,
        %mul3A_620 = arith.constant 128 : i32
        %mul3A_621 = arith.muli %scan3A_249, %mul3A_620 : i32
        %add3A_622 = arith.constant 64 : i32
        %add3A_623 = arith.addi %mul3A_621, %add3A_622 : i32
        %add3A_624 = arith.constant 16 : i32
        %add3A_625 = arith.addi %add3A_623, %add3A_624 : i32
        %swap3A_626 = arith.constant 1 : i32
        %swap3A_627 = arith.index_cast %swap3A_626 : i32 to index
        %swap3A_628 = arith.index_cast %add3A_625 : i32 to index
        %swap3A_629 = tpu.vector_load %arg7[%swap3A_627, %swap3A_628] {strides = array<i32>} : memref<3x3072xf32, #tpu.memory_space<vmem>>, vector<16xf32>,
        tpu.vector_store %arg7[%swap3A_627, %swap3A_628], %add3A_611 {strides = array<i32>} : memref<3x3072xf32, #tpu.memory_space<vmem>>, vector<16xf32>,
        %mul3A_630 = arith.constant 11 : i32
        %mul3A_631 = arith.muli %scan3A_249, %mul3A_630 : i32
        %add3A_632 = arith.constant 0 : i32
        %add3A_633 = arith.addi %mul3A_631, %add3A_632 : i32
        %get3A_634 = arith.constant 1 : i32
        %get3A_635 = arith.index_cast %get3A_634 : i32 to index
        %get3A_636 = arith.index_cast %add3A_633 : i32 to index
        %get3A_637 = arith.constant 32 : index
        %get3A_638 = tpu.vector_load %arg6[%get3A_635, %get3A_636, %get3A_637] {strides = array<i32>} : memref<3x264x64xi32, #tpu.memory_space<vmem>>, vector<16xi32>,
        %shift_left3A_639 = arith.constant 16 : i32
        %shift_left3A_640 = vector.broadcast %shift_left3A_639 : i32 to vector<16xi32>
        %shift_left3A_641 = arith.shli %get3A_638, %shift_left3A_640 : vector<16xi32>
        %bitcast_convert_type3A_642 = tpu.bitcast %shift_left3A_641 : vector<16xi32> -> vector<16xf32>
        %bitcast_convert_type3A_643 = tpu.bitcast %get3A_638 : vector<16xi32> -> vector<16xf32>
        %mul3A_644 = arith.constant 11 : i32
        %mul3A_645 = arith.muli %scan3A_249, %mul3A_644 : i32
        %add3A_646 = arith.constant 1 : i32
        %add3A_647 = arith.addi %mul3A_645, %add3A_646 : i32
        %get3A_648 = arith.constant 1 : i32
        %get3A_649 = arith.index_cast %get3A_648 : i32 to index
        %get3A_650 = arith.index_cast %add3A_647 : i32 to index
        %get3A_651 = arith.constant 32 : index
        %get3A_652 = tpu.vector_load %arg6[%get3A_649, %get3A_650, %get3A_651] {strides = array<i32>} : memref<3x264x64xi32, #tpu.memory_space<vmem>>, vector<16xi32>,
        %shift_left3A_653 = arith.constant 16 : i32
        %shift_left3A_654 = vector.broadcast %shift_left3A_653 : i32 to vector<16xi32>
        %shift_left3A_655 = arith.shli %get3A_652, %shift_left3A_654 : vector<16xi32>
        %bitcast_convert_type3A_656 = tpu.bitcast %shift_left3A_655 : vector<16xi32> -> vector<16xf32>
        %add3A_657 = arith.addf %bitcast_convert_type3A_642, %bitcast_convert_type3A_656 : vector<16xf32>
        %bitcast_convert_type3A_658 = tpu.bitcast %get3A_652 : vector<16xi32> -> vector<16xf32>
        %add3A_659 = arith.addf %bitcast_convert_type3A_643, %bitcast_convert_type3A_658 : vector<16xf32>
        %mul3A_660 = arith.constant 11 : i32
        %mul3A_661 = arith.muli %scan3A_249, %mul3A_660 : i32
        %add3A_662 = arith.constant 2 : i32
        %add3A_663 = arith.addi %mul3A_661, %add3A_662 : i32
        %get3A_664 = arith.constant 1 : i32
        %get3A_665 = arith.index_cast %get3A_664 : i32 to index
        %get3A_666 = arith.index_cast %add3A_663 : i32 to index
        %get3A_667 = arith.constant 32 : index
        %get3A_668 = tpu.vector_load %arg6[%get3A_665, %get3A_666, %get3A_667] {strides = array<i32>} : memref<3x264x64xi32, #tpu.memory_space<vmem>>, vector<16xi32>,
        %shift_left3A_669 = arith.constant 16 : i32
        %shift_left3A_670 = vector.broadcast %shift_left3A_669 : i32 to vector<16xi32>
        %shift_left3A_671 = arith.shli %get3A_668, %shift_left3A_670 : vector<16xi32>
        %bitcast_convert_type3A_672 = tpu.bitcast %shift_left3A_671 : vector<16xi32> -> vector<16xf32>
        %add3A_673 = arith.addf %add3A_657, %bitcast_convert_type3A_672 : vector<16xf32>
        %bitcast_convert_type3A_674 = tpu.bitcast %get3A_668 : vector<16xi32> -> vector<16xf32>
        %add3A_675 = arith.addf %add3A_659, %bitcast_convert_type3A_674 : vector<16xf32>
        %mul3A_676 = arith.constant 11 : i32
        %mul3A_677 = arith.muli %scan3A_249, %mul3A_676 : i32
        %add3A_678 = arith.constant 3 : i32
        %add3A_679 = arith.addi %mul3A_677, %add3A_678 : i32
        %get3A_680 = arith.constant 1 : i32
        %get3A_681 = arith.index_cast %get3A_680 : i32 to index
        %get3A_682 = arith.index_cast %add3A_679 : i32 to index
        %get3A_683 = arith.constant 32 : index
        %get3A_684 = tpu.vector_load %arg6[%get3A_681, %get3A_682, %get3A_683] {strides = array<i32>} : memref<3x264x64xi32, #tpu.memory_space<vmem>>, vector<16xi32>,
        %shift_left3A_685 = arith.constant 16 : i32
        %shift_left3A_686 = vector.broadcast %shift_left3A_685 : i32 to vector<16xi32>
        %shift_left3A_687 = arith.shli %get3A_684, %shift_left3A_686 : vector<16xi32>
        %bitcast_convert_type3A_688 = tpu.bitcast %shift_left3A_687 : vector<16xi32> -> vector<16xf32>
        %add3A_689 = arith.addf %add3A_673, %bitcast_convert_type3A_688 : vector<16xf32>
        %bitcast_convert_type3A_690 = tpu.bitcast %get3A_684 : vector<16xi32> -> vector<16xf32>
        %add3A_691 = arith.addf %add3A_675, %bitcast_convert_type3A_690 : vector<16xf32>
        %mul3A_692 = arith.constant 11 : i32
        %mul3A_693 = arith.muli %scan3A_249, %mul3A_692 : i32
        %add3A_694 = arith.constant 4 : i32
        %add3A_695 = arith.addi %mul3A_693, %add3A_694 : i32
        %get3A_696 = arith.constant 1 : i32
        %get3A_697 = arith.index_cast %get3A_696 : i32 to index
        %get3A_698 = arith.index_cast %add3A_695 : i32 to index
        %get3A_699 = arith.constant 32 : index
        %get3A_700 = tpu.vector_load %arg6[%get3A_697, %get3A_698, %get3A_699] {strides = array<i32>} : memref<3x264x64xi32, #tpu.memory_space<vmem>>, vector<16xi32>,
        %shift_left3A_701 = arith.constant 16 : i32
        %shift_left3A_702 = vector.broadcast %shift_left3A_701 : i32 to vector<16xi32>
        %shift_left3A_703 = arith.shli %get3A_700, %shift_left3A_702 : vector<16xi32>
        %bitcast_convert_type3A_704 = tpu.bitcast %shift_left3A_703 : vector<16xi32> -> vector<16xf32>
        %add3A_705 = arith.addf %add3A_689, %bitcast_convert_type3A_704 : vector<16xf32>
        %bitcast_convert_type3A_706 = tpu.bitcast %get3A_700 : vector<16xi32> -> vector<16xf32>
        %add3A_707 = arith.addf %add3A_691, %bitcast_convert_type3A_706 : vector<16xf32>
        %mul3A_708 = arith.constant 11 : i32
        %mul3A_709 = arith.muli %scan3A_249, %mul3A_708 : i32
        %add3A_710 = arith.constant 5 : i32
        %add3A_711 = arith.addi %mul3A_709, %add3A_710 : i32
        %get3A_712 = arith.constant 1 : i32
        %get3A_713 = arith.index_cast %get3A_712 : i32 to index
        %get3A_714 = arith.index_cast %add3A_711 : i32 to index
        %get3A_715 = arith.constant 32 : index
        %get3A_716 = tpu.vector_load %arg6[%get3A_713, %get3A_714, %get3A_715] {strides = array<i32>} : memref<3x264x64xi32, #tpu.memory_space<vmem>>, vector<16xi32>,
        %shift_left3A_717 = arith.constant 16 : i32
        %shift_left3A_718 = vector.broadcast %shift_left3A_717 : i32 to vector<16xi32>
        %shift_left3A_719 = arith.shli %get3A_716, %shift_left3A_718 : vector<16xi32>
        %bitcast_convert_type3A_720 = tpu.bitcast %shift_left3A_719 : vector<16xi32> -> vector<16xf32>
        %add3A_721 = arith.addf %add3A_705, %bitcast_convert_type3A_720 : vector<16xf32>
        %bitcast_convert_type3A_722 = tpu.bitcast %get3A_716 : vector<16xi32> -> vector<16xf32>
        %add3A_723 = arith.addf %add3A_707, %bitcast_convert_type3A_722 : vector<16xf32>
        %mul3A_724 = arith.constant 11 : i32
        %mul3A_725 = arith.muli %scan3A_249, %mul3A_724 : i32
        %add3A_726 = arith.constant 6 : i32
        %add3A_727 = arith.addi %mul3A_725, %add3A_726 : i32
        %get3A_728 = arith.constant 1 : i32
        %get3A_729 = arith.index_cast %get3A_728 : i32 to index
        %get3A_730 = arith.index_cast %add3A_727 : i32 to index
        %get3A_731 = arith.constant 32 : index
        %get3A_732 = tpu.vector_load %arg6[%get3A_729, %get3A_730, %get3A_731] {strides = array<i32>} : memref<3x264x64xi32, #tpu.memory_space<vmem>>, vector<16xi32>,
        %shift_left3A_733 = arith.constant 16 : i32
        %shift_left3A_734 = vector.broadcast %shift_left3A_733 : i32 to vector<16xi32>
        %shift_left3A_735 = arith.shli %get3A_732, %shift_left3A_734 : vector<16xi32>
        %bitcast_convert_type3A_736 = tpu.bitcast %shift_left3A_735 : vector<16xi32> -> vector<16xf32>
        %add3A_737 = arith.addf %add3A_721, %bitcast_convert_type3A_736 : vector<16xf32>
        %bitcast_convert_type3A_738 = tpu.bitcast %get3A_732 : vector<16xi32> -> vector<16xf32>
        %add3A_739 = arith.addf %add3A_723, %bitcast_convert_type3A_738 : vector<16xf32>
        %mul3A_740 = arith.constant 11 : i32
        %mul3A_741 = arith.muli %scan3A_249, %mul3A_740 : i32
        %add3A_742 = arith.constant 7 : i32
        %add3A_743 = arith.addi %mul3A_741, %add3A_742 : i32
        %get3A_744 = arith.constant 1 : i32
        %get3A_745 = arith.index_cast %get3A_744 : i32 to index
        %get3A_746 = arith.index_cast %add3A_743 : i32 to index
        %get3A_747 = arith.constant 32 : index
        %get3A_748 = tpu.vector_load %arg6[%get3A_745, %get3A_746, %get3A_747] {strides = array<i32>} : memref<3x264x64xi32, #tpu.memory_space<vmem>>, vector<16xi32>,
        %shift_left3A_749 = arith.constant 16 : i32
        %shift_left3A_750 = vector.broadcast %shift_left3A_749 : i32 to vector<16xi32>
        %shift_left3A_751 = arith.shli %get3A_748, %shift_left3A_750 : vector<16xi32>
        %bitcast_convert_type3A_752 = tpu.bitcast %shift_left3A_751 : vector<16xi32> -> vector<16xf32>
        %add3A_753 = arith.addf %add3A_737, %bitcast_convert_type3A_752 : vector<16xf32>
        %bitcast_convert_type3A_754 = tpu.bitcast %get3A_748 : vector<16xi32> -> vector<16xf32>
        %add3A_755 = arith.addf %add3A_739, %bitcast_convert_type3A_754 : vector<16xf32>
        %mul3A_756 = arith.constant 11 : i32
        %mul3A_757 = arith.muli %scan3A_249, %mul3A_756 : i32
        %add3A_758 = arith.constant 8 : i32
        %add3A_759 = arith.addi %mul3A_757, %add3A_758 : i32
        %get3A_760 = arith.constant 1 : i32
        %get3A_761 = arith.index_cast %get3A_760 : i32 to index
        %get3A_762 = arith.index_cast %add3A_759 : i32 to index
        %get3A_763 = arith.constant 32 : index
        %get3A_764 = tpu.vector_load %arg6[%get3A_761, %get3A_762, %get3A_763] {strides = array<i32>} : memref<3x264x64xi32, #tpu.memory_space<vmem>>, vector<16xi32>,
        %shift_left3A_765 = arith.constant 16 : i32
        %shift_left3A_766 = vector.broadcast %shift_left3A_765 : i32 to vector<16xi32>
        %shift_left3A_767 = arith.shli %get3A_764, %shift_left3A_766 : vector<16xi32>
        %bitcast_convert_type3A_768 = tpu.bitcast %shift_left3A_767 : vector<16xi32> -> vector<16xf32>
        %add3A_769 = arith.addf %add3A_753, %bitcast_convert_type3A_768 : vector<16xf32>
        %bitcast_convert_type3A_770 = tpu.bitcast %get3A_764 : vector<16xi32> -> vector<16xf32>
        %add3A_771 = arith.addf %add3A_755, %bitcast_convert_type3A_770 : vector<16xf32>
        %mul3A_772 = arith.constant 11 : i32
        %mul3A_773 = arith.muli %scan3A_249, %mul3A_772 : i32
        %add3A_774 = arith.constant 9 : i32
        %add3A_775 = arith.addi %mul3A_773, %add3A_774 : i32
        %get3A_776 = arith.constant 1 : i32
        %get3A_777 = arith.index_cast %get3A_776 : i32 to index
        %get3A_778 = arith.index_cast %add3A_775 : i32 to index
        %get3A_779 = arith.constant 32 : index
        %get3A_780 = tpu.vector_load %arg6[%get3A_777, %get3A_778, %get3A_779] {strides = array<i32>} : memref<3x264x64xi32, #tpu.memory_space<vmem>>, vector<16xi32>,
        %shift_left3A_781 = arith.constant 16 : i32
        %shift_left3A_782 = vector.broadcast %shift_left3A_781 : i32 to vector<16xi32>
        %shift_left3A_783 = arith.shli %get3A_780, %shift_left3A_782 : vector<16xi32>
        %bitcast_convert_type3A_784 = tpu.bitcast %shift_left3A_783 : vector<16xi32> -> vector<16xf32>
        %add3A_785 = arith.addf %add3A_769, %bitcast_convert_type3A_784 : vector<16xf32>
        %bitcast_convert_type3A_786 = tpu.bitcast %get3A_780 : vector<16xi32> -> vector<16xf32>
        %add3A_787 = arith.addf %add3A_771, %bitcast_convert_type3A_786 : vector<16xf32>
        %mul3A_788 = arith.constant 11 : i32
        %mul3A_789 = arith.muli %scan3A_249, %mul3A_788 : i32
        %add3A_790 = arith.constant 10 : i32
        %add3A_791 = arith.addi %mul3A_789, %add3A_790 : i32
        %get3A_792 = arith.constant 1 : i32
        %get3A_793 = arith.index_cast %get3A_792 : i32 to index
        %get3A_794 = arith.index_cast %add3A_791 : i32 to index
        %get3A_795 = arith.constant 32 : index
        %get3A_796 = tpu.vector_load %arg6[%get3A_793, %get3A_794, %get3A_795] {strides = array<i32>} : memref<3x264x64xi32, #tpu.memory_space<vmem>>, vector<16xi32>,
        %shift_left3A_797 = arith.constant 16 : i32
        %shift_left3A_798 = vector.broadcast %shift_left3A_797 : i32 to vector<16xi32>
        %shift_left3A_799 = arith.shli %get3A_796, %shift_left3A_798 : vector<16xi32>
        %bitcast_convert_type3A_800 = tpu.bitcast %shift_left3A_799 : vector<16xi32> -> vector<16xf32>
        %add3A_801 = arith.addf %add3A_785, %bitcast_convert_type3A_800 : vector<16xf32>
        %bitcast_convert_type3A_802 = tpu.bitcast %get3A_796 : vector<16xi32> -> vector<16xf32>
        %add3A_803 = arith.addf %add3A_787, %bitcast_convert_type3A_802 : vector<16xf32>
        %mul3A_804 = arith.constant 128 : i32
        %mul3A_805 = arith.muli %scan3A_249, %mul3A_804 : i32
        %add3A_806 = arith.constant 32 : i32
        %add3A_807 = arith.addi %mul3A_805, %add3A_806 : i32
        %swap3A_808 = arith.constant 1 : i32
        %swap3A_809 = arith.index_cast %swap3A_808 : i32 to index
        %swap3A_810 = arith.index_cast %add3A_807 : i32 to index
        %swap3A_811 = tpu.vector_load %arg7[%swap3A_809, %swap3A_810] {strides = array<i32>} : memref<3x3072xf32, #tpu.memory_space<vmem>>, vector<16xf32>,
        tpu.vector_store %arg7[%swap3A_809, %swap3A_810], %add3A_801 {strides = array<i32>} : memref<3x3072xf32, #tpu.memory_space<vmem>>, vector<16xf32>,
        %mul3A_812 = arith.constant 128 : i32
        %mul3A_813 = arith.muli %scan3A_249, %mul3A_812 : i32
        %add3A_814 = arith.constant 64 : i32
        %add3A_815 = arith.addi %mul3A_813, %add3A_814 : i32
        %add3A_816 = arith.constant 32 : i32
        %add3A_817 = arith.addi %add3A_815, %add3A_816 : i32
        %swap3A_818 = arith.constant 1 : i32
        %swap3A_819 = arith.index_cast %swap3A_818 : i32 to index
        %swap3A_820 = arith.index_cast %add3A_817 : i32 to index
        %swap3A_821 = tpu.vector_load %arg7[%swap3A_819, %swap3A_820] {strides = array<i32>} : memref<3x3072xf32, #tpu.memory_space<vmem>>, vector<16xf32>,
        tpu.vector_store %arg7[%swap3A_819, %swap3A_820], %add3A_803 {strides = array<i32>} : memref<3x3072xf32, #tpu.memory_space<vmem>>, vector<16xf32>,
        %mul3A_822 = arith.constant 11 : i32
        %mul3A_823 = arith.muli %scan3A_249, %mul3A_822 : i32
        %add3A_824 = arith.constant 0 : i32
        %add3A_825 = arith.addi %mul3A_823, %add3A_824 : i32
        %get3A_826 = arith.constant 1 : i32
        %get3A_827 = arith.index_cast %get3A_826 : i32 to index
        %get3A_828 = arith.index_cast %add3A_825 : i32 to index
        %get3A_829 = arith.constant 48 : index
        %get3A_830 = tpu.vector_load %arg6[%get3A_827, %get3A_828, %get3A_829] {strides = array<i32>} : memref<3x264x64xi32, #tpu.memory_space<vmem>>, vector<16xi32>,
        %shift_left3A_831 = arith.constant 16 : i32
        %shift_left3A_832 = vector.broadcast %shift_left3A_831 : i32 to vector<16xi32>
        %shift_left3A_833 = arith.shli %get3A_830, %shift_left3A_832 : vector<16xi32>
        %bitcast_convert_type3A_834 = tpu.bitcast %shift_left3A_833 : vector<16xi32> -> vector<16xf32>
        %bitcast_convert_type3A_835 = tpu.bitcast %get3A_830 : vector<16xi32> -> vector<16xf32>
        %mul3A_836 = arith.constant 11 : i32
        %mul3A_837 = arith.muli %scan3A_249, %mul3A_836 : i32
        %add3A_838 = arith.constant 1 : i32
        %add3A_839 = arith.addi %mul3A_837, %add3A_838 : i32
        %get3A_840 = arith.constant 1 : i32
        %get3A_841 = arith.index_cast %get3A_840 : i32 to index
        %get3A_842 = arith.index_cast %add3A_839 : i32 to index
        %get3A_843 = arith.constant 48 : index
        %get3A_844 = tpu.vector_load %arg6[%get3A_841, %get3A_842, %get3A_843] {strides = array<i32>} : memref<3x264x64xi32, #tpu.memory_space<vmem>>, vector<16xi32>,
        %shift_left3A_845 = arith.constant 16 : i32
        %shift_left3A_846 = vector.broadcast %shift_left3A_845 : i32 to vector<16xi32>
        %shift_left3A_847 = arith.shli %get3A_844, %shift_left3A_846 : vector<16xi32>
        %bitcast_convert_type3A_848 = tpu.bitcast %shift_left3A_847 : vector<16xi32> -> vector<16xf32>
        %add3A_849 = arith.addf %bitcast_convert_type3A_834, %bitcast_convert_type3A_848 : vector<16xf32>
        %bitcast_convert_type3A_850 = tpu.bitcast %get3A_844 : vector<16xi32> -> vector<16xf32>
        %add3A_851 = arith.addf %bitcast_convert_type3A_835, %bitcast_convert_type3A_850 : vector<16xf32>
        %mul3A_852 = arith.constant 11 : i32
        %mul3A_853 = arith.muli %scan3A_249, %mul3A_852 : i32
        %add3A_854 = arith.constant 2 : i32
        %add3A_855 = arith.addi %mul3A_853, %add3A_854 : i32
        %get3A_856 = arith.constant 1 : i32
        %get3A_857 = arith.index_cast %get3A_856 : i32 to index
        %get3A_858 = arith.index_cast %add3A_855 : i32 to index
        %get3A_859 = arith.constant 48 : index
        %get3A_860 = tpu.vector_load %arg6[%get3A_857, %get3A_858, %get3A_859] {strides = array<i32>} : memref<3x264x64xi32, #tpu.memory_space<vmem>>, vector<16xi32>,
        %shift_left3A_861 = arith.constant 16 : i32
        %shift_left3A_862 = vector.broadcast %shift_left3A_861 : i32 to vector<16xi32>
        %shift_left3A_863 = arith.shli %get3A_860, %shift_left3A_862 : vector<16xi32>
        %bitcast_convert_type3A_864 = tpu.bitcast %shift_left3A_863 : vector<16xi32> -> vector<16xf32>
        %add3A_865 = arith.addf %add3A_849, %bitcast_convert_type3A_864 : vector<16xf32>
        %bitcast_convert_type3A_866 = tpu.bitcast %get3A_860 : vector<16xi32> -> vector<16xf32>
        %add3A_867 = arith.addf %add3A_851, %bitcast_convert_type3A_866 : vector<16xf32>
        %mul3A_868 = arith.constant 11 : i32
        %mul3A_869 = arith.muli %scan3A_249, %mul3A_868 : i32
        %add3A_870 = arith.constant 3 : i32
        %add3A_871 = arith.addi %mul3A_869, %add3A_870 : i32
        %get3A_872 = arith.constant 1 : i32
        %get3A_873 = arith.index_cast %get3A_872 : i32 to index
        %get3A_874 = arith.index_cast %add3A_871 : i32 to index
        %get3A_875 = arith.constant 48 : index
        %get3A_876 = tpu.vector_load %arg6[%get3A_873, %get3A_874, %get3A_875] {strides = array<i32>} : memref<3x264x64xi32, #tpu.memory_space<vmem>>, vector<16xi32>,
        %shift_left3A_877 = arith.constant 16 : i32
        %shift_left3A_878 = vector.broadcast %shift_left3A_877 : i32 to vector<16xi32>
        %shift_left3A_879 = arith.shli %get3A_876, %shift_left3A_878 : vector<16xi32>
        %bitcast_convert_type3A_880 = tpu.bitcast %shift_left3A_879 : vector<16xi32> -> vector<16xf32>
        %add3A_881 = arith.addf %add3A_865, %bitcast_convert_type3A_880 : vector<16xf32>
        %bitcast_convert_type3A_882 = tpu.bitcast %get3A_876 : vector<16xi32> -> vector<16xf32>
        %add3A_883 = arith.addf %add3A_867, %bitcast_convert_type3A_882 : vector<16xf32>
        %mul3A_884 = arith.constant 11 : i32
        %mul3A_885 = arith.muli %scan3A_249, %mul3A_884 : i32
        %add3A_886 = arith.constant 4 : i32
        %add3A_887 = arith.addi %mul3A_885, %add3A_886 : i32
        %get3A_888 = arith.constant 1 : i32
        %get3A_889 = arith.index_cast %get3A_888 : i32 to index
        %get3A_890 = arith.index_cast %add3A_887 : i32 to index
        %get3A_891 = arith.constant 48 : index
        %get3A_892 = tpu.vector_load %arg6[%get3A_889, %get3A_890, %get3A_891] {strides = array<i32>} : memref<3x264x64xi32, #tpu.memory_space<vmem>>, vector<16xi32>,
        %shift_left3A_893 = arith.constant 16 : i32
        %shift_left3A_894 = vector.broadcast %shift_left3A_893 : i32 to vector<16xi32>
        %shift_left3A_895 = arith.shli %get3A_892, %shift_left3A_894 : vector<16xi32>
        %bitcast_convert_type3A_896 = tpu.bitcast %shift_left3A_895 : vector<16xi32> -> vector<16xf32>
        %add3A_897 = arith.addf %add3A_881, %bitcast_convert_type3A_896 : vector<16xf32>
        %bitcast_convert_type3A_898 = tpu.bitcast %get3A_892 : vector<16xi32> -> vector<16xf32>
        %add3A_899 = arith.addf %add3A_883, %bitcast_convert_type3A_898 : vector<16xf32>
        %mul3A_900 = arith.constant 11 : i32
        %mul3A_901 = arith.muli %scan3A_249, %mul3A_900 : i32
        %add3A_902 = arith.constant 5 : i32
        %add3A_903 = arith.addi %mul3A_901, %add3A_902 : i32
        %get3A_904 = arith.constant 1 : i32
        %get3A_905 = arith.index_cast %get3A_904 : i32 to index
        %get3A_906 = arith.index_cast %add3A_903 : i32 to index
        %get3A_907 = arith.constant 48 : index
        %get3A_908 = tpu.vector_load %arg6[%get3A_905, %get3A_906, %get3A_907] {strides = array<i32>} : memref<3x264x64xi32, #tpu.memory_space<vmem>>, vector<16xi32>,
        %shift_left3A_909 = arith.constant 16 : i32
        %shift_left3A_910 = vector.broadcast %shift_left3A_909 : i32 to vector<16xi32>
        %shift_left3A_911 = arith.shli %get3A_908, %shift_left3A_910 : vector<16xi32>
        %bitcast_convert_type3A_912 = tpu.bitcast %shift_left3A_911 : vector<16xi32> -> vector<16xf32>
        %add3A_913 = arith.addf %add3A_897, %bitcast_convert_type3A_912 : vector<16xf32>
        %bitcast_convert_type3A_914 = tpu.bitcast %get3A_908 : vector<16xi32> -> vector<16xf32>
        %add3A_915 = arith.addf %add3A_899, %bitcast_convert_type3A_914 : vector<16xf32>
        %mul3A_916 = arith.constant 11 : i32
        %mul3A_917 = arith.muli %scan3A_249, %mul3A_916 : i32
        %add3A_918 = arith.constant 6 : i32
        %add3A_919 = arith.addi %mul3A_917, %add3A_918 : i32
        %get3A_920 = arith.constant 1 : i32
        %get3A_921 = arith.index_cast %get3A_920 : i32 to index
        %get3A_922 = arith.index_cast %add3A_919 : i32 to index
        %get3A_923 = arith.constant 48 : index
        %get3A_924 = tpu.vector_load %arg6[%get3A_921, %get3A_922, %get3A_923] {strides = array<i32>} : memref<3x264x64xi32, #tpu.memory_space<vmem>>, vector<16xi32>,
        %shift_left3A_925 = arith.constant 16 : i32
        %shift_left3A_926 = vector.broadcast %shift_left3A_925 : i32 to vector<16xi32>
        %shift_left3A_927 = arith.shli %get3A_924, %shift_left3A_926 : vector<16xi32>
        %bitcast_convert_type3A_928 = tpu.bitcast %shift_left3A_927 : vector<16xi32> -> vector<16xf32>
        %add3A_929 = arith.addf %add3A_913, %bitcast_convert_type3A_928 : vector<16xf32>
        %bitcast_convert_type3A_930 = tpu.bitcast %get3A_924 : vector<16xi32> -> vector<16xf32>
        %add3A_931 = arith.addf %add3A_915, %bitcast_convert_type3A_930 : vector<16xf32>
        %mul3A_932 = arith.constant 11 : i32
        %mul3A_933 = arith.muli %scan3A_249, %mul3A_932 : i32
        %add3A_934 = arith.constant 7 : i32
        %add3A_935 = arith.addi %mul3A_933, %add3A_934 : i32
        %get3A_936 = arith.constant 1 : i32
        %get3A_937 = arith.index_cast %get3A_936 : i32 to index
        %get3A_938 = arith.index_cast %add3A_935 : i32 to index
        %get3A_939 = arith.constant 48 : index
        %get3A_940 = tpu.vector_load %arg6[%get3A_937, %get3A_938, %get3A_939] {strides = array<i32>} : memref<3x264x64xi32, #tpu.memory_space<vmem>>, vector<16xi32>,
        %shift_left3A_941 = arith.constant 16 : i32
        %shift_left3A_942 = vector.broadcast %shift_left3A_941 : i32 to vector<16xi32>
        %shift_left3A_943 = arith.shli %get3A_940, %shift_left3A_942 : vector<16xi32>
        %bitcast_convert_type3A_944 = tpu.bitcast %shift_left3A_943 : vector<16xi32> -> vector<16xf32>
        %add3A_945 = arith.addf %add3A_929, %bitcast_convert_type3A_944 : vector<16xf32>
        %bitcast_convert_type3A_946 = tpu.bitcast %get3A_940 : vector<16xi32> -> vector<16xf32>
        %add3A_947 = arith.addf %add3A_931, %bitcast_convert_type3A_946 : vector<16xf32>
        %mul3A_948 = arith.constant 11 : i32
        %mul3A_949 = arith.muli %scan3A_249, %mul3A_948 : i32
        %add3A_950 = arith.constant 8 : i32
        %add3A_951 = arith.addi %mul3A_949, %add3A_950 : i32
        %get3A_952 = arith.constant 1 : i32
        %get3A_953 = arith.index_cast %get3A_952 : i32 to index
        %get3A_954 = arith.index_cast %add3A_951 : i32 to index
        %get3A_955 = arith.constant 48 : index
        %get3A_956 = tpu.vector_load %arg6[%get3A_953, %get3A_954, %get3A_955] {strides = array<i32>} : memref<3x264x64xi32, #tpu.memory_space<vmem>>, vector<16xi32>,
        %shift_left3A_957 = arith.constant 16 : i32
        %shift_left3A_958 = vector.broadcast %shift_left3A_957 : i32 to vector<16xi32>
        %shift_left3A_959 = arith.shli %get3A_956, %shift_left3A_958 : vector<16xi32>
        %bitcast_convert_type3A_960 = tpu.bitcast %shift_left3A_959 : vector<16xi32> -> vector<16xf32>
        %add3A_961 = arith.addf %add3A_945, %bitcast_convert_type3A_960 : vector<16xf32>
        %bitcast_convert_type3A_962 = tpu.bitcast %get3A_956 : vector<16xi32> -> vector<16xf32>
        %add3A_963 = arith.addf %add3A_947, %bitcast_convert_type3A_962 : vector<16xf32>
        %mul3A_964 = arith.constant 11 : i32
        %mul3A_965 = arith.muli %scan3A_249, %mul3A_964 : i32
        %add3A_966 = arith.constant 9 : i32
        %add3A_967 = arith.addi %mul3A_965, %add3A_966 : i32
        %get3A_968 = arith.constant 1 : i32
        %get3A_969 = arith.index_cast %get3A_968 : i32 to index
        %get3A_970 = arith.index_cast %add3A_967 : i32 to index
        %get3A_971 = arith.constant 48 : index
        %get3A_972 = tpu.vector_load %arg6[%get3A_969, %get3A_970, %get3A_971] {strides = array<i32>} : memref<3x264x64xi32, #tpu.memory_space<vmem>>, vector<16xi32>,
        %shift_left3A_973 = arith.constant 16 : i32
        %shift_left3A_974 = vector.broadcast %shift_left3A_973 : i32 to vector<16xi32>
        %shift_left3A_975 = arith.shli %get3A_972, %shift_left3A_974 : vector<16xi32>
        %bitcast_convert_type3A_976 = tpu.bitcast %shift_left3A_975 : vector<16xi32> -> vector<16xf32>
        %add3A_977 = arith.addf %add3A_961, %bitcast_convert_type3A_976 : vector<16xf32>
        %bitcast_convert_type3A_978 = tpu.bitcast %get3A_972 : vector<16xi32> -> vector<16xf32>
        %add3A_979 = arith.addf %add3A_963, %bitcast_convert_type3A_978 : vector<16xf32>
        %mul3A_980 = arith.constant 11 : i32
        %mul3A_981 = arith.muli %scan3A_249, %mul3A_980 : i32
        %add3A_982 = arith.constant 10 : i32
        %add3A_983 = arith.addi %mul3A_981, %add3A_982 : i32
        %get3A_984 = arith.constant 1 : i32
        %get3A_985 = arith.index_cast %get3A_984 : i32 to index
        %get3A_986 = arith.index_cast %add3A_983 : i32 to index
        %get3A_987 = arith.constant 48 : index
        %get3A_988 = tpu.vector_load %arg6[%get3A_985, %get3A_986, %get3A_987] {strides = array<i32>} : memref<3x264x64xi32, #tpu.memory_space<vmem>>, vector<16xi32>,
        %shift_left3A_989 = arith.constant 16 : i32
        %shift_left3A_990 = vector.broadcast %shift_left3A_989 : i32 to vector<16xi32>
        %shift_left3A_991 = arith.shli %get3A_988, %shift_left3A_990 : vector<16xi32>
        %bitcast_convert_type3A_992 = tpu.bitcast %shift_left3A_991 : vector<16xi32> -> vector<16xf32>
        %add3A_993 = arith.addf %add3A_977, %bitcast_convert_type3A_992 : vector<16xf32>
        %bitcast_convert_type3A_994 = tpu.bitcast %get3A_988 : vector<16xi32> -> vector<16xf32>
        %add3A_995 = arith.addf %add3A_979, %bitcast_convert_type3A_994 : vector<16xf32>
        %mul3A_996 = arith.constant 128 : i32
        %mul3A_997 = arith.muli %scan3A_249, %mul3A_996 : i32
        %add3A_998 = arith.constant 48 : i32
        %add3A_999 = arith.addi %mul3A_997, %add3A_998 : i32
        %swap3A_1000 = arith.constant 1 : i32
        %swap3A_1001 = arith.index_cast %swap3A_1000 : i32 to index
        %swap3A_1002 = arith.index_cast %add3A_999 : i32 to index
        %swap3A_1003 = tpu.vector_load %arg7[%swap3A_1001, %swap3A_1002] {strides = array<i32>} : memref<3x3072xf32, #tpu.memory_space<vmem>>, vector<16xf32>,
        tpu.vector_store %arg7[%swap3A_1001, %swap3A_1002], %add3A_993 {strides = array<i32>} : memref<3x3072xf32, #tpu.memory_space<vmem>>, vector<16xf32>,
        %mul3A_1004 = arith.constant 128 : i32
        %mul3A_1005 = arith.muli %scan3A_249, %mul3A_1004 : i32
        %add3A_1006 = arith.constant 64 : i32
        %add3A_1007 = arith.addi %mul3A_1005, %add3A_1006 : i32
        %add3A_1008 = arith.constant 48 : i32
        %add3A_1009 = arith.addi %add3A_1007, %add3A_1008 : i32
        %swap3A_1010 = arith.constant 1 : i32
        %swap3A_1011 = arith.index_cast %swap3A_1010 : i32 to index
        %swap3A_1012 = arith.index_cast %add3A_1009 : i32 to index
        %swap3A_1013 = tpu.vector_load %arg7[%swap3A_1011, %swap3A_1012] {strides = array<i32>} : memref<3x3072xf32, #tpu.memory_space<vmem>>, vector<16xf32>,
        tpu.vector_store %arg7[%swap3A_1011, %swap3A_1012], %add3A_995 {strides = array<i32>} : memref<3x3072xf32, #tpu.memory_space<vmem>>, vector<16xf32>,
      }
      %scan3A_167 = arith.constant 24 : i32
      %mul3A_168 = arith.constant 1584 : i32
      %mul3A_169 = arith.muli %add3A, %mul3A_168 : i32
      %mul3A_170 = arith.constant 24 : i32
      %mul3A_171 = arith.muli %add3A_142, %mul3A_170 : i32
      %add3A_172 = arith.addi %mul3A_169, %mul3A_171 : i32
      %mul3A_173 = arith.constant 128 : i32
      %mul3A_174 = arith.muli %add3A_172, %mul3A_173 : i32
      %dma_start3A_175 = arith.constant 1 : i32
      %dma_start3A_176 = arith.constant 1 : i32
      %dma_start3A_177 = arith.constant 0 : i32
      %dma_start3A_178 = tpu.memref_slice %arg7[%dma_start3A_175, %dma_start3A_177] : memref<3x3072xf32, #tpu.memory_space<vmem>> -> memref<1x3072xf32, #tpu.memory_space<vmem>>
      %dma_start3A_179 = tpu.memref_squeeze %dma_start3A_178 : memref<1x3072xf32, #tpu.memory_space<vmem>> -> memref<3072xf32, #tpu.memory_space<vmem>>
      %dma_start3A_180 = tpu.memref_slice %arg4[%mul3A_174] : memref<6488064xf32, #tpu.memory_space<hbm>> -> memref<3072xf32, #tpu.memory_space<hbm>>
      %dma_start3A_181 = tpu.memref_slice %arg9[%dma_start3A_176] : memref<3x!tpu.dma_semaphore, #tpu.memory_space<semaphore_mem>> -> memref<1x!tpu.dma_semaphore, #tpu.memory_space<semaphore_mem>>
      %dma_start3A_182 = tpu.memref_squeeze %dma_start3A_181 : memref<1x!tpu.dma_semaphore, #tpu.memory_space<semaphore_mem>> -> memref<!tpu.dma_semaphore, #tpu.memory_space<semaphore_mem>>
      %dma_start3A_183 = tpu.memref_slice %arg4[%mul3A_174] : memref<6488064xf32, #tpu.memory_space<hbm>> -> memref<3072xf32, #tpu.memory_space<hbm>>
      %dma_start3A_184 = arith.constant 0 : i32
      %dma_start3A_185 = tpu.memref_slice %arg7[%dma_start3A_175, %dma_start3A_184] : memref<3x3072xf32, #tpu.memory_space<vmem>> -> memref<1x3072xf32, #tpu.memory_space<vmem>>
      %dma_start3A_186 = tpu.memref_squeeze %dma_start3A_185 : memref<1x3072xf32, #tpu.memory_space<vmem>> -> memref<3072xf32, #tpu.memory_space<vmem>>
      tpu.enqueue_dma source(%dma_start3A_186 : memref<3072xf32, #tpu.memory_space<vmem>>) target(%dma_start3A_183 : memref<3072xf32, #tpu.memory_space<hbm>>) target_semaphore(%dma_start3A_182 : memref<!tpu.dma_semaphore, #tpu.memory_space<semaphore_mem>>)
      %add3A_187 = arith.constant 3 : i32
      %add3A_188 = arith.addi %add3A_142, %add3A_187 : i32
      %lt3A_189 = arith.constant 66 : i32
      %lt3A_190 = arith.cmpi slt, %add3A_188, %lt3A_189 : i32
      %convert_element_type3A_191 = arith.extui %lt3A_190 : i1 to i32
      %cond3A_192 = arith.constant 0 : i32
      %cond3A_193 = arith.cmpi ne, %convert_element_type3A_191, %cond3A_192 : i32
      scf.if %cond3A_193 {
        %add3A_249 = arith.constant 3 : i32
        %add3A_250 = arith.addi %add3A_142, %add3A_249 : i32
        %mul3A_251 = arith.constant 264 : i32
        %mul3A_252 = arith.muli %add3A_250, %mul3A_251 : i32
        %dma_start3A_253 = arith.constant 1 : i32
        %dma_start3A_254 = arith.constant 1 : i32
        %dma_start3A_255 = arith.constant 0 : i32
        %dma_start3A_256 = arith.constant 0 : i32
        %dma_start3A_257 = tpu.memref_slice %arg6[%dma_start3A_253, %dma_start3A_255, %dma_start3A_256] : memref<3x264x64xi32, #tpu.memory_space<vmem>> -> memref<1x264x64xi32, #tpu.memory_space<vmem>>
        %dma_start3A_258 = tpu.memref_squeeze %dma_start3A_257 : memref<1x264x64xi32, #tpu.memory_space<vmem>> -> memref<264x64xi32, #tpu.memory_space<vmem>>
        %dma_start3A_259 = tpu.memref_slice %arg5[%mul3A_252] : memref<17424xi32, #tpu.memory_space<vmem>> -> memref<264xi32, #tpu.memory_space<vmem>>
        %dma_start3A_260 = arith.constant 0 : i32
        %dma_start3A_261 = arith.constant 0 : i32
        %dma_start3A_262 = tpu.memref_slice %arg3[%dma_start3A_260, %dma_start3A_261] : memref<50000x64xi32, #tpu.memory_space<hbm>> -> memref<50000x64xi32, #tpu.memory_space<hbm>>
        %dma_start3A_263 = tpu.memref_slice %arg8[%dma_start3A_254] : memref<3x!tpu.dma_semaphore, #tpu.memory_space<semaphore_mem>> -> memref<1x!tpu.dma_semaphore, #tpu.memory_space<semaphore_mem>>
        %dma_start3A_264 = tpu.memref_squeeze %dma_start3A_263 : memref<1x!tpu.dma_semaphore, #tpu.memory_space<semaphore_mem>> -> memref<!tpu.dma_semaphore, #tpu.memory_space<semaphore_mem>>
        tpu.enqueue_indirect_dma source(%dma_start3A_262 : memref<50000x64xi32, #tpu.memory_space<hbm>>) target(%dma_start3A_258 : memref<264x64xi32, #tpu.memory_space<vmem>>) offsets(%dma_start3A_259 : memref<264xi32, #tpu.memory_space<vmem>>) semaphore(%dma_start3A_264 : memref<!tpu.dma_semaphore, #tpu.memory_space<semaphore_mem>>)
      } else {
      }
      %mul3A_194 = arith.constant 3 : i32
      %mul3A_195 = arith.muli %scan3A_87, %mul3A_194 : i32
      %add3A_196 = arith.constant 2 : i32
      %add3A_197 = arith.addi %mul3A_195, %add3A_196 : i32
      %mul3A_198 = arith.constant 264 : i32
      %mul3A_199 = arith.muli %add3A_197, %mul3A_198 : i32
      %dma_wait3A_200 = arith.constant 2 : i32
      %dma_wait3A_201 = arith.constant 2 : i32
      %dma_wait3A_202 = arith.constant 0 : i32
      %dma_wait3A_203 = arith.constant 0 : i32
      %dma_wait3A_204 = tpu.memref_slice %arg6[%dma_wait3A_200, %dma_wait3A_202, %dma_wait3A_203] : memref<3x264x64xi32, #tpu.memory_space<vmem>> -> memref<1x264x64xi32, #tpu.memory_space<vmem>>
      %dma_wait3A_205 = tpu.memref_squeeze %dma_wait3A_204 : memref<1x264x64xi32, #tpu.memory_space<vmem>> -> memref<264x64xi32, #tpu.memory_space<vmem>>
      %dma_wait3A_206 = tpu.memref_slice %arg5[%mul3A_199] : memref<17424xi32, #tpu.memory_space<vmem>> -> memref<264xi32, #tpu.memory_space<vmem>>
      %dma_wait3A_207 = arith.constant 0 : i32
      %dma_wait3A_208 = arith.constant 0 : i32
      %dma_wait3A_209 = tpu.memref_slice %arg3[%dma_wait3A_207, %dma_wait3A_208] : memref<50000x64xi32, #tpu.memory_space<hbm>> -> memref<50000x64xi32, #tpu.memory_space<hbm>>
      %dma_wait3A_210 = tpu.memref_slice %arg8[%dma_wait3A_201] : memref<3x!tpu.dma_semaphore, #tpu.memory_space<semaphore_mem>> -> memref<1x!tpu.dma_semaphore, #tpu.memory_space<semaphore_mem>>
      %dma_wait3A_211 = tpu.memref_squeeze %dma_wait3A_210 : memref<1x!tpu.dma_semaphore, #tpu.memory_space<semaphore_mem>> -> memref<!tpu.dma_semaphore, #tpu.memory_space<semaphore_mem>>
      tpu.wait_indirect_dma semaphore(%dma_wait3A_211 : memref<!tpu.dma_semaphore, #tpu.memory_space<semaphore_mem>>) src(%dma_wait3A_209 : memref<50000x64xi32, #tpu.memory_space<hbm>>) dst(%dma_wait3A_205 : memref<264x64xi32, #tpu.memory_space<vmem>>)
      %gt3A_212 = arith.constant 0 : i32
      %gt3A_213 = arith.cmpi sgt, %scan3A_87, %gt3A_212 : i32
      %convert_element_type3A_214 = arith.extui %gt3A_213 : i1 to i32
      %cond3A_215 = arith.constant 0 : i32
      %cond3A_216 = arith.cmpi ne, %convert_element_type3A_214, %cond3A_215 : i32
      scf.if %cond3A_216 {
        %dma_wait3A_249 = arith.constant 2 : i32
        %dma_wait3A_250 = arith.constant 2 : i32
        %dma_wait3A_251 = arith.constant 0 : i32
        %dma_wait3A_252 = tpu.memref_slice %arg7[%dma_wait3A_249, %dma_wait3A_251] : memref<3x3072xf32, #tpu.memory_space<vmem>> -> memref<1x3072xf32, #tpu.memory_space<vmem>>
        %dma_wait3A_253 = tpu.memref_squeeze %dma_wait3A_252 : memref<1x3072xf32, #tpu.memory_space<vmem>> -> memref<3072xf32, #tpu.memory_space<vmem>>
        %dma_wait3A_254 = arith.constant 0 : i32
        %dma_wait3A_255 = tpu.memref_slice %arg4[%dma_wait3A_254] : memref<6488064xf32, #tpu.memory_space<hbm>> -> memref<3072xf32, #tpu.memory_space<hbm>>
        %dma_wait3A_256 = tpu.memref_slice %arg9[%dma_wait3A_250] : memref<3x!tpu.dma_semaphore, #tpu.memory_space<semaphore_mem>> -> memref<1x!tpu.dma_semaphore, #tpu.memory_space<semaphore_mem>>
        %dma_wait3A_257 = tpu.memref_squeeze %dma_wait3A_256 : memref<1x!tpu.dma_semaphore, #tpu.memory_space<semaphore_mem>> -> memref<!tpu.dma_semaphore, #tpu.memory_space<semaphore_mem>>
        %dma_wait3A_258 = arith.constant 0 : i32
        %dma_wait3A_259 = tpu.memref_slice %arg4[%dma_wait3A_258] : memref<6488064xf32, #tpu.memory_space<hbm>> -> memref<3072xf32, #tpu.memory_space<hbm>>
        %dma_wait3A_260 = arith.constant 0 : i32
        %dma_wait3A_261 = tpu.memref_slice %arg7[%dma_wait3A_249, %dma_wait3A_260] : memref<3x3072xf32, #tpu.memory_space<vmem>> -> memref<1x3072xf32, #tpu.memory_space<vmem>>
        %dma_wait3A_262 = tpu.memref_squeeze %dma_wait3A_261 : memref<1x3072xf32, #tpu.memory_space<vmem>> -> memref<3072xf32, #tpu.memory_space<vmem>>
        tpu.wait_dma2 semaphore(%dma_wait3A_257 : memref<!tpu.dma_semaphore, #tpu.memory_space<semaphore_mem>>) src(%dma_wait3A_262 : memref<3072xf32, #tpu.memory_space<vmem>>) dst(%dma_wait3A_259 : memref<3072xf32, #tpu.memory_space<hbm>>)
      } else {
      }
      %scan3A_217 = arith.constant 0 : i32
      %scan3A_218 = arith.constant 0 : i32
      %scan3A_219 = arith.constant 24 : i32
      %scan3A_220 = arith.addi %scan3A_218, %scan3A_219 : i32
      %scan3A_221 = arith.constant 1 : i32
      scf.for %scan3A_249 = %scan3A_218 to %scan3A_220 step %scan3A_221  : i32 {
        %mul3A_250 = arith.constant 11 : i32
        %mul3A_251 = arith.muli %scan3A_249, %mul3A_250 : i32
        %add3A_252 = arith.constant 0 : i32
        %add3A_253 = arith.addi %mul3A_251, %add3A_252 : i32
        %get3A = arith.constant 2 : i32
        %get3A_254 = arith.index_cast %get3A : i32 to index
        %get3A_255 = arith.index_cast %add3A_253 : i32 to index
        %get3A_256 = arith.constant 0 : index
        %get3A_257 = tpu.vector_load %arg6[%get3A_254, %get3A_255, %get3A_256] {strides = array<i32>} : memref<3x264x64xi32, #tpu.memory_space<vmem>>, vector<16xi32>,
        %shift_left3A = arith.constant 16 : i32
        %shift_left3A_258 = vector.broadcast %shift_left3A : i32 to vector<16xi32>
        %shift_left3A_259 = arith.shli %get3A_257, %shift_left3A_258 : vector<16xi32>
        %bitcast_convert_type3A = tpu.bitcast %shift_left3A_259 : vector<16xi32> -> vector<16xf32>
        %bitcast_convert_type3A_260 = tpu.bitcast %get3A_257 : vector<16xi32> -> vector<16xf32>
        %mul3A_261 = arith.constant 11 : i32
        %mul3A_262 = arith.muli %scan3A_249, %mul3A_261 : i32
        %add3A_263 = arith.constant 1 : i32
        %add3A_264 = arith.addi %mul3A_262, %add3A_263 : i32
        %get3A_265 = arith.constant 2 : i32
        %get3A_266 = arith.index_cast %get3A_265 : i32 to index
        %get3A_267 = arith.index_cast %add3A_264 : i32 to index
        %get3A_268 = arith.constant 0 : index
        %get3A_269 = tpu.vector_load %arg6[%get3A_266, %get3A_267, %get3A_268] {strides = array<i32>} : memref<3x264x64xi32, #tpu.memory_space<vmem>>, vector<16xi32>,
        %shift_left3A_270 = arith.constant 16 : i32
        %shift_left3A_271 = vector.broadcast %shift_left3A_270 : i32 to vector<16xi32>
        %shift_left3A_272 = arith.shli %get3A_269, %shift_left3A_271 : vector<16xi32>
        %bitcast_convert_type3A_273 = tpu.bitcast %shift_left3A_272 : vector<16xi32> -> vector<16xf32>
        %add3A_274 = arith.addf %bitcast_convert_type3A, %bitcast_convert_type3A_273 : vector<16xf32>
        %bitcast_convert_type3A_275 = tpu.bitcast %get3A_269 : vector<16xi32> -> vector<16xf32>
        %add3A_276 = arith.addf %bitcast_convert_type3A_260, %bitcast_convert_type3A_275 : vector<16xf32>
        %mul3A_277 = arith.constant 11 : i32
        %mul3A_278 = arith.muli %scan3A_249, %mul3A_277 : i32
        %add3A_279 = arith.constant 2 : i32
        %add3A_280 = arith.addi %mul3A_278, %add3A_279 : i32
        %get3A_281 = arith.constant 2 : i32
        %get3A_282 = arith.index_cast %get3A_281 : i32 to index
        %get3A_283 = arith.index_cast %add3A_280 : i32 to index
        %get3A_284 = arith.constant 0 : index
        %get3A_285 = tpu.vector_load %arg6[%get3A_282, %get3A_283, %get3A_284] {strides = array<i32>} : memref<3x264x64xi32, #tpu.memory_space<vmem>>, vector<16xi32>,
        %shift_left3A_286 = arith.constant 16 : i32
        %shift_left3A_287 = vector.broadcast %shift_left3A_286 : i32 to vector<16xi32>
        %shift_left3A_288 = arith.shli %get3A_285, %shift_left3A_287 : vector<16xi32>
        %bitcast_convert_type3A_289 = tpu.bitcast %shift_left3A_288 : vector<16xi32> -> vector<16xf32>
        %add3A_290 = arith.addf %add3A_274, %bitcast_convert_type3A_289 : vector<16xf32>
        %bitcast_convert_type3A_291 = tpu.bitcast %get3A_285 : vector<16xi32> -> vector<16xf32>
        %add3A_292 = arith.addf %add3A_276, %bitcast_convert_type3A_291 : vector<16xf32>
        %mul3A_293 = arith.constant 11 : i32
        %mul3A_294 = arith.muli %scan3A_249, %mul3A_293 : i32
        %add3A_295 = arith.constant 3 : i32
        %add3A_296 = arith.addi %mul3A_294, %add3A_295 : i32
        %get3A_297 = arith.constant 2 : i32
        %get3A_298 = arith.index_cast %get3A_297 : i32 to index
        %get3A_299 = arith.index_cast %add3A_296 : i32 to index
        %get3A_300 = arith.constant 0 : index
        %get3A_301 = tpu.vector_load %arg6[%get3A_298, %get3A_299, %get3A_300] {strides = array<i32>} : memref<3x264x64xi32, #tpu.memory_space<vmem>>, vector<16xi32>,
        %shift_left3A_302 = arith.constant 16 : i32
        %shift_left3A_303 = vector.broadcast %shift_left3A_302 : i32 to vector<16xi32>
        %shift_left3A_304 = arith.shli %get3A_301, %shift_left3A_303 : vector<16xi32>
        %bitcast_convert_type3A_305 = tpu.bitcast %shift_left3A_304 : vector<16xi32> -> vector<16xf32>
        %add3A_306 = arith.addf %add3A_290, %bitcast_convert_type3A_305 : vector<16xf32>
        %bitcast_convert_type3A_307 = tpu.bitcast %get3A_301 : vector<16xi32> -> vector<16xf32>
        %add3A_308 = arith.addf %add3A_292, %bitcast_convert_type3A_307 : vector<16xf32>
        %mul3A_309 = arith.constant 11 : i32
        %mul3A_310 = arith.muli %scan3A_249, %mul3A_309 : i32
        %add3A_311 = arith.constant 4 : i32
        %add3A_312 = arith.addi %mul3A_310, %add3A_311 : i32
        %get3A_313 = arith.constant 2 : i32
        %get3A_314 = arith.index_cast %get3A_313 : i32 to index
        %get3A_315 = arith.index_cast %add3A_312 : i32 to index
        %get3A_316 = arith.constant 0 : index
        %get3A_317 = tpu.vector_load %arg6[%get3A_314, %get3A_315, %get3A_316] {strides = array<i32>} : memref<3x264x64xi32, #tpu.memory_space<vmem>>, vector<16xi32>,
        %shift_left3A_318 = arith.constant 16 : i32
        %shift_left3A_319 = vector.broadcast %shift_left3A_318 : i32 to vector<16xi32>
        %shift_left3A_320 = arith.shli %get3A_317, %shift_left3A_319 : vector<16xi32>
        %bitcast_convert_type3A_321 = tpu.bitcast %shift_left3A_320 : vector<16xi32> -> vector<16xf32>
        %add3A_322 = arith.addf %add3A_306, %bitcast_convert_type3A_321 : vector<16xf32>
        %bitcast_convert_type3A_323 = tpu.bitcast %get3A_317 : vector<16xi32> -> vector<16xf32>
        %add3A_324 = arith.addf %add3A_308, %bitcast_convert_type3A_323 : vector<16xf32>
        %mul3A_325 = arith.constant 11 : i32
        %mul3A_326 = arith.muli %scan3A_249, %mul3A_325 : i32
        %add3A_327 = arith.constant 5 : i32
        %add3A_328 = arith.addi %mul3A_326, %add3A_327 : i32
        %get3A_329 = arith.constant 2 : i32
        %get3A_330 = arith.index_cast %get3A_329 : i32 to index
        %get3A_331 = arith.index_cast %add3A_328 : i32 to index
        %get3A_332 = arith.constant 0 : index
        %get3A_333 = tpu.vector_load %arg6[%get3A_330, %get3A_331, %get3A_332] {strides = array<i32>} : memref<3x264x64xi32, #tpu.memory_space<vmem>>, vector<16xi32>,
        %shift_left3A_334 = arith.constant 16 : i32
        %shift_left3A_335 = vector.broadcast %shift_left3A_334 : i32 to vector<16xi32>
        %shift_left3A_336 = arith.shli %get3A_333, %shift_left3A_335 : vector<16xi32>
        %bitcast_convert_type3A_337 = tpu.bitcast %shift_left3A_336 : vector<16xi32> -> vector<16xf32>
        %add3A_338 = arith.addf %add3A_322, %bitcast_convert_type3A_337 : vector<16xf32>
        %bitcast_convert_type3A_339 = tpu.bitcast %get3A_333 : vector<16xi32> -> vector<16xf32>
        %add3A_340 = arith.addf %add3A_324, %bitcast_convert_type3A_339 : vector<16xf32>
        %mul3A_341 = arith.constant 11 : i32
        %mul3A_342 = arith.muli %scan3A_249, %mul3A_341 : i32
        %add3A_343 = arith.constant 6 : i32
        %add3A_344 = arith.addi %mul3A_342, %add3A_343 : i32
        %get3A_345 = arith.constant 2 : i32
        %get3A_346 = arith.index_cast %get3A_345 : i32 to index
        %get3A_347 = arith.index_cast %add3A_344 : i32 to index
        %get3A_348 = arith.constant 0 : index
        %get3A_349 = tpu.vector_load %arg6[%get3A_346, %get3A_347, %get3A_348] {strides = array<i32>} : memref<3x264x64xi32, #tpu.memory_space<vmem>>, vector<16xi32>,
        %shift_left3A_350 = arith.constant 16 : i32
        %shift_left3A_351 = vector.broadcast %shift_left3A_350 : i32 to vector<16xi32>
        %shift_left3A_352 = arith.shli %get3A_349, %shift_left3A_351 : vector<16xi32>
        %bitcast_convert_type3A_353 = tpu.bitcast %shift_left3A_352 : vector<16xi32> -> vector<16xf32>
        %add3A_354 = arith.addf %add3A_338, %bitcast_convert_type3A_353 : vector<16xf32>
        %bitcast_convert_type3A_355 = tpu.bitcast %get3A_349 : vector<16xi32> -> vector<16xf32>
        %add3A_356 = arith.addf %add3A_340, %bitcast_convert_type3A_355 : vector<16xf32>
        %mul3A_357 = arith.constant 11 : i32
        %mul3A_358 = arith.muli %scan3A_249, %mul3A_357 : i32
        %add3A_359 = arith.constant 7 : i32
        %add3A_360 = arith.addi %mul3A_358, %add3A_359 : i32
        %get3A_361 = arith.constant 2 : i32
        %get3A_362 = arith.index_cast %get3A_361 : i32 to index
        %get3A_363 = arith.index_cast %add3A_360 : i32 to index
        %get3A_364 = arith.constant 0 : index
        %get3A_365 = tpu.vector_load %arg6[%get3A_362, %get3A_363, %get3A_364] {strides = array<i32>} : memref<3x264x64xi32, #tpu.memory_space<vmem>>, vector<16xi32>,
        %shift_left3A_366 = arith.constant 16 : i32
        %shift_left3A_367 = vector.broadcast %shift_left3A_366 : i32 to vector<16xi32>
        %shift_left3A_368 = arith.shli %get3A_365, %shift_left3A_367 : vector<16xi32>
        %bitcast_convert_type3A_369 = tpu.bitcast %shift_left3A_368 : vector<16xi32> -> vector<16xf32>
        %add3A_370 = arith.addf %add3A_354, %bitcast_convert_type3A_369 : vector<16xf32>
        %bitcast_convert_type3A_371 = tpu.bitcast %get3A_365 : vector<16xi32> -> vector<16xf32>
        %add3A_372 = arith.addf %add3A_356, %bitcast_convert_type3A_371 : vector<16xf32>
        %mul3A_373 = arith.constant 11 : i32
        %mul3A_374 = arith.muli %scan3A_249, %mul3A_373 : i32
        %add3A_375 = arith.constant 8 : i32
        %add3A_376 = arith.addi %mul3A_374, %add3A_375 : i32
        %get3A_377 = arith.constant 2 : i32
        %get3A_378 = arith.index_cast %get3A_377 : i32 to index
        %get3A_379 = arith.index_cast %add3A_376 : i32 to index
        %get3A_380 = arith.constant 0 : index
        %get3A_381 = tpu.vector_load %arg6[%get3A_378, %get3A_379, %get3A_380] {strides = array<i32>} : memref<3x264x64xi32, #tpu.memory_space<vmem>>, vector<16xi32>,
        %shift_left3A_382 = arith.constant 16 : i32
        %shift_left3A_383 = vector.broadcast %shift_left3A_382 : i32 to vector<16xi32>
        %shift_left3A_384 = arith.shli %get3A_381, %shift_left3A_383 : vector<16xi32>
        %bitcast_convert_type3A_385 = tpu.bitcast %shift_left3A_384 : vector<16xi32> -> vector<16xf32>
        %add3A_386 = arith.addf %add3A_370, %bitcast_convert_type3A_385 : vector<16xf32>
        %bitcast_convert_type3A_387 = tpu.bitcast %get3A_381 : vector<16xi32> -> vector<16xf32>
        %add3A_388 = arith.addf %add3A_372, %bitcast_convert_type3A_387 : vector<16xf32>
        %mul3A_389 = arith.constant 11 : i32
        %mul3A_390 = arith.muli %scan3A_249, %mul3A_389 : i32
        %add3A_391 = arith.constant 9 : i32
        %add3A_392 = arith.addi %mul3A_390, %add3A_391 : i32
        %get3A_393 = arith.constant 2 : i32
        %get3A_394 = arith.index_cast %get3A_393 : i32 to index
        %get3A_395 = arith.index_cast %add3A_392 : i32 to index
        %get3A_396 = arith.constant 0 : index
        %get3A_397 = tpu.vector_load %arg6[%get3A_394, %get3A_395, %get3A_396] {strides = array<i32>} : memref<3x264x64xi32, #tpu.memory_space<vmem>>, vector<16xi32>,
        %shift_left3A_398 = arith.constant 16 : i32
        %shift_left3A_399 = vector.broadcast %shift_left3A_398 : i32 to vector<16xi32>
        %shift_left3A_400 = arith.shli %get3A_397, %shift_left3A_399 : vector<16xi32>
        %bitcast_convert_type3A_401 = tpu.bitcast %shift_left3A_400 : vector<16xi32> -> vector<16xf32>
        %add3A_402 = arith.addf %add3A_386, %bitcast_convert_type3A_401 : vector<16xf32>
        %bitcast_convert_type3A_403 = tpu.bitcast %get3A_397 : vector<16xi32> -> vector<16xf32>
        %add3A_404 = arith.addf %add3A_388, %bitcast_convert_type3A_403 : vector<16xf32>
        %mul3A_405 = arith.constant 11 : i32
        %mul3A_406 = arith.muli %scan3A_249, %mul3A_405 : i32
        %add3A_407 = arith.constant 10 : i32
        %add3A_408 = arith.addi %mul3A_406, %add3A_407 : i32
        %get3A_409 = arith.constant 2 : i32
        %get3A_410 = arith.index_cast %get3A_409 : i32 to index
        %get3A_411 = arith.index_cast %add3A_408 : i32 to index
        %get3A_412 = arith.constant 0 : index
        %get3A_413 = tpu.vector_load %arg6[%get3A_410, %get3A_411, %get3A_412] {strides = array<i32>} : memref<3x264x64xi32, #tpu.memory_space<vmem>>, vector<16xi32>,
        %shift_left3A_414 = arith.constant 16 : i32
        %shift_left3A_415 = vector.broadcast %shift_left3A_414 : i32 to vector<16xi32>
        %shift_left3A_416 = arith.shli %get3A_413, %shift_left3A_415 : vector<16xi32>
        %bitcast_convert_type3A_417 = tpu.bitcast %shift_left3A_416 : vector<16xi32> -> vector<16xf32>
        %add3A_418 = arith.addf %add3A_402, %bitcast_convert_type3A_417 : vector<16xf32>
        %bitcast_convert_type3A_419 = tpu.bitcast %get3A_413 : vector<16xi32> -> vector<16xf32>
        %add3A_420 = arith.addf %add3A_404, %bitcast_convert_type3A_419 : vector<16xf32>
        %mul3A_421 = arith.constant 128 : i32
        %mul3A_422 = arith.muli %scan3A_249, %mul3A_421 : i32
        %add3A_423 = arith.constant 0 : i32
        %add3A_424 = arith.addi %mul3A_422, %add3A_423 : i32
        %swap3A = arith.constant 2 : i32
        %swap3A_425 = arith.index_cast %swap3A : i32 to index
        %swap3A_426 = arith.index_cast %add3A_424 : i32 to index
        %swap3A_427 = tpu.vector_load %arg7[%swap3A_425, %swap3A_426] {strides = array<i32>} : memref<3x3072xf32, #tpu.memory_space<vmem>>, vector<16xf32>,
        tpu.vector_store %arg7[%swap3A_425, %swap3A_426], %add3A_418 {strides = array<i32>} : memref<3x3072xf32, #tpu.memory_space<vmem>>, vector<16xf32>,
        %mul3A_428 = arith.constant 128 : i32
        %mul3A_429 = arith.muli %scan3A_249, %mul3A_428 : i32
        %add3A_430 = arith.constant 64 : i32
        %add3A_431 = arith.addi %mul3A_429, %add3A_430 : i32
        %add3A_432 = arith.constant 0 : i32
        %add3A_433 = arith.addi %add3A_431, %add3A_432 : i32
        %swap3A_434 = arith.constant 2 : i32
        %swap3A_435 = arith.index_cast %swap3A_434 : i32 to index
        %swap3A_436 = arith.index_cast %add3A_433 : i32 to index
        %swap3A_437 = tpu.vector_load %arg7[%swap3A_435, %swap3A_436] {strides = array<i32>} : memref<3x3072xf32, #tpu.memory_space<vmem>>, vector<16xf32>,
        tpu.vector_store %arg7[%swap3A_435, %swap3A_436], %add3A_420 {strides = array<i32>} : memref<3x3072xf32, #tpu.memory_space<vmem>>, vector<16xf32>,
        %mul3A_438 = arith.constant 11 : i32
        %mul3A_439 = arith.muli %scan3A_249, %mul3A_438 : i32
        %add3A_440 = arith.constant 0 : i32
        %add3A_441 = arith.addi %mul3A_439, %add3A_440 : i32
        %get3A_442 = arith.constant 2 : i32
        %get3A_443 = arith.index_cast %get3A_442 : i32 to index
        %get3A_444 = arith.index_cast %add3A_441 : i32 to index
        %get3A_445 = arith.constant 16 : index
        %get3A_446 = tpu.vector_load %arg6[%get3A_443, %get3A_444, %get3A_445] {strides = array<i32>} : memref<3x264x64xi32, #tpu.memory_space<vmem>>, vector<16xi32>,
        %shift_left3A_447 = arith.constant 16 : i32
        %shift_left3A_448 = vector.broadcast %shift_left3A_447 : i32 to vector<16xi32>
        %shift_left3A_449 = arith.shli %get3A_446, %shift_left3A_448 : vector<16xi32>
        %bitcast_convert_type3A_450 = tpu.bitcast %shift_left3A_449 : vector<16xi32> -> vector<16xf32>
        %bitcast_convert_type3A_451 = tpu.bitcast %get3A_446 : vector<16xi32> -> vector<16xf32>
        %mul3A_452 = arith.constant 11 : i32
        %mul3A_453 = arith.muli %scan3A_249, %mul3A_452 : i32
        %add3A_454 = arith.constant 1 : i32
        %add3A_455 = arith.addi %mul3A_453, %add3A_454 : i32
        %get3A_456 = arith.constant 2 : i32
        %get3A_457 = arith.index_cast %get3A_456 : i32 to index
        %get3A_458 = arith.index_cast %add3A_455 : i32 to index
        %get3A_459 = arith.constant 16 : index
        %get3A_460 = tpu.vector_load %arg6[%get3A_457, %get3A_458, %get3A_459] {strides = array<i32>} : memref<3x264x64xi32, #tpu.memory_space<vmem>>, vector<16xi32>,
        %shift_left3A_461 = arith.constant 16 : i32
        %shift_left3A_462 = vector.broadcast %shift_left3A_461 : i32 to vector<16xi32>
        %shift_left3A_463 = arith.shli %get3A_460, %shift_left3A_462 : vector<16xi32>
        %bitcast_convert_type3A_464 = tpu.bitcast %shift_left3A_463 : vector<16xi32> -> vector<16xf32>
        %add3A_465 = arith.addf %bitcast_convert_type3A_450, %bitcast_convert_type3A_464 : vector<16xf32>
        %bitcast_convert_type3A_466 = tpu.bitcast %get3A_460 : vector<16xi32> -> vector<16xf32>
        %add3A_467 = arith.addf %bitcast_convert_type3A_451, %bitcast_convert_type3A_466 : vector<16xf32>
        %mul3A_468 = arith.constant 11 : i32
        %mul3A_469 = arith.muli %scan3A_249, %mul3A_468 : i32
        %add3A_470 = arith.constant 2 : i32
        %add3A_471 = arith.addi %mul3A_469, %add3A_470 : i32
        %get3A_472 = arith.constant 2 : i32
        %get3A_473 = arith.index_cast %get3A_472 : i32 to index
        %get3A_474 = arith.index_cast %add3A_471 : i32 to index
        %get3A_475 = arith.constant 16 : index
        %get3A_476 = tpu.vector_load %arg6[%get3A_473, %get3A_474, %get3A_475] {strides = array<i32>} : memref<3x264x64xi32, #tpu.memory_space<vmem>>, vector<16xi32>,
        %shift_left3A_477 = arith.constant 16 : i32
        %shift_left3A_478 = vector.broadcast %shift_left3A_477 : i32 to vector<16xi32>
        %shift_left3A_479 = arith.shli %get3A_476, %shift_left3A_478 : vector<16xi32>
        %bitcast_convert_type3A_480 = tpu.bitcast %shift_left3A_479 : vector<16xi32> -> vector<16xf32>
        %add3A_481 = arith.addf %add3A_465, %bitcast_convert_type3A_480 : vector<16xf32>
        %bitcast_convert_type3A_482 = tpu.bitcast %get3A_476 : vector<16xi32> -> vector<16xf32>
        %add3A_483 = arith.addf %add3A_467, %bitcast_convert_type3A_482 : vector<16xf32>
        %mul3A_484 = arith.constant 11 : i32
        %mul3A_485 = arith.muli %scan3A_249, %mul3A_484 : i32
        %add3A_486 = arith.constant 3 : i32
        %add3A_487 = arith.addi %mul3A_485, %add3A_486 : i32
        %get3A_488 = arith.constant 2 : i32
        %get3A_489 = arith.index_cast %get3A_488 : i32 to index
        %get3A_490 = arith.index_cast %add3A_487 : i32 to index
        %get3A_491 = arith.constant 16 : index
        %get3A_492 = tpu.vector_load %arg6[%get3A_489, %get3A_490, %get3A_491] {strides = array<i32>} : memref<3x264x64xi32, #tpu.memory_space<vmem>>, vector<16xi32>,
        %shift_left3A_493 = arith.constant 16 : i32
        %shift_left3A_494 = vector.broadcast %shift_left3A_493 : i32 to vector<16xi32>
        %shift_left3A_495 = arith.shli %get3A_492, %shift_left3A_494 : vector<16xi32>
        %bitcast_convert_type3A_496 = tpu.bitcast %shift_left3A_495 : vector<16xi32> -> vector<16xf32>
        %add3A_497 = arith.addf %add3A_481, %bitcast_convert_type3A_496 : vector<16xf32>
        %bitcast_convert_type3A_498 = tpu.bitcast %get3A_492 : vector<16xi32> -> vector<16xf32>
        %add3A_499 = arith.addf %add3A_483, %bitcast_convert_type3A_498 : vector<16xf32>
        %mul3A_500 = arith.constant 11 : i32
        %mul3A_501 = arith.muli %scan3A_249, %mul3A_500 : i32
        %add3A_502 = arith.constant 4 : i32
        %add3A_503 = arith.addi %mul3A_501, %add3A_502 : i32
        %get3A_504 = arith.constant 2 : i32
        %get3A_505 = arith.index_cast %get3A_504 : i32 to index
        %get3A_506 = arith.index_cast %add3A_503 : i32 to index
        %get3A_507 = arith.constant 16 : index
        %get3A_508 = tpu.vector_load %arg6[%get3A_505, %get3A_506, %get3A_507] {strides = array<i32>} : memref<3x264x64xi32, #tpu.memory_space<vmem>>, vector<16xi32>,
        %shift_left3A_509 = arith.constant 16 : i32
        %shift_left3A_510 = vector.broadcast %shift_left3A_509 : i32 to vector<16xi32>
        %shift_left3A_511 = arith.shli %get3A_508, %shift_left3A_510 : vector<16xi32>
        %bitcast_convert_type3A_512 = tpu.bitcast %shift_left3A_511 : vector<16xi32> -> vector<16xf32>
        %add3A_513 = arith.addf %add3A_497, %bitcast_convert_type3A_512 : vector<16xf32>
        %bitcast_convert_type3A_514 = tpu.bitcast %get3A_508 : vector<16xi32> -> vector<16xf32>
        %add3A_515 = arith.addf %add3A_499, %bitcast_convert_type3A_514 : vector<16xf32>
        %mul3A_516 = arith.constant 11 : i32
        %mul3A_517 = arith.muli %scan3A_249, %mul3A_516 : i32
        %add3A_518 = arith.constant 5 : i32
        %add3A_519 = arith.addi %mul3A_517, %add3A_518 : i32
        %get3A_520 = arith.constant 2 : i32
        %get3A_521 = arith.index_cast %get3A_520 : i32 to index
        %get3A_522 = arith.index_cast %add3A_519 : i32 to index
        %get3A_523 = arith.constant 16 : index
        %get3A_524 = tpu.vector_load %arg6[%get3A_521, %get3A_522, %get3A_523] {strides = array<i32>} : memref<3x264x64xi32, #tpu.memory_space<vmem>>, vector<16xi32>,
        %shift_left3A_525 = arith.constant 16 : i32
        %shift_left3A_526 = vector.broadcast %shift_left3A_525 : i32 to vector<16xi32>
        %shift_left3A_527 = arith.shli %get3A_524, %shift_left3A_526 : vector<16xi32>
        %bitcast_convert_type3A_528 = tpu.bitcast %shift_left3A_527 : vector<16xi32> -> vector<16xf32>
        %add3A_529 = arith.addf %add3A_513, %bitcast_convert_type3A_528 : vector<16xf32>
        %bitcast_convert_type3A_530 = tpu.bitcast %get3A_524 : vector<16xi32> -> vector<16xf32>
        %add3A_531 = arith.addf %add3A_515, %bitcast_convert_type3A_530 : vector<16xf32>
        %mul3A_532 = arith.constant 11 : i32
        %mul3A_533 = arith.muli %scan3A_249, %mul3A_532 : i32
        %add3A_534 = arith.constant 6 : i32
        %add3A_535 = arith.addi %mul3A_533, %add3A_534 : i32
        %get3A_536 = arith.constant 2 : i32
        %get3A_537 = arith.index_cast %get3A_536 : i32 to index
        %get3A_538 = arith.index_cast %add3A_535 : i32 to index
        %get3A_539 = arith.constant 16 : index
        %get3A_540 = tpu.vector_load %arg6[%get3A_537, %get3A_538, %get3A_539] {strides = array<i32>} : memref<3x264x64xi32, #tpu.memory_space<vmem>>, vector<16xi32>,
        %shift_left3A_541 = arith.constant 16 : i32
        %shift_left3A_542 = vector.broadcast %shift_left3A_541 : i32 to vector<16xi32>
        %shift_left3A_543 = arith.shli %get3A_540, %shift_left3A_542 : vector<16xi32>
        %bitcast_convert_type3A_544 = tpu.bitcast %shift_left3A_543 : vector<16xi32> -> vector<16xf32>
        %add3A_545 = arith.addf %add3A_529, %bitcast_convert_type3A_544 : vector<16xf32>
        %bitcast_convert_type3A_546 = tpu.bitcast %get3A_540 : vector<16xi32> -> vector<16xf32>
        %add3A_547 = arith.addf %add3A_531, %bitcast_convert_type3A_546 : vector<16xf32>
        %mul3A_548 = arith.constant 11 : i32
        %mul3A_549 = arith.muli %scan3A_249, %mul3A_548 : i32
        %add3A_550 = arith.constant 7 : i32
        %add3A_551 = arith.addi %mul3A_549, %add3A_550 : i32
        %get3A_552 = arith.constant 2 : i32
        %get3A_553 = arith.index_cast %get3A_552 : i32 to index
        %get3A_554 = arith.index_cast %add3A_551 : i32 to index
        %get3A_555 = arith.constant 16 : index
        %get3A_556 = tpu.vector_load %arg6[%get3A_553, %get3A_554, %get3A_555] {strides = array<i32>} : memref<3x264x64xi32, #tpu.memory_space<vmem>>, vector<16xi32>,
        %shift_left3A_557 = arith.constant 16 : i32
        %shift_left3A_558 = vector.broadcast %shift_left3A_557 : i32 to vector<16xi32>
        %shift_left3A_559 = arith.shli %get3A_556, %shift_left3A_558 : vector<16xi32>
        %bitcast_convert_type3A_560 = tpu.bitcast %shift_left3A_559 : vector<16xi32> -> vector<16xf32>
        %add3A_561 = arith.addf %add3A_545, %bitcast_convert_type3A_560 : vector<16xf32>
        %bitcast_convert_type3A_562 = tpu.bitcast %get3A_556 : vector<16xi32> -> vector<16xf32>
        %add3A_563 = arith.addf %add3A_547, %bitcast_convert_type3A_562 : vector<16xf32>
        %mul3A_564 = arith.constant 11 : i32
        %mul3A_565 = arith.muli %scan3A_249, %mul3A_564 : i32
        %add3A_566 = arith.constant 8 : i32
        %add3A_567 = arith.addi %mul3A_565, %add3A_566 : i32
        %get3A_568 = arith.constant 2 : i32
        %get3A_569 = arith.index_cast %get3A_568 : i32 to index
        %get3A_570 = arith.index_cast %add3A_567 : i32 to index
        %get3A_571 = arith.constant 16 : index
        %get3A_572 = tpu.vector_load %arg6[%get3A_569, %get3A_570, %get3A_571] {strides = array<i32>} : memref<3x264x64xi32, #tpu.memory_space<vmem>>, vector<16xi32>,
        %shift_left3A_573 = arith.constant 16 : i32
        %shift_left3A_574 = vector.broadcast %shift_left3A_573 : i32 to vector<16xi32>
        %shift_left3A_575 = arith.shli %get3A_572, %shift_left3A_574 : vector<16xi32>
        %bitcast_convert_type3A_576 = tpu.bitcast %shift_left3A_575 : vector<16xi32> -> vector<16xf32>
        %add3A_577 = arith.addf %add3A_561, %bitcast_convert_type3A_576 : vector<16xf32>
        %bitcast_convert_type3A_578 = tpu.bitcast %get3A_572 : vector<16xi32> -> vector<16xf32>
        %add3A_579 = arith.addf %add3A_563, %bitcast_convert_type3A_578 : vector<16xf32>
        %mul3A_580 = arith.constant 11 : i32
        %mul3A_581 = arith.muli %scan3A_249, %mul3A_580 : i32
        %add3A_582 = arith.constant 9 : i32
        %add3A_583 = arith.addi %mul3A_581, %add3A_582 : i32
        %get3A_584 = arith.constant 2 : i32
        %get3A_585 = arith.index_cast %get3A_584 : i32 to index
        %get3A_586 = arith.index_cast %add3A_583 : i32 to index
        %get3A_587 = arith.constant 16 : index
        %get3A_588 = tpu.vector_load %arg6[%get3A_585, %get3A_586, %get3A_587] {strides = array<i32>} : memref<3x264x64xi32, #tpu.memory_space<vmem>>, vector<16xi32>,
        %shift_left3A_589 = arith.constant 16 : i32
        %shift_left3A_590 = vector.broadcast %shift_left3A_589 : i32 to vector<16xi32>
        %shift_left3A_591 = arith.shli %get3A_588, %shift_left3A_590 : vector<16xi32>
        %bitcast_convert_type3A_592 = tpu.bitcast %shift_left3A_591 : vector<16xi32> -> vector<16xf32>
        %add3A_593 = arith.addf %add3A_577, %bitcast_convert_type3A_592 : vector<16xf32>
        %bitcast_convert_type3A_594 = tpu.bitcast %get3A_588 : vector<16xi32> -> vector<16xf32>
        %add3A_595 = arith.addf %add3A_579, %bitcast_convert_type3A_594 : vector<16xf32>
        %mul3A_596 = arith.constant 11 : i32
        %mul3A_597 = arith.muli %scan3A_249, %mul3A_596 : i32
        %add3A_598 = arith.constant 10 : i32
        %add3A_599 = arith.addi %mul3A_597, %add3A_598 : i32
        %get3A_600 = arith.constant 2 : i32
        %get3A_601 = arith.index_cast %get3A_600 : i32 to index
        %get3A_602 = arith.index_cast %add3A_599 : i32 to index
        %get3A_603 = arith.constant 16 : index
        %get3A_604 = tpu.vector_load %arg6[%get3A_601, %get3A_602, %get3A_603] {strides = array<i32>} : memref<3x264x64xi32, #tpu.memory_space<vmem>>, vector<16xi32>,
        %shift_left3A_605 = arith.constant 16 : i32
        %shift_left3A_606 = vector.broadcast %shift_left3A_605 : i32 to vector<16xi32>
        %shift_left3A_607 = arith.shli %get3A_604, %shift_left3A_606 : vector<16xi32>
        %bitcast_convert_type3A_608 = tpu.bitcast %shift_left3A_607 : vector<16xi32> -> vector<16xf32>
        %add3A_609 = arith.addf %add3A_593, %bitcast_convert_type3A_608 : vector<16xf32>
        %bitcast_convert_type3A_610 = tpu.bitcast %get3A_604 : vector<16xi32> -> vector<16xf32>
        %add3A_611 = arith.addf %add3A_595, %bitcast_convert_type3A_610 : vector<16xf32>
        %mul3A_612 = arith.constant 128 : i32
        %mul3A_613 = arith.muli %scan3A_249, %mul3A_612 : i32
        %add3A_614 = arith.constant 16 : i32
        %add3A_615 = arith.addi %mul3A_613, %add3A_614 : i32
        %swap3A_616 = arith.constant 2 : i32
        %swap3A_617 = arith.index_cast %swap3A_616 : i32 to index
        %swap3A_618 = arith.index_cast %add3A_615 : i32 to index
        %swap3A_619 = tpu.vector_load %arg7[%swap3A_617, %swap3A_618] {strides = array<i32>} : memref<3x3072xf32, #tpu.memory_space<vmem>>, vector<16xf32>,
        tpu.vector_store %arg7[%swap3A_617, %swap3A_618], %add3A_609 {strides = array<i32>} : memref<3x3072xf32, #tpu.memory_space<vmem>>, vector<16xf32>,
        %mul3A_620 = arith.constant 128 : i32
        %mul3A_621 = arith.muli %scan3A_249, %mul3A_620 : i32
        %add3A_622 = arith.constant 64 : i32
        %add3A_623 = arith.addi %mul3A_621, %add3A_622 : i32
        %add3A_624 = arith.constant 16 : i32
        %add3A_625 = arith.addi %add3A_623, %add3A_624 : i32
        %swap3A_626 = arith.constant 2 : i32
        %swap3A_627 = arith.index_cast %swap3A_626 : i32 to index
        %swap3A_628 = arith.index_cast %add3A_625 : i32 to index
        %swap3A_629 = tpu.vector_load %arg7[%swap3A_627, %swap3A_628] {strides = array<i32>} : memref<3x3072xf32, #tpu.memory_space<vmem>>, vector<16xf32>,
        tpu.vector_store %arg7[%swap3A_627, %swap3A_628], %add3A_611 {strides = array<i32>} : memref<3x3072xf32, #tpu.memory_space<vmem>>, vector<16xf32>,
        %mul3A_630 = arith.constant 11 : i32
        %mul3A_631 = arith.muli %scan3A_249, %mul3A_630 : i32
        %add3A_632 = arith.constant 0 : i32
        %add3A_633 = arith.addi %mul3A_631, %add3A_632 : i32
        %get3A_634 = arith.constant 2 : i32
        %get3A_635 = arith.index_cast %get3A_634 : i32 to index
        %get3A_636 = arith.index_cast %add3A_633 : i32 to index
        %get3A_637 = arith.constant 32 : index
        %get3A_638 = tpu.vector_load %arg6[%get3A_635, %get3A_636, %get3A_637] {strides = array<i32>} : memref<3x264x64xi32, #tpu.memory_space<vmem>>, vector<16xi32>,
        %shift_left3A_639 = arith.constant 16 : i32
        %shift_left3A_640 = vector.broadcast %shift_left3A_639 : i32 to vector<16xi32>
        %shift_left3A_641 = arith.shli %get3A_638, %shift_left3A_640 : vector<16xi32>
        %bitcast_convert_type3A_642 = tpu.bitcast %shift_left3A_641 : vector<16xi32> -> vector<16xf32>
        %bitcast_convert_type3A_643 = tpu.bitcast %get3A_638 : vector<16xi32> -> vector<16xf32>
        %mul3A_644 = arith.constant 11 : i32
        %mul3A_645 = arith.muli %scan3A_249, %mul3A_644 : i32
        %add3A_646 = arith.constant 1 : i32
        %add3A_647 = arith.addi %mul3A_645, %add3A_646 : i32
        %get3A_648 = arith.constant 2 : i32
        %get3A_649 = arith.index_cast %get3A_648 : i32 to index
        %get3A_650 = arith.index_cast %add3A_647 : i32 to index
        %get3A_651 = arith.constant 32 : index
        %get3A_652 = tpu.vector_load %arg6[%get3A_649, %get3A_650, %get3A_651] {strides = array<i32>} : memref<3x264x64xi32, #tpu.memory_space<vmem>>, vector<16xi32>,
        %shift_left3A_653 = arith.constant 16 : i32
        %shift_left3A_654 = vector.broadcast %shift_left3A_653 : i32 to vector<16xi32>
        %shift_left3A_655 = arith.shli %get3A_652, %shift_left3A_654 : vector<16xi32>
        %bitcast_convert_type3A_656 = tpu.bitcast %shift_left3A_655 : vector<16xi32> -> vector<16xf32>
        %add3A_657 = arith.addf %bitcast_convert_type3A_642, %bitcast_convert_type3A_656 : vector<16xf32>
        %bitcast_convert_type3A_658 = tpu.bitcast %get3A_652 : vector<16xi32> -> vector<16xf32>
        %add3A_659 = arith.addf %bitcast_convert_type3A_643, %bitcast_convert_type3A_658 : vector<16xf32>
        %mul3A_660 = arith.constant 11 : i32
        %mul3A_661 = arith.muli %scan3A_249, %mul3A_660 : i32
        %add3A_662 = arith.constant 2 : i32
        %add3A_663 = arith.addi %mul3A_661, %add3A_662 : i32
        %get3A_664 = arith.constant 2 : i32
        %get3A_665 = arith.index_cast %get3A_664 : i32 to index
        %get3A_666 = arith.index_cast %add3A_663 : i32 to index
        %get3A_667 = arith.constant 32 : index
        %get3A_668 = tpu.vector_load %arg6[%get3A_665, %get3A_666, %get3A_667] {strides = array<i32>} : memref<3x264x64xi32, #tpu.memory_space<vmem>>, vector<16xi32>,
        %shift_left3A_669 = arith.constant 16 : i32
        %shift_left3A_670 = vector.broadcast %shift_left3A_669 : i32 to vector<16xi32>
        %shift_left3A_671 = arith.shli %get3A_668, %shift_left3A_670 : vector<16xi32>
        %bitcast_convert_type3A_672 = tpu.bitcast %shift_left3A_671 : vector<16xi32> -> vector<16xf32>
        %add3A_673 = arith.addf %add3A_657, %bitcast_convert_type3A_672 : vector<16xf32>
        %bitcast_convert_type3A_674 = tpu.bitcast %get3A_668 : vector<16xi32> -> vector<16xf32>
        %add3A_675 = arith.addf %add3A_659, %bitcast_convert_type3A_674 : vector<16xf32>
        %mul3A_676 = arith.constant 11 : i32
        %mul3A_677 = arith.muli %scan3A_249, %mul3A_676 : i32
        %add3A_678 = arith.constant 3 : i32
        %add3A_679 = arith.addi %mul3A_677, %add3A_678 : i32
        %get3A_680 = arith.constant 2 : i32
        %get3A_681 = arith.index_cast %get3A_680 : i32 to index
        %get3A_682 = arith.index_cast %add3A_679 : i32 to index
        %get3A_683 = arith.constant 32 : index
        %get3A_684 = tpu.vector_load %arg6[%get3A_681, %get3A_682, %get3A_683] {strides = array<i32>} : memref<3x264x64xi32, #tpu.memory_space<vmem>>, vector<16xi32>,
        %shift_left3A_685 = arith.constant 16 : i32
        %shift_left3A_686 = vector.broadcast %shift_left3A_685 : i32 to vector<16xi32>
        %shift_left3A_687 = arith.shli %get3A_684, %shift_left3A_686 : vector<16xi32>
        %bitcast_convert_type3A_688 = tpu.bitcast %shift_left3A_687 : vector<16xi32> -> vector<16xf32>
        %add3A_689 = arith.addf %add3A_673, %bitcast_convert_type3A_688 : vector<16xf32>
        %bitcast_convert_type3A_690 = tpu.bitcast %get3A_684 : vector<16xi32> -> vector<16xf32>
        %add3A_691 = arith.addf %add3A_675, %bitcast_convert_type3A_690 : vector<16xf32>
        %mul3A_692 = arith.constant 11 : i32
        %mul3A_693 = arith.muli %scan3A_249, %mul3A_692 : i32
        %add3A_694 = arith.constant 4 : i32
        %add3A_695 = arith.addi %mul3A_693, %add3A_694 : i32
        %get3A_696 = arith.constant 2 : i32
        %get3A_697 = arith.index_cast %get3A_696 : i32 to index
        %get3A_698 = arith.index_cast %add3A_695 : i32 to index
        %get3A_699 = arith.constant 32 : index
        %get3A_700 = tpu.vector_load %arg6[%get3A_697, %get3A_698, %get3A_699] {strides = array<i32>} : memref<3x264x64xi32, #tpu.memory_space<vmem>>, vector<16xi32>,
        %shift_left3A_701 = arith.constant 16 : i32
        %shift_left3A_702 = vector.broadcast %shift_left3A_701 : i32 to vector<16xi32>
        %shift_left3A_703 = arith.shli %get3A_700, %shift_left3A_702 : vector<16xi32>
        %bitcast_convert_type3A_704 = tpu.bitcast %shift_left3A_703 : vector<16xi32> -> vector<16xf32>
        %add3A_705 = arith.addf %add3A_689, %bitcast_convert_type3A_704 : vector<16xf32>
        %bitcast_convert_type3A_706 = tpu.bitcast %get3A_700 : vector<16xi32> -> vector<16xf32>
        %add3A_707 = arith.addf %add3A_691, %bitcast_convert_type3A_706 : vector<16xf32>
        %mul3A_708 = arith.constant 11 : i32
        %mul3A_709 = arith.muli %scan3A_249, %mul3A_708 : i32
        %add3A_710 = arith.constant 5 : i32
        %add3A_711 = arith.addi %mul3A_709, %add3A_710 : i32
        %get3A_712 = arith.constant 2 : i32
        %get3A_713 = arith.index_cast %get3A_712 : i32 to index
        %get3A_714 = arith.index_cast %add3A_711 : i32 to index
        %get3A_715 = arith.constant 32 : index
        %get3A_716 = tpu.vector_load %arg6[%get3A_713, %get3A_714, %get3A_715] {strides = array<i32>} : memref<3x264x64xi32, #tpu.memory_space<vmem>>, vector<16xi32>,
        %shift_left3A_717 = arith.constant 16 : i32
        %shift_left3A_718 = vector.broadcast %shift_left3A_717 : i32 to vector<16xi32>
        %shift_left3A_719 = arith.shli %get3A_716, %shift_left3A_718 : vector<16xi32>
        %bitcast_convert_type3A_720 = tpu.bitcast %shift_left3A_719 : vector<16xi32> -> vector<16xf32>
        %add3A_721 = arith.addf %add3A_705, %bitcast_convert_type3A_720 : vector<16xf32>
        %bitcast_convert_type3A_722 = tpu.bitcast %get3A_716 : vector<16xi32> -> vector<16xf32>
        %add3A_723 = arith.addf %add3A_707, %bitcast_convert_type3A_722 : vector<16xf32>
        %mul3A_724 = arith.constant 11 : i32
        %mul3A_725 = arith.muli %scan3A_249, %mul3A_724 : i32
        %add3A_726 = arith.constant 6 : i32
        %add3A_727 = arith.addi %mul3A_725, %add3A_726 : i32
        %get3A_728 = arith.constant 2 : i32
        %get3A_729 = arith.index_cast %get3A_728 : i32 to index
        %get3A_730 = arith.index_cast %add3A_727 : i32 to index
        %get3A_731 = arith.constant 32 : index
        %get3A_732 = tpu.vector_load %arg6[%get3A_729, %get3A_730, %get3A_731] {strides = array<i32>} : memref<3x264x64xi32, #tpu.memory_space<vmem>>, vector<16xi32>,
        %shift_left3A_733 = arith.constant 16 : i32
        %shift_left3A_734 = vector.broadcast %shift_left3A_733 : i32 to vector<16xi32>
        %shift_left3A_735 = arith.shli %get3A_732, %shift_left3A_734 : vector<16xi32>
        %bitcast_convert_type3A_736 = tpu.bitcast %shift_left3A_735 : vector<16xi32> -> vector<16xf32>
        %add3A_737 = arith.addf %add3A_721, %bitcast_convert_type3A_736 : vector<16xf32>
        %bitcast_convert_type3A_738 = tpu.bitcast %get3A_732 : vector<16xi32> -> vector<16xf32>
        %add3A_739 = arith.addf %add3A_723, %bitcast_convert_type3A_738 : vector<16xf32>
        %mul3A_740 = arith.constant 11 : i32
        %mul3A_741 = arith.muli %scan3A_249, %mul3A_740 : i32
        %add3A_742 = arith.constant 7 : i32
        %add3A_743 = arith.addi %mul3A_741, %add3A_742 : i32
        %get3A_744 = arith.constant 2 : i32
        %get3A_745 = arith.index_cast %get3A_744 : i32 to index
        %get3A_746 = arith.index_cast %add3A_743 : i32 to index
        %get3A_747 = arith.constant 32 : index
        %get3A_748 = tpu.vector_load %arg6[%get3A_745, %get3A_746, %get3A_747] {strides = array<i32>} : memref<3x264x64xi32, #tpu.memory_space<vmem>>, vector<16xi32>,
        %shift_left3A_749 = arith.constant 16 : i32
        %shift_left3A_750 = vector.broadcast %shift_left3A_749 : i32 to vector<16xi32>
        %shift_left3A_751 = arith.shli %get3A_748, %shift_left3A_750 : vector<16xi32>
        %bitcast_convert_type3A_752 = tpu.bitcast %shift_left3A_751 : vector<16xi32> -> vector<16xf32>
        %add3A_753 = arith.addf %add3A_737, %bitcast_convert_type3A_752 : vector<16xf32>
        %bitcast_convert_type3A_754 = tpu.bitcast %get3A_748 : vector<16xi32> -> vector<16xf32>
        %add3A_755 = arith.addf %add3A_739, %bitcast_convert_type3A_754 : vector<16xf32>
        %mul3A_756 = arith.constant 11 : i32
        %mul3A_757 = arith.muli %scan3A_249, %mul3A_756 : i32
        %add3A_758 = arith.constant 8 : i32
        %add3A_759 = arith.addi %mul3A_757, %add3A_758 : i32
        %get3A_760 = arith.constant 2 : i32
        %get3A_761 = arith.index_cast %get3A_760 : i32 to index
        %get3A_762 = arith.index_cast %add3A_759 : i32 to index
        %get3A_763 = arith.constant 32 : index
        %get3A_764 = tpu.vector_load %arg6[%get3A_761, %get3A_762, %get3A_763] {strides = array<i32>} : memref<3x264x64xi32, #tpu.memory_space<vmem>>, vector<16xi32>,
        %shift_left3A_765 = arith.constant 16 : i32
        %shift_left3A_766 = vector.broadcast %shift_left3A_765 : i32 to vector<16xi32>
        %shift_left3A_767 = arith.shli %get3A_764, %shift_left3A_766 : vector<16xi32>
        %bitcast_convert_type3A_768 = tpu.bitcast %shift_left3A_767 : vector<16xi32> -> vector<16xf32>
        %add3A_769 = arith.addf %add3A_753, %bitcast_convert_type3A_768 : vector<16xf32>
        %bitcast_convert_type3A_770 = tpu.bitcast %get3A_764 : vector<16xi32> -> vector<16xf32>
        %add3A_771 = arith.addf %add3A_755, %bitcast_convert_type3A_770 : vector<16xf32>
        %mul3A_772 = arith.constant 11 : i32
        %mul3A_773 = arith.muli %scan3A_249, %mul3A_772 : i32
        %add3A_774 = arith.constant 9 : i32
        %add3A_775 = arith.addi %mul3A_773, %add3A_774 : i32
        %get3A_776 = arith.constant 2 : i32
        %get3A_777 = arith.index_cast %get3A_776 : i32 to index
        %get3A_778 = arith.index_cast %add3A_775 : i32 to index
        %get3A_779 = arith.constant 32 : index
        %get3A_780 = tpu.vector_load %arg6[%get3A_777, %get3A_778, %get3A_779] {strides = array<i32>} : memref<3x264x64xi32, #tpu.memory_space<vmem>>, vector<16xi32>,
        %shift_left3A_781 = arith.constant 16 : i32
        %shift_left3A_782 = vector.broadcast %shift_left3A_781 : i32 to vector<16xi32>
        %shift_left3A_783 = arith.shli %get3A_780, %shift_left3A_782 : vector<16xi32>
        %bitcast_convert_type3A_784 = tpu.bitcast %shift_left3A_783 : vector<16xi32> -> vector<16xf32>
        %add3A_785 = arith.addf %add3A_769, %bitcast_convert_type3A_784 : vector<16xf32>
        %bitcast_convert_type3A_786 = tpu.bitcast %get3A_780 : vector<16xi32> -> vector<16xf32>
        %add3A_787 = arith.addf %add3A_771, %bitcast_convert_type3A_786 : vector<16xf32>
        %mul3A_788 = arith.constant 11 : i32
        %mul3A_789 = arith.muli %scan3A_249, %mul3A_788 : i32
        %add3A_790 = arith.constant 10 : i32
        %add3A_791 = arith.addi %mul3A_789, %add3A_790 : i32
        %get3A_792 = arith.constant 2 : i32
        %get3A_793 = arith.index_cast %get3A_792 : i32 to index
        %get3A_794 = arith.index_cast %add3A_791 : i32 to index
        %get3A_795 = arith.constant 32 : index
        %get3A_796 = tpu.vector_load %arg6[%get3A_793, %get3A_794, %get3A_795] {strides = array<i32>} : memref<3x264x64xi32, #tpu.memory_space<vmem>>, vector<16xi32>,
        %shift_left3A_797 = arith.constant 16 : i32
        %shift_left3A_798 = vector.broadcast %shift_left3A_797 : i32 to vector<16xi32>
        %shift_left3A_799 = arith.shli %get3A_796, %shift_left3A_798 : vector<16xi32>
        %bitcast_convert_type3A_800 = tpu.bitcast %shift_left3A_799 : vector<16xi32> -> vector<16xf32>
        %add3A_801 = arith.addf %add3A_785, %bitcast_convert_type3A_800 : vector<16xf32>
        %bitcast_convert_type3A_802 = tpu.bitcast %get3A_796 : vector<16xi32> -> vector<16xf32>
        %add3A_803 = arith.addf %add3A_787, %bitcast_convert_type3A_802 : vector<16xf32>
        %mul3A_804 = arith.constant 128 : i32
        %mul3A_805 = arith.muli %scan3A_249, %mul3A_804 : i32
        %add3A_806 = arith.constant 32 : i32
        %add3A_807 = arith.addi %mul3A_805, %add3A_806 : i32
        %swap3A_808 = arith.constant 2 : i32
        %swap3A_809 = arith.index_cast %swap3A_808 : i32 to index
        %swap3A_810 = arith.index_cast %add3A_807 : i32 to index
        %swap3A_811 = tpu.vector_load %arg7[%swap3A_809, %swap3A_810] {strides = array<i32>} : memref<3x3072xf32, #tpu.memory_space<vmem>>, vector<16xf32>,
        tpu.vector_store %arg7[%swap3A_809, %swap3A_810], %add3A_801 {strides = array<i32>} : memref<3x3072xf32, #tpu.memory_space<vmem>>, vector<16xf32>,
        %mul3A_812 = arith.constant 128 : i32
        %mul3A_813 = arith.muli %scan3A_249, %mul3A_812 : i32
        %add3A_814 = arith.constant 64 : i32
        %add3A_815 = arith.addi %mul3A_813, %add3A_814 : i32
        %add3A_816 = arith.constant 32 : i32
        %add3A_817 = arith.addi %add3A_815, %add3A_816 : i32
        %swap3A_818 = arith.constant 2 : i32
        %swap3A_819 = arith.index_cast %swap3A_818 : i32 to index
        %swap3A_820 = arith.index_cast %add3A_817 : i32 to index
        %swap3A_821 = tpu.vector_load %arg7[%swap3A_819, %swap3A_820] {strides = array<i32>} : memref<3x3072xf32, #tpu.memory_space<vmem>>, vector<16xf32>,
        tpu.vector_store %arg7[%swap3A_819, %swap3A_820], %add3A_803 {strides = array<i32>} : memref<3x3072xf32, #tpu.memory_space<vmem>>, vector<16xf32>,
        %mul3A_822 = arith.constant 11 : i32
        %mul3A_823 = arith.muli %scan3A_249, %mul3A_822 : i32
        %add3A_824 = arith.constant 0 : i32
        %add3A_825 = arith.addi %mul3A_823, %add3A_824 : i32
        %get3A_826 = arith.constant 2 : i32
        %get3A_827 = arith.index_cast %get3A_826 : i32 to index
        %get3A_828 = arith.index_cast %add3A_825 : i32 to index
        %get3A_829 = arith.constant 48 : index
        %get3A_830 = tpu.vector_load %arg6[%get3A_827, %get3A_828, %get3A_829] {strides = array<i32>} : memref<3x264x64xi32, #tpu.memory_space<vmem>>, vector<16xi32>,
        %shift_left3A_831 = arith.constant 16 : i32
        %shift_left3A_832 = vector.broadcast %shift_left3A_831 : i32 to vector<16xi32>
        %shift_left3A_833 = arith.shli %get3A_830, %shift_left3A_832 : vector<16xi32>
        %bitcast_convert_type3A_834 = tpu.bitcast %shift_left3A_833 : vector<16xi32> -> vector<16xf32>
        %bitcast_convert_type3A_835 = tpu.bitcast %get3A_830 : vector<16xi32> -> vector<16xf32>
        %mul3A_836 = arith.constant 11 : i32
        %mul3A_837 = arith.muli %scan3A_249, %mul3A_836 : i32
        %add3A_838 = arith.constant 1 : i32
        %add3A_839 = arith.addi %mul3A_837, %add3A_838 : i32
        %get3A_840 = arith.constant 2 : i32
        %get3A_841 = arith.index_cast %get3A_840 : i32 to index
        %get3A_842 = arith.index_cast %add3A_839 : i32 to index
        %get3A_843 = arith.constant 48 : index
        %get3A_844 = tpu.vector_load %arg6[%get3A_841, %get3A_842, %get3A_843] {strides = array<i32>} : memref<3x264x64xi32, #tpu.memory_space<vmem>>, vector<16xi32>,
        %shift_left3A_845 = arith.constant 16 : i32
        %shift_left3A_846 = vector.broadcast %shift_left3A_845 : i32 to vector<16xi32>
        %shift_left3A_847 = arith.shli %get3A_844, %shift_left3A_846 : vector<16xi32>
        %bitcast_convert_type3A_848 = tpu.bitcast %shift_left3A_847 : vector<16xi32> -> vector<16xf32>
        %add3A_849 = arith.addf %bitcast_convert_type3A_834, %bitcast_convert_type3A_848 : vector<16xf32>
        %bitcast_convert_type3A_850 = tpu.bitcast %get3A_844 : vector<16xi32> -> vector<16xf32>
        %add3A_851 = arith.addf %bitcast_convert_type3A_835, %bitcast_convert_type3A_850 : vector<16xf32>
        %mul3A_852 = arith.constant 11 : i32
        %mul3A_853 = arith.muli %scan3A_249, %mul3A_852 : i32
        %add3A_854 = arith.constant 2 : i32
        %add3A_855 = arith.addi %mul3A_853, %add3A_854 : i32
        %get3A_856 = arith.constant 2 : i32
        %get3A_857 = arith.index_cast %get3A_856 : i32 to index
        %get3A_858 = arith.index_cast %add3A_855 : i32 to index
        %get3A_859 = arith.constant 48 : index
        %get3A_860 = tpu.vector_load %arg6[%get3A_857, %get3A_858, %get3A_859] {strides = array<i32>} : memref<3x264x64xi32, #tpu.memory_space<vmem>>, vector<16xi32>,
        %shift_left3A_861 = arith.constant 16 : i32
        %shift_left3A_862 = vector.broadcast %shift_left3A_861 : i32 to vector<16xi32>
        %shift_left3A_863 = arith.shli %get3A_860, %shift_left3A_862 : vector<16xi32>
        %bitcast_convert_type3A_864 = tpu.bitcast %shift_left3A_863 : vector<16xi32> -> vector<16xf32>
        %add3A_865 = arith.addf %add3A_849, %bitcast_convert_type3A_864 : vector<16xf32>
        %bitcast_convert_type3A_866 = tpu.bitcast %get3A_860 : vector<16xi32> -> vector<16xf32>
        %add3A_867 = arith.addf %add3A_851, %bitcast_convert_type3A_866 : vector<16xf32>
        %mul3A_868 = arith.constant 11 : i32
        %mul3A_869 = arith.muli %scan3A_249, %mul3A_868 : i32
        %add3A_870 = arith.constant 3 : i32
        %add3A_871 = arith.addi %mul3A_869, %add3A_870 : i32
        %get3A_872 = arith.constant 2 : i32
        %get3A_873 = arith.index_cast %get3A_872 : i32 to index
        %get3A_874 = arith.index_cast %add3A_871 : i32 to index
        %get3A_875 = arith.constant 48 : index
        %get3A_876 = tpu.vector_load %arg6[%get3A_873, %get3A_874, %get3A_875] {strides = array<i32>} : memref<3x264x64xi32, #tpu.memory_space<vmem>>, vector<16xi32>,
        %shift_left3A_877 = arith.constant 16 : i32
        %shift_left3A_878 = vector.broadcast %shift_left3A_877 : i32 to vector<16xi32>
        %shift_left3A_879 = arith.shli %get3A_876, %shift_left3A_878 : vector<16xi32>
        %bitcast_convert_type3A_880 = tpu.bitcast %shift_left3A_879 : vector<16xi32> -> vector<16xf32>
        %add3A_881 = arith.addf %add3A_865, %bitcast_convert_type3A_880 : vector<16xf32>
        %bitcast_convert_type3A_882 = tpu.bitcast %get3A_876 : vector<16xi32> -> vector<16xf32>
        %add3A_883 = arith.addf %add3A_867, %bitcast_convert_type3A_882 : vector<16xf32>
        %mul3A_884 = arith.constant 11 : i32
        %mul3A_885 = arith.muli %scan3A_249, %mul3A_884 : i32
        %add3A_886 = arith.constant 4 : i32
        %add3A_887 = arith.addi %mul3A_885, %add3A_886 : i32
        %get3A_888 = arith.constant 2 : i32
        %get3A_889 = arith.index_cast %get3A_888 : i32 to index
        %get3A_890 = arith.index_cast %add3A_887 : i32 to index
        %get3A_891 = arith.constant 48 : index
        %get3A_892 = tpu.vector_load %arg6[%get3A_889, %get3A_890, %get3A_891] {strides = array<i32>} : memref<3x264x64xi32, #tpu.memory_space<vmem>>, vector<16xi32>,
        %shift_left3A_893 = arith.constant 16 : i32
        %shift_left3A_894 = vector.broadcast %shift_left3A_893 : i32 to vector<16xi32>
        %shift_left3A_895 = arith.shli %get3A_892, %shift_left3A_894 : vector<16xi32>
        %bitcast_convert_type3A_896 = tpu.bitcast %shift_left3A_895 : vector<16xi32> -> vector<16xf32>
        %add3A_897 = arith.addf %add3A_881, %bitcast_convert_type3A_896 : vector<16xf32>
        %bitcast_convert_type3A_898 = tpu.bitcast %get3A_892 : vector<16xi32> -> vector<16xf32>
        %add3A_899 = arith.addf %add3A_883, %bitcast_convert_type3A_898 : vector<16xf32>
        %mul3A_900 = arith.constant 11 : i32
        %mul3A_901 = arith.muli %scan3A_249, %mul3A_900 : i32
        %add3A_902 = arith.constant 5 : i32
        %add3A_903 = arith.addi %mul3A_901, %add3A_902 : i32
        %get3A_904 = arith.constant 2 : i32
        %get3A_905 = arith.index_cast %get3A_904 : i32 to index
        %get3A_906 = arith.index_cast %add3A_903 : i32 to index
        %get3A_907 = arith.constant 48 : index
        %get3A_908 = tpu.vector_load %arg6[%get3A_905, %get3A_906, %get3A_907] {strides = array<i32>} : memref<3x264x64xi32, #tpu.memory_space<vmem>>, vector<16xi32>,
        %shift_left3A_909 = arith.constant 16 : i32
        %shift_left3A_910 = vector.broadcast %shift_left3A_909 : i32 to vector<16xi32>
        %shift_left3A_911 = arith.shli %get3A_908, %shift_left3A_910 : vector<16xi32>
        %bitcast_convert_type3A_912 = tpu.bitcast %shift_left3A_911 : vector<16xi32> -> vector<16xf32>
        %add3A_913 = arith.addf %add3A_897, %bitcast_convert_type3A_912 : vector<16xf32>
        %bitcast_convert_type3A_914 = tpu.bitcast %get3A_908 : vector<16xi32> -> vector<16xf32>
        %add3A_915 = arith.addf %add3A_899, %bitcast_convert_type3A_914 : vector<16xf32>
        %mul3A_916 = arith.constant 11 : i32
        %mul3A_917 = arith.muli %scan3A_249, %mul3A_916 : i32
        %add3A_918 = arith.constant 6 : i32
        %add3A_919 = arith.addi %mul3A_917, %add3A_918 : i32
        %get3A_920 = arith.constant 2 : i32
        %get3A_921 = arith.index_cast %get3A_920 : i32 to index
        %get3A_922 = arith.index_cast %add3A_919 : i32 to index
        %get3A_923 = arith.constant 48 : index
        %get3A_924 = tpu.vector_load %arg6[%get3A_921, %get3A_922, %get3A_923] {strides = array<i32>} : memref<3x264x64xi32, #tpu.memory_space<vmem>>, vector<16xi32>,
        %shift_left3A_925 = arith.constant 16 : i32
        %shift_left3A_926 = vector.broadcast %shift_left3A_925 : i32 to vector<16xi32>
        %shift_left3A_927 = arith.shli %get3A_924, %shift_left3A_926 : vector<16xi32>
        %bitcast_convert_type3A_928 = tpu.bitcast %shift_left3A_927 : vector<16xi32> -> vector<16xf32>
        %add3A_929 = arith.addf %add3A_913, %bitcast_convert_type3A_928 : vector<16xf32>
        %bitcast_convert_type3A_930 = tpu.bitcast %get3A_924 : vector<16xi32> -> vector<16xf32>
        %add3A_931 = arith.addf %add3A_915, %bitcast_convert_type3A_930 : vector<16xf32>
        %mul3A_932 = arith.constant 11 : i32
        %mul3A_933 = arith.muli %scan3A_249, %mul3A_932 : i32
        %add3A_934 = arith.constant 7 : i32
        %add3A_935 = arith.addi %mul3A_933, %add3A_934 : i32
        %get3A_936 = arith.constant 2 : i32
        %get3A_937 = arith.index_cast %get3A_936 : i32 to index
        %get3A_938 = arith.index_cast %add3A_935 : i32 to index
        %get3A_939 = arith.constant 48 : index
        %get3A_940 = tpu.vector_load %arg6[%get3A_937, %get3A_938, %get3A_939] {strides = array<i32>} : memref<3x264x64xi32, #tpu.memory_space<vmem>>, vector<16xi32>,
        %shift_left3A_941 = arith.constant 16 : i32
        %shift_left3A_942 = vector.broadcast %shift_left3A_941 : i32 to vector<16xi32>
        %shift_left3A_943 = arith.shli %get3A_940, %shift_left3A_942 : vector<16xi32>
        %bitcast_convert_type3A_944 = tpu.bitcast %shift_left3A_943 : vector<16xi32> -> vector<16xf32>
        %add3A_945 = arith.addf %add3A_929, %bitcast_convert_type3A_944 : vector<16xf32>
        %bitcast_convert_type3A_946 = tpu.bitcast %get3A_940 : vector<16xi32> -> vector<16xf32>
        %add3A_947 = arith.addf %add3A_931, %bitcast_convert_type3A_946 : vector<16xf32>
        %mul3A_948 = arith.constant 11 : i32
        %mul3A_949 = arith.muli %scan3A_249, %mul3A_948 : i32
        %add3A_950 = arith.constant 8 : i32
        %add3A_951 = arith.addi %mul3A_949, %add3A_950 : i32
        %get3A_952 = arith.constant 2 : i32
        %get3A_953 = arith.index_cast %get3A_952 : i32 to index
        %get3A_954 = arith.index_cast %add3A_951 : i32 to index
        %get3A_955 = arith.constant 48 : index
        %get3A_956 = tpu.vector_load %arg6[%get3A_953, %get3A_954, %get3A_955] {strides = array<i32>} : memref<3x264x64xi32, #tpu.memory_space<vmem>>, vector<16xi32>,
        %shift_left3A_957 = arith.constant 16 : i32
        %shift_left3A_958 = vector.broadcast %shift_left3A_957 : i32 to vector<16xi32>
        %shift_left3A_959 = arith.shli %get3A_956, %shift_left3A_958 : vector<16xi32>
        %bitcast_convert_type3A_960 = tpu.bitcast %shift_left3A_959 : vector<16xi32> -> vector<16xf32>
        %add3A_961 = arith.addf %add3A_945, %bitcast_convert_type3A_960 : vector<16xf32>
        %bitcast_convert_type3A_962 = tpu.bitcast %get3A_956 : vector<16xi32> -> vector<16xf32>
        %add3A_963 = arith.addf %add3A_947, %bitcast_convert_type3A_962 : vector<16xf32>
        %mul3A_964 = arith.constant 11 : i32
        %mul3A_965 = arith.muli %scan3A_249, %mul3A_964 : i32
        %add3A_966 = arith.constant 9 : i32
        %add3A_967 = arith.addi %mul3A_965, %add3A_966 : i32
        %get3A_968 = arith.constant 2 : i32
        %get3A_969 = arith.index_cast %get3A_968 : i32 to index
        %get3A_970 = arith.index_cast %add3A_967 : i32 to index
        %get3A_971 = arith.constant 48 : index
        %get3A_972 = tpu.vector_load %arg6[%get3A_969, %get3A_970, %get3A_971] {strides = array<i32>} : memref<3x264x64xi32, #tpu.memory_space<vmem>>, vector<16xi32>,
        %shift_left3A_973 = arith.constant 16 : i32
        %shift_left3A_974 = vector.broadcast %shift_left3A_973 : i32 to vector<16xi32>
        %shift_left3A_975 = arith.shli %get3A_972, %shift_left3A_974 : vector<16xi32>
        %bitcast_convert_type3A_976 = tpu.bitcast %shift_left3A_975 : vector<16xi32> -> vector<16xf32>
        %add3A_977 = arith.addf %add3A_961, %bitcast_convert_type3A_976 : vector<16xf32>
        %bitcast_convert_type3A_978 = tpu.bitcast %get3A_972 : vector<16xi32> -> vector<16xf32>
        %add3A_979 = arith.addf %add3A_963, %bitcast_convert_type3A_978 : vector<16xf32>
        %mul3A_980 = arith.constant 11 : i32
        %mul3A_981 = arith.muli %scan3A_249, %mul3A_980 : i32
        %add3A_982 = arith.constant 10 : i32
        %add3A_983 = arith.addi %mul3A_981, %add3A_982 : i32
        %get3A_984 = arith.constant 2 : i32
        %get3A_985 = arith.index_cast %get3A_984 : i32 to index
        %get3A_986 = arith.index_cast %add3A_983 : i32 to index
        %get3A_987 = arith.constant 48 : index
        %get3A_988 = tpu.vector_load %arg6[%get3A_985, %get3A_986, %get3A_987] {strides = array<i32>} : memref<3x264x64xi32, #tpu.memory_space<vmem>>, vector<16xi32>,
        %shift_left3A_989 = arith.constant 16 : i32
        %shift_left3A_990 = vector.broadcast %shift_left3A_989 : i32 to vector<16xi32>
        %shift_left3A_991 = arith.shli %get3A_988, %shift_left3A_990 : vector<16xi32>
        %bitcast_convert_type3A_992 = tpu.bitcast %shift_left3A_991 : vector<16xi32> -> vector<16xf32>
        %add3A_993 = arith.addf %add3A_977, %bitcast_convert_type3A_992 : vector<16xf32>
        %bitcast_convert_type3A_994 = tpu.bitcast %get3A_988 : vector<16xi32> -> vector<16xf32>
        %add3A_995 = arith.addf %add3A_979, %bitcast_convert_type3A_994 : vector<16xf32>
        %mul3A_996 = arith.constant 128 : i32
        %mul3A_997 = arith.muli %scan3A_249, %mul3A_996 : i32
        %add3A_998 = arith.constant 48 : i32
        %add3A_999 = arith.addi %mul3A_997, %add3A_998 : i32
        %swap3A_1000 = arith.constant 2 : i32
        %swap3A_1001 = arith.index_cast %swap3A_1000 : i32 to index
        %swap3A_1002 = arith.index_cast %add3A_999 : i32 to index
        %swap3A_1003 = tpu.vector_load %arg7[%swap3A_1001, %swap3A_1002] {strides = array<i32>} : memref<3x3072xf32, #tpu.memory_space<vmem>>, vector<16xf32>,
        tpu.vector_store %arg7[%swap3A_1001, %swap3A_1002], %add3A_993 {strides = array<i32>} : memref<3x3072xf32, #tpu.memory_space<vmem>>, vector<16xf32>,
        %mul3A_1004 = arith.constant 128 : i32
        %mul3A_1005 = arith.muli %scan3A_249, %mul3A_1004 : i32
        %add3A_1006 = arith.constant 64 : i32
        %add3A_1007 = arith.addi %mul3A_1005, %add3A_1006 : i32
        %add3A_1008 = arith.constant 48 : i32
        %add3A_1009 = arith.addi %add3A_1007, %add3A_1008 : i32
        %swap3A_1010 = arith.constant 2 : i32
        %swap3A_1011 = arith.index_cast %swap3A_1010 : i32 to index
        %swap3A_1012 = arith.index_cast %add3A_1009 : i32 to index
        %swap3A_1013 = tpu.vector_load %arg7[%swap3A_1011, %swap3A_1012] {strides = array<i32>} : memref<3x3072xf32, #tpu.memory_space<vmem>>, vector<16xf32>,
        tpu.vector_store %arg7[%swap3A_1011, %swap3A_1012], %add3A_995 {strides = array<i32>} : memref<3x3072xf32, #tpu.memory_space<vmem>>, vector<16xf32>,
      }
      %scan3A_222 = arith.constant 24 : i32
      %mul3A_223 = arith.constant 1584 : i32
      %mul3A_224 = arith.muli %add3A, %mul3A_223 : i32
      %mul3A_225 = arith.constant 24 : i32
      %mul3A_226 = arith.muli %add3A_197, %mul3A_225 : i32
      %add3A_227 = arith.addi %mul3A_224, %mul3A_226 : i32
      %mul3A_228 = arith.constant 128 : i32
      %mul3A_229 = arith.muli %add3A_227, %mul3A_228 : i32
      %dma_start3A_230 = arith.constant 2 : i32
      %dma_start3A_231 = arith.constant 2 : i32
      %dma_start3A_232 = arith.constant 0 : i32
      %dma_start3A_233 = tpu.memref_slice %arg7[%dma_start3A_230, %dma_start3A_232] : memref<3x3072xf32, #tpu.memory_space<vmem>> -> memref<1x3072xf32, #tpu.memory_space<vmem>>
      %dma_start3A_234 = tpu.memref_squeeze %dma_start3A_233 : memref<1x3072xf32, #tpu.memory_space<vmem>> -> memref<3072xf32, #tpu.memory_space<vmem>>
      %dma_start3A_235 = tpu.memref_slice %arg4[%mul3A_229] : memref<6488064xf32, #tpu.memory_space<hbm>> -> memref<3072xf32, #tpu.memory_space<hbm>>
      %dma_start3A_236 = tpu.memref_slice %arg9[%dma_start3A_231] : memref<3x!tpu.dma_semaphore, #tpu.memory_space<semaphore_mem>> -> memref<1x!tpu.dma_semaphore, #tpu.memory_space<semaphore_mem>>
      %dma_start3A_237 = tpu.memref_squeeze %dma_start3A_236 : memref<1x!tpu.dma_semaphore, #tpu.memory_space<semaphore_mem>> -> memref<!tpu.dma_semaphore, #tpu.memory_space<semaphore_mem>>
      %dma_start3A_238 = tpu.memref_slice %arg4[%mul3A_229] : memref<6488064xf32, #tpu.memory_space<hbm>> -> memref<3072xf32, #tpu.memory_space<hbm>>
      %dma_start3A_239 = arith.constant 0 : i32
      %dma_start3A_240 = tpu.memref_slice %arg7[%dma_start3A_230, %dma_start3A_239] : memref<3x3072xf32, #tpu.memory_space<vmem>> -> memref<1x3072xf32, #tpu.memory_space<vmem>>
      %dma_start3A_241 = tpu.memref_squeeze %dma_start3A_240 : memref<1x3072xf32, #tpu.memory_space<vmem>> -> memref<3072xf32, #tpu.memory_space<vmem>>
      tpu.enqueue_dma source(%dma_start3A_241 : memref<3072xf32, #tpu.memory_space<vmem>>) target(%dma_start3A_238 : memref<3072xf32, #tpu.memory_space<hbm>>) target_semaphore(%dma_start3A_237 : memref<!tpu.dma_semaphore, #tpu.memory_space<semaphore_mem>>)
      %add3A_242 = arith.constant 3 : i32
      %add3A_243 = arith.addi %add3A_197, %add3A_242 : i32
      %lt3A_244 = arith.constant 66 : i32
      %lt3A_245 = arith.cmpi slt, %add3A_243, %lt3A_244 : i32
      %convert_element_type3A_246 = arith.extui %lt3A_245 : i1 to i32
      %cond3A_247 = arith.constant 0 : i32
      %cond3A_248 = arith.cmpi ne, %convert_element_type3A_246, %cond3A_247 : i32
      scf.if %cond3A_248 {
        %add3A_249 = arith.constant 3 : i32
        %add3A_250 = arith.addi %add3A_197, %add3A_249 : i32
        %mul3A_251 = arith.constant 264 : i32
        %mul3A_252 = arith.muli %add3A_250, %mul3A_251 : i32
        %dma_start3A_253 = arith.constant 2 : i32
        %dma_start3A_254 = arith.constant 2 : i32
        %dma_start3A_255 = arith.constant 0 : i32
        %dma_start3A_256 = arith.constant 0 : i32
        %dma_start3A_257 = tpu.memref_slice %arg6[%dma_start3A_253, %dma_start3A_255, %dma_start3A_256] : memref<3x264x64xi32, #tpu.memory_space<vmem>> -> memref<1x264x64xi32, #tpu.memory_space<vmem>>
        %dma_start3A_258 = tpu.memref_squeeze %dma_start3A_257 : memref<1x264x64xi32, #tpu.memory_space<vmem>> -> memref<264x64xi32, #tpu.memory_space<vmem>>
        %dma_start3A_259 = tpu.memref_slice %arg5[%mul3A_252] : memref<17424xi32, #tpu.memory_space<vmem>> -> memref<264xi32, #tpu.memory_space<vmem>>
        %dma_start3A_260 = arith.constant 0 : i32
        %dma_start3A_261 = arith.constant 0 : i32
        %dma_start3A_262 = tpu.memref_slice %arg3[%dma_start3A_260, %dma_start3A_261] : memref<50000x64xi32, #tpu.memory_space<hbm>> -> memref<50000x64xi32, #tpu.memory_space<hbm>>
        %dma_start3A_263 = tpu.memref_slice %arg8[%dma_start3A_254] : memref<3x!tpu.dma_semaphore, #tpu.memory_space<semaphore_mem>> -> memref<1x!tpu.dma_semaphore, #tpu.memory_space<semaphore_mem>>
        %dma_start3A_264 = tpu.memref_squeeze %dma_start3A_263 : memref<1x!tpu.dma_semaphore, #tpu.memory_space<semaphore_mem>> -> memref<!tpu.dma_semaphore, #tpu.memory_space<semaphore_mem>>
        tpu.enqueue_indirect_dma source(%dma_start3A_262 : memref<50000x64xi32, #tpu.memory_space<hbm>>) target(%dma_start3A_258 : memref<264x64xi32, #tpu.memory_space<vmem>>) offsets(%dma_start3A_259 : memref<264xi32, #tpu.memory_space<vmem>>) semaphore(%dma_start3A_264 : memref<!tpu.dma_semaphore, #tpu.memory_space<semaphore_mem>>)
      } else {
      }
    }
    %scan3A_45 = arith.constant 22 : i32
    %dma_wait3A = arith.constant 0 : i32
    %dma_wait3A_46 = arith.constant 0 : i32
    %dma_wait3A_47 = arith.constant 0 : i32
    %dma_wait3A_48 = tpu.memref_slice %arg7[%dma_wait3A, %dma_wait3A_47] : memref<3x3072xf32, #tpu.memory_space<vmem>> -> memref<1x3072xf32, #tpu.memory_space<vmem>>
    %dma_wait3A_49 = tpu.memref_squeeze %dma_wait3A_48 : memref<1x3072xf32, #tpu.memory_space<vmem>> -> memref<3072xf32, #tpu.memory_space<vmem>>
    %dma_wait3A_50 = arith.constant 0 : i32
    %dma_wait3A_51 = tpu.memref_slice %arg4[%dma_wait3A_50] : memref<6488064xf32, #tpu.memory_space<hbm>> -> memref<3072xf32, #tpu.memory_space<hbm>>
    %dma_wait3A_52 = tpu.memref_slice %arg9[%dma_wait3A_46] : memref<3x!tpu.dma_semaphore, #tpu.memory_space<semaphore_mem>> -> memref<1x!tpu.dma_semaphore, #tpu.memory_space<semaphore_mem>>
    %dma_wait3A_53 = tpu.memref_squeeze %dma_wait3A_52 : memref<1x!tpu.dma_semaphore, #tpu.memory_space<semaphore_mem>> -> memref<!tpu.dma_semaphore, #tpu.memory_space<semaphore_mem>>
    %dma_wait3A_54 = arith.constant 0 : i32
    %dma_wait3A_55 = tpu.memref_slice %arg4[%dma_wait3A_54] : memref<6488064xf32, #tpu.memory_space<hbm>> -> memref<3072xf32, #tpu.memory_space<hbm>>
    %dma_wait3A_56 = arith.constant 0 : i32
    %dma_wait3A_57 = tpu.memref_slice %arg7[%dma_wait3A, %dma_wait3A_56] : memref<3x3072xf32, #tpu.memory_space<vmem>> -> memref<1x3072xf32, #tpu.memory_space<vmem>>
    %dma_wait3A_58 = tpu.memref_squeeze %dma_wait3A_57 : memref<1x3072xf32, #tpu.memory_space<vmem>> -> memref<3072xf32, #tpu.memory_space<vmem>>
    tpu.wait_dma2 semaphore(%dma_wait3A_53 : memref<!tpu.dma_semaphore, #tpu.memory_space<semaphore_mem>>) src(%dma_wait3A_58 : memref<3072xf32, #tpu.memory_space<vmem>>) dst(%dma_wait3A_55 : memref<3072xf32, #tpu.memory_space<hbm>>)
    %dma_wait3A_59 = arith.constant 1 : i32
    %dma_wait3A_60 = arith.constant 1 : i32
    %dma_wait3A_61 = arith.constant 0 : i32
    %dma_wait3A_62 = tpu.memref_slice %arg7[%dma_wait3A_59, %dma_wait3A_61] : memref<3x3072xf32, #tpu.memory_space<vmem>> -> memref<1x3072xf32, #tpu.memory_space<vmem>>
    %dma_wait3A_63 = tpu.memref_squeeze %dma_wait3A_62 : memref<1x3072xf32, #tpu.memory_space<vmem>> -> memref<3072xf32, #tpu.memory_space<vmem>>
    %dma_wait3A_64 = arith.constant 0 : i32
    %dma_wait3A_65 = tpu.memref_slice %arg4[%dma_wait3A_64] : memref<6488064xf32, #tpu.memory_space<hbm>> -> memref<3072xf32, #tpu.memory_space<hbm>>
    %dma_wait3A_66 = tpu.memref_slice %arg9[%dma_wait3A_60] : memref<3x!tpu.dma_semaphore, #tpu.memory_space<semaphore_mem>> -> memref<1x!tpu.dma_semaphore, #tpu.memory_space<semaphore_mem>>
    %dma_wait3A_67 = tpu.memref_squeeze %dma_wait3A_66 : memref<1x!tpu.dma_semaphore, #tpu.memory_space<semaphore_mem>> -> memref<!tpu.dma_semaphore, #tpu.memory_space<semaphore_mem>>
    %dma_wait3A_68 = arith.constant 0 : i32
    %dma_wait3A_69 = tpu.memref_slice %arg4[%dma_wait3A_68] : memref<6488064xf32, #tpu.memory_space<hbm>> -> memref<3072xf32, #tpu.memory_space<hbm>>
    %dma_wait3A_70 = arith.constant 0 : i32
    %dma_wait3A_71 = tpu.memref_slice %arg7[%dma_wait3A_59, %dma_wait3A_70] : memref<3x3072xf32, #tpu.memory_space<vmem>> -> memref<1x3072xf32, #tpu.memory_space<vmem>>
    %dma_wait3A_72 = tpu.memref_squeeze %dma_wait3A_71 : memref<1x3072xf32, #tpu.memory_space<vmem>> -> memref<3072xf32, #tpu.memory_space<vmem>>
    tpu.wait_dma2 semaphore(%dma_wait3A_67 : memref<!tpu.dma_semaphore, #tpu.memory_space<semaphore_mem>>) src(%dma_wait3A_72 : memref<3072xf32, #tpu.memory_space<vmem>>) dst(%dma_wait3A_69 : memref<3072xf32, #tpu.memory_space<hbm>>)
    %dma_wait3A_73 = arith.constant 2 : i32
    %dma_wait3A_74 = arith.constant 2 : i32
    %dma_wait3A_75 = arith.constant 0 : i32
    %dma_wait3A_76 = tpu.memref_slice %arg7[%dma_wait3A_73, %dma_wait3A_75] : memref<3x3072xf32, #tpu.memory_space<vmem>> -> memref<1x3072xf32, #tpu.memory_space<vmem>>
    %dma_wait3A_77 = tpu.memref_squeeze %dma_wait3A_76 : memref<1x3072xf32, #tpu.memory_space<vmem>> -> memref<3072xf32, #tpu.memory_space<vmem>>
    %dma_wait3A_78 = arith.constant 0 : i32
    %dma_wait3A_79 = tpu.memref_slice %arg4[%dma_wait3A_78] : memref<6488064xf32, #tpu.memory_space<hbm>> -> memref<3072xf32, #tpu.memory_space<hbm>>
    %dma_wait3A_80 = tpu.memref_slice %arg9[%dma_wait3A_74] : memref<3x!tpu.dma_semaphore, #tpu.memory_space<semaphore_mem>> -> memref<1x!tpu.dma_semaphore, #tpu.memory_space<semaphore_mem>>
    %dma_wait3A_81 = tpu.memref_squeeze %dma_wait3A_80 : memref<1x!tpu.dma_semaphore, #tpu.memory_space<semaphore_mem>> -> memref<!tpu.dma_semaphore, #tpu.memory_space<semaphore_mem>>
    %dma_wait3A_82 = arith.constant 0 : i32
    %dma_wait3A_83 = tpu.memref_slice %arg4[%dma_wait3A_82] : memref<6488064xf32, #tpu.memory_space<hbm>> -> memref<3072xf32, #tpu.memory_space<hbm>>
    %dma_wait3A_84 = arith.constant 0 : i32
    %dma_wait3A_85 = tpu.memref_slice %arg7[%dma_wait3A_73, %dma_wait3A_84] : memref<3x3072xf32, #tpu.memory_space<vmem>> -> memref<1x3072xf32, #tpu.memory_space<vmem>>
    %dma_wait3A_86 = tpu.memref_squeeze %dma_wait3A_85 : memref<1x3072xf32, #tpu.memory_space<vmem>> -> memref<3072xf32, #tpu.memory_space<vmem>>
    tpu.wait_dma2 semaphore(%dma_wait3A_81 : memref<!tpu.dma_semaphore, #tpu.memory_space<semaphore_mem>>) src(%dma_wait3A_86 : memref<3072xf32, #tpu.memory_space<vmem>>) dst(%dma_wait3A_83 : memref<3072xf32, #tpu.memory_space<hbm>>)
    return
  }
}

module attributes {stable_mosaic.version = 14 : i64} {
  func.func @body(%arg0: i32, %arg1: memref<5000x128xf32, #tpu.memory_space<vmem>>, %arg2: memref<5000x128xf32, #tpu.memory_space<vmem>>, %arg3: memref<640000xi32, #tpu.memory_space<vmem>>) attributes {dimension_semantics = [#tpu.dimension_semantics<arbitrary>], iteration_bounds = array<i64: 5>, scalar_prefetch = 0 : i64, scratch_operands = 0 : i64, tpu.core_type = #tpu.core_type<tc>, window_params = [{transform_indices = @transform_0, window_bounds = array<i64: 5000, 128>}, {transform_indices = @transform_1, window_bounds = array<i64: 5000, 128>}, {transform_indices = @transform_2, window_bounds = array<i64: 640000>}]} {
    %get3A = arith.constant 0 : index
    %get3A_0 = arith.constant 0 : index
    %get3A_1 = vector.load %arg1[%get3A, %get3A_0] : memref<5000x128xf32, #tpu.memory_space<vmem>>, vector<5000x128xf32>
    %bitcast_convert_type3A = tpu.bitcast %get3A_1 : vector<5000x128xf32> -> vector<5000x128xi32>
    %add3A = arith.constant 32768 : i32
    %add3A_2 = vector.broadcast %add3A : i32 to vector<5000x128xi32>
    %add3A_3 = arith.addi %bitcast_convert_type3A, %add3A_2 : vector<5000x128xi32>
    %slice3A = vector.extract_strided_slice %add3A_3 {offsets = [0, 0], sizes = [5000, 64], strides = [1, 1]} : vector<5000x128xi32> to vector<5000x64xi32>
    %shift_right_logical3A = arith.constant 16 : i32
    %shift_right_logical3A_4 = vector.broadcast %shift_right_logical3A : i32 to vector<5000x64xi32>
    %shift_right_logical3A_5 = arith.shrui %slice3A, %shift_right_logical3A_4 : vector<5000x64xi32>
    %slice3A_6 = vector.extract_strided_slice %add3A_3 {offsets = [0, 64], sizes = [5000, 64], strides = [1, 1]} : vector<5000x128xi32> to vector<5000x64xi32>
    %and3A = arith.constant -65536 : i32
    %and3A_7 = vector.broadcast %and3A : i32 to vector<5000x64xi32>
    %and3A_8 = arith.andi %slice3A_6, %and3A_7 : vector<5000x64xi32>
    %or3A = arith.ori %shift_right_logical3A_5, %and3A_8 : vector<5000x64xi32>
    %bitcast_convert_type3A_9 = tpu.bitcast %or3A : vector<5000x64xi32> -> vector<5000x64xi32>
    %get3A_10 = arith.constant 0 : index
    %get3A_11 = arith.constant 0 : index
    %get3A_12 = vector.load %arg2[%get3A_10, %get3A_11] : memref<5000x128xf32, #tpu.memory_space<vmem>>, vector<5000x128xf32>
    %bitcast_convert_type3A_13 = tpu.bitcast %get3A_12 : vector<5000x128xf32> -> vector<5000x128xi32>
    %add3A_14 = arith.constant 32768 : i32
    %add3A_15 = vector.broadcast %add3A_14 : i32 to vector<5000x128xi32>
    %add3A_16 = arith.addi %bitcast_convert_type3A_13, %add3A_15 : vector<5000x128xi32>
    %slice3A_17 = vector.extract_strided_slice %add3A_16 {offsets = [0, 0], sizes = [5000, 64], strides = [1, 1]} : vector<5000x128xi32> to vector<5000x64xi32>
    %shift_right_logical3A_18 = arith.constant 16 : i32
    %shift_right_logical3A_19 = vector.broadcast %shift_right_logical3A_18 : i32 to vector<5000x64xi32>
    %shift_right_logical3A_20 = arith.shrui %slice3A_17, %shift_right_logical3A_19 : vector<5000x64xi32>
    %slice3A_21 = vector.extract_strided_slice %add3A_16 {offsets = [0, 64], sizes = [5000, 64], strides = [1, 1]} : vector<5000x128xi32> to vector<5000x64xi32>
    %and3A_22 = arith.constant -65536 : i32
    %and3A_23 = vector.broadcast %and3A_22 : i32 to vector<5000x64xi32>
    %and3A_24 = arith.andi %slice3A_21, %and3A_23 : vector<5000x64xi32>
    %or3A_25 = arith.ori %shift_right_logical3A_20, %and3A_24 : vector<5000x64xi32>
    %bitcast_convert_type3A_26 = tpu.bitcast %or3A_25 : vector<5000x64xi32> -> vector<5000x64xi32>
    %concatenate3A = tpu.concatenate %bitcast_convert_type3A_9, %bitcast_convert_type3A_26 in 1 : vector<5000x64xi32>, vector<5000x64xi32> -> vector<5000x128xi32>
    %reshape3A = vector.shape_cast %concatenate3A : vector<5000x128xi32> to vector<640000xi32>
    %swap3A = arith.constant 0 : index
    %swap3A_27 = vector.load %arg3[%swap3A] : memref<640000xi32, #tpu.memory_space<vmem>>, vector<640000xi32>
    tpu.vector_store %arg3[%swap3A], %reshape3A {strides = array<i32>} : memref<640000xi32, #tpu.memory_space<vmem>>, vector<640000xi32>,
    return
  }
  func.func @transform_0(%arg0: i32) -> (i32, i32) {
    %c0_i32 = arith.constant 0 : i32
    %c0_i32_0 = arith.constant 0 : i32
    return %arg0, %c0_i32 : i32, i32
  }
  func.func @transform_1(%arg0: i32) -> (i32, i32) {
    %add3A = arith.constant 5 : i32
    %add3A_0 = arith.addi %arg0, %add3A : i32
    %c0_i32 = arith.constant 0 : i32
    %c0_i32_1 = arith.constant 0 : i32
    return %add3A_0, %c0_i32 : i32, i32
  }
  func.func @transform_2(%arg0: i32) -> i32 {
    %c0_i32 = arith.constant 0 : i32
    return %arg0 : i32
  }
}

module attributes {stable_mosaic.version = 14 : i64} {
  func.func @body(%arg0: i32, %arg1: memref<5000x128xf32, #tpu.memory_space<vmem>>, %arg2: memref<128x128xf32, #tpu.memory_space<vmem>>, %arg3: memref<16x128xf32, #tpu.memory_space<vmem>>, %arg4: memref<5000x16xf32, #tpu.memory_space<vmem>>) attributes {dimension_semantics = [#tpu.dimension_semantics<arbitrary>], iteration_bounds = array<i64: 10>, scalar_prefetch = 0 : i64, scratch_operands = 0 : i64, tpu.core_type = #tpu.core_type<tc>, window_params = [{transform_indices = @transform_0, window_bounds = array<i64: 5000, 128>}, {pipeline_mode = #tpu.pipeline_mode<synchronous>, transform_indices = @transform_1, window_bounds = array<i64: 128, 128>}, {pipeline_mode = #tpu.pipeline_mode<synchronous>, transform_indices = @transform_2, window_bounds = array<i64: 16, 128>}, {transform_indices = @transform_3, window_bounds = array<i64: 5000, 16>}]} {
    %get3A = arith.constant 0 : index
    %get3A_0 = arith.constant 0 : index
    %get3A_1 = vector.load %arg1[%get3A, %get3A_0] : memref<5000x128xf32, #tpu.memory_space<vmem>>, vector<5000x128xf32>
    %mul3A = arith.constant 0.0909090936 : f32
    %mul3A_2 = vector.broadcast %mul3A : f32 to vector<5000x128xf32>
    %mul3A_3 = arith.mulf %get3A_1, %mul3A_2 : vector<5000x128xf32>
    %get3A_4 = arith.constant 0 : index
    %get3A_5 = arith.constant 0 : index
    %get3A_6 = vector.load %arg2[%get3A_4, %get3A_5] : memref<128x128xf32, #tpu.memory_space<vmem>>, vector<128x128xf32>
    %dot_general3A = arith.constant dense<0.000000e+00> : vector<5000x128xf32>
    %dot_general3A_7 = tpu.matmul %mul3A_3, %get3A_6, %dot_general3A {dimension_numbers = #tpu.dot_dimension_numbers<[1], [1], [0], [0], [0, 0, 1, 0], [], []>, transpose_lhs_hint = false} : vector<5000x128xf32>, vector<128x128xf32>, vector<5000x128xf32> -> vector<5000x128xf32>
    %max3A = arith.constant 0.000000e+00 : f32
    %max3A_8 = vector.broadcast %max3A : f32 to vector<5000x128xf32>
    %max3A_9 = arith.maximumf %dot_general3A_7, %max3A_8 : vector<5000x128xf32>
    %get3A_10 = arith.constant 0 : index
    %get3A_11 = arith.constant 0 : index
    %get3A_12 = vector.load %arg3[%get3A_10, %get3A_11] : memref<16x128xf32, #tpu.memory_space<vmem>>, vector<16x128xf32>
    %dot_general3A_13 = arith.constant dense<0.000000e+00> : vector<5000x16xf32>
    %dot_general3A_14 = tpu.matmul %max3A_9, %get3A_12, %dot_general3A_13 {dimension_numbers = #tpu.dot_dimension_numbers<[1], [1], [0], [0], [0, 0, 1, 0], [], []>, transpose_lhs_hint = false} : vector<5000x128xf32>, vector<16x128xf32>, vector<5000x16xf32> -> vector<5000x16xf32>
    %logistic3A = arith.negf %dot_general3A_14 : vector<5000x16xf32>
    %logistic3A_15 = math.exp %logistic3A : vector<5000x16xf32>
    %logistic3A_16 = arith.constant 1.000000e+00 : f32
    %logistic3A_17 = vector.broadcast %logistic3A_16 : f32 to vector<5000x16xf32>
    %logistic3A_18 = arith.addf %logistic3A_17, %logistic3A_15 : vector<5000x16xf32>
    %logistic3A_19 = arith.divf %logistic3A_17, %logistic3A_18 : vector<5000x16xf32>
    %swap3A = arith.constant 0 : index
    %swap3A_20 = arith.constant 0 : index
    %swap3A_21 = vector.load %arg4[%swap3A, %swap3A_20] : memref<5000x16xf32, #tpu.memory_space<vmem>>, vector<5000x16xf32>
    tpu.vector_store %arg4[%swap3A, %swap3A_20], %logistic3A_19 {strides = array<i32>} : memref<5000x16xf32, #tpu.memory_space<vmem>>, vector<5000x16xf32>,
    return
  }
  func.func @transform_0(%arg0: i32) -> (i32, i32) {
    %c0_i32 = arith.constant 0 : i32
    %c0_i32_0 = arith.constant 0 : i32
    return %arg0, %c0_i32 : i32, i32
  }
  func.func @transform_1(%arg0: i32) -> (i32, i32) {
    %c0_i32 = arith.constant 0 : i32
    %c0_i32_0 = arith.constant 0 : i32
    %c0_i32_1 = arith.constant 0 : i32
    return %c0_i32, %c0_i32_0 : i32, i32
  }
  func.func @transform_2(%arg0: i32) -> (i32, i32) {
    %c0_i32 = arith.constant 0 : i32
    %c0_i32_0 = arith.constant 0 : i32
    %c0_i32_1 = arith.constant 0 : i32
    return %c0_i32, %c0_i32_0 : i32, i32
  }
  func.func @transform_3(%arg0: i32) -> (i32, i32) {
    %c0_i32 = arith.constant 0 : i32
    %c0_i32_0 = arith.constant 0 : i32
    return %arg0, %c0_i32 : i32, i32
  }
}

</mosaic_0001>

<sc_bundles>
// kernel: kernel.5.cloned.1.call-start
scs
__scs_entry_jumppad:
0x0: {  	(pc) =	sbr.rel $0x88, $3  }
0x1: {  	(tag) =	ssettag $0x0;
	lr =	simm.s32 $0x1  }
0x2: {  	[smem:$0x3F9C] =	sst lr;
	_ =	strace $0xD0000000  }
0x3: {  	_ = 	snop  }
0x4: {  	_ = 	snop  }
0x5: {  	_ = 	snop  }
0x6: {  	_ = 	snop  }
0x7: {  	_ = 	snop  }
__scs_overlays_trampoline_lowered:
0x8: {  	[smem:$0x3FAB] =	sst s0  }
0x9: {  	[smem:$0x3FAC] =	sst s1  }
0xa: {  	[smem:$0x3FAD] =	sst s2  }
0xb: {  	[smem:$0x3FAE] =	sst s3  }
0xc: {  	[smem:$0x3FAF] =	sst s4  }
0xd: {  	[smem:$0x3FB0] =	sst s5  }
0xe: {  	[smem:$0x3FB1] =	sst s6  }
0xf: {  	[smem:$0x3FB2] =	sst s7  }
0x10: {  	[smem:$0x3FB3] =	sst s8  }
0x11: {  	[smem:$0x3FB4] =	sst s9;
	s0 =	simm.s32 @!p0 $0x0  }
0x12: {  	s1 =	sld [smem:$0x3F9A];
	s0 =	simm.s32 @p0 $0x1  }
0x13: {  	[smem:$0x3FB5] =	sst s0;
	s0 =	simm.s32 @!p1 $0x0  }
0x14: {  	s2 =	sld [smem:$0x3F99];
	s0 =	simm.s32 @p1 $0x1  }
0x15: {  	[smem:$0x3FB6] =	sst s0;
	s0 =	simm.s32 @!p2 $0x0  }
0x16: {  	s3 =	sld [smem:$0x3FDB];
	s0 =	simm.s32 @p2 $0x1  }
0x17: {  	s4 =	simm.s32 $0x1BF5;
	[smem:$0x3FB8] =	sst s0  }
0x18: {  	s0 =	sld [smem:$0x3F9B];
	_ =	swait.ge [sflag:s4], $0x0  }
0x19: {  	s7 =	sld [smem:$0x3F9C]  }
0x1a: {  	s8 =	sadd.s32 $0xFFFFE003, lr  }
0x1b: {  	s9 =	sadd.s32 $0xFFFFFEF7, lr;
	s5 =	simm.s32 $0xFFFFFFFF;
	p2 =	slt.u32 s8, $0xFFFFF086  }
0x1c: {  	p1 =	slt.u32 s9, $0xF7A;
	s5 =	simm.s32 @!p2 $0x0  }
0x1d: {  	s5 =	simm.s32 @p1 $0x1;
	p0 =	seq.s32 s7, s2  }
0x1e: {  	s7 =	smul.u32 @!p0 $0xF7A, s2;
	p2 =	seq.s32 @!p0 s5, $0x0  }
0x1f: {  	s9 =	smul.u32 $0xF7A, s1;
	s8 =	simm.s32 @!p0 $0x1BF5;
	p2 =	por !p2, p0  }
0x20: {  	[sflag:s8] =	ssyncset.s32 @!p0 $0xFFFFF086;
	s6 =	sadd.s32 @!p0 s3, s7;
	s7 =	simm.s32 @!p0 $0x108  }
0x21: {  	s3 =	sadd.s32 s3, s9;
	s6 =	sadd.s32 @!p0 $0x88, s6;
	s7 =	simm.s32 @p2 $0x1082  }
0x22: {  	[simem:s7], [sflag:s8] =	dma.local @!p0 [hbm:s6], $0xF7A  }
0x23: {  	s9 =	sor.u32 $0xD0000000, s2;
	s6 =	simm.s32 $0x108;
	_ =	swait.ge @!p0 [sflag:s8], $0x0  }
0x24: {  	s3 =	sadd.s32 $0x88, s3;
	s6 =	simm.s32 @!p1 $0x1082;
	[sflag:s4] =	ssyncset.s32 $0xFFFFF086  }
0x25: {  	[simem:s6], [sflag:s4] =	dma.local [hbm:s3], $0xF7A  }
0x26: {  	[smem:$0x3F9C] =	sst s1;
	(tag) =	ssettag s2;
	_ =	strace s9  }
0x27: {  	s1 =	sld [smem:$0x3FAC]  }
0x28: {  	s2 =	sld [smem:$0x3FAD]  }
0x29: {  	s4 =	sld [smem:$0x3FAF]  }
0x2a: {  	p0 =	seq.s32 s5, $0x0;
	s5 =	sld [smem:$0x3FB0]  }
0x2b: {  	s6 =	sld [smem:$0x3FB1]  }
0x2c: {  	s7 =	sld [smem:$0x3FB2]  }
0x2d: {  	s3 =	simm.s32 $0x108;
	s8 =	sld [smem:$0x3FB3]  }
0x2e: {  	s3 =	simm.s32 @!p0 $0x1082;
	s9 =	sld [smem:$0x3FB4]  }
0x2f: {  	lr =	sadd.s32 s0, s3;
	s0 =	sld [smem:$0x3FAB]  }
0x30: {  	s3 =	sld [smem:$0x3FAE]  }
0x31: {  	[smem:$0x3FB7] =	sst s10  }
0x32: {  	s10 =	sld [smem:$0x3FB5];
	_ =	sdelay $0x3  }
0x33: {  	p0 =	seq.s32 s10, $0x1;
	s10 =	sld [smem:$0x3FB7];
	_ =	sdelay $0x3  }
0x34: {  	[smem:$0x3FB7] =	sst s10  }
0x35: {  	s10 =	sld [smem:$0x3FB6];
	_ =	sdelay $0x3  }
0x36: {  	p1 =	seq.s32 s10, $0x1;
	s10 =	sld [smem:$0x3FB7];
	_ =	sdelay $0x3  }
0x37: {  	[smem:$0x3FB7] =	sst s10  }
0x38: {  	s10 =	sld [smem:$0x3FB8]  }
0x39: {  	_ = 	snop;
	(pc) =	sbr.ind lr, $3  }
0x3a: {  	_ = 	snop  }
0x3b: {  	_ = 	snop  }
0x3c: {  	p2 =	seq.s32 s10, $0x1;
	s10 =	sld [smem:$0x3FB7]  }
0x3d: {  	_ =	shalt  }
0x3e: {  	_ =	shalt  }
0x3f: {  	_ =	shalt  }
0x40: {  	_ =	shalt  }
0x41: {  	_ =	shalt  }
0x42: {  	_ =	shalt  }
0x43: {  	_ =	shalt  }
0x44: {  	_ =	shalt  }
0x45: {  	_ =	shalt  }
0x46: {  	_ =	shalt  }
0x47: {  	_ =	shalt  }
0x48: {  	_ =	shalt  }
0x49: {  	_ =	shalt  }
0x4a: {  	_ =	shalt  }
0x4b: {  	_ =	shalt  }
0x4c: {  	_ =	shalt  }
0x4d: {  	_ =	shalt  }
0x4e: {  	_ =	shalt  }
0x4f: {  	_ =	shalt  }
0x50: {  	_ =	shalt  }
0x51: {  	_ =	shalt  }
0x52: {  	_ =	shalt  }
0x53: {  	_ =	shalt  }
0x54: {  	_ =	shalt  }
0x55: {  	_ =	shalt  }
0x56: {  	_ =	shalt  }
0x57: {  	_ =	shalt  }
0x58: {  	_ =	shalt  }
0x59: {  	_ =	shalt  }
0x5a: {  	_ =	shalt  }
0x5b: {  	_ =	shalt  }
0x5c: {  	_ =	shalt  }
0x5d: {  	_ =	shalt  }
0x5e: {  	_ =	shalt  }
0x5f: {  	_ =	shalt  }
0x60: {  	_ =	shalt  }
0x61: {  	_ =	shalt  }
0x62: {  	_ =	shalt  }
0x63: {  	_ =	shalt  }
0x64: {  	_ =	shalt  }
0x65: {  	_ =	shalt  }
0x66: {  	_ =	shalt  }
0x67: {  	_ =	shalt  }
0x68: {  	_ =	shalt  }
0x69: {  	_ =	shalt  }
0x6a: {  	_ =	shalt  }
0x6b: {  	_ =	shalt  }
0x6c: {  	_ =	shalt  }
0x6d: {  	_ =	shalt  }
0x6e: {  	_ =	shalt  }
0x6f: {  	_ =	shalt  }
0x70: {  	_ =	shalt  }
0x71: {  	_ =	shalt  }
0x72: {  	_ =	shalt  }
0x73: {  	_ =	shalt  }
0x74: {  	_ =	shalt  }
0x75: {  	_ =	shalt  }
0x76: {  	_ =	shalt  }
0x77: {  	_ =	shalt  }
0x78: {  	_ =	shalt  }
0x79: {  	_ =	shalt  }
0x7a: {  	_ =	shalt  }
0x7b: {  	_ =	shalt  }
0x7c: {  	_ =	shalt  }
0x7d: {  	_ =	shalt  }
0x7e: {  	_ =	shalt  }
0x7f: {  	_ =	shalt  }
0x80: {  	_ =	shalt  }
0x81: {  	_ =	shalt  }
0x82: {  	_ =	shalt  }
0x83: {  	_ =	shalt  }
0x84: {  	_ =	shalt  }
0x85: {  	_ =	shalt  }
0x86: {  	_ =	shalt  }
0x87: {  	_ =	shalt  }
.Lfunc_end0:
.L_simem_size_0:
called_computation_lowered:
.L_overlay_start_0:
0x88: {  	s2 =	sld [smem:$0x3FD9]  }
0x89: {  	s3 =	sld [smem:$0x3FFE];
	_ =	sdelay $0x1  }
0x8a: {  	s1 =	srdreg.scid  }
0x8b: {  	s0 =	sand.u32 $0x1, s1  }
0x8c: {  	s17 =	sshll.u32 s0, $0xA;
	s2 =	sadd.s32 s3, s2  }
0x8d: {  	s2 =	sadd.s32 s2, s17  }
0x8e: {  	[smem:$0x3FC3] =	sst s2  }
0x8f: {  	_ = 	snop  }
0x90: {  	s2 =	sld [smem:$0x3FD0];
	(tm) =	ssettm $0x1  }
0x91: {  	s18 =	sld [smem:$0x3FFB];
	_ =	sdelay $0x3  }
0x92: {  	_ =	strace s18  }
0x93: {  	s3 =	sld [smem:$0x3FFC];
	_ =	sdelay $0x3  }
0x94: {  	_ =	strace s3  }
0x95: {  	s3 =	sld [smem:$0x3FFD];
	_ =	sdelay $0x3  }
0x96: {  	_ =	strace s3  }
0x97: {  	_ =	strace $0x8FFFFFFF  }
0x98: {  	s19 =	sld [smem:$0x3FDB];
	_ =	sdelay $0x1  }
0x99: {  	s4 =	simm.s32 $_scs_section_size  }
0x9a: {  	s5 =	simm.s32 $_size__tile_overlayer_lowered;
	s6 =	simm.s32 $_tile_overlayer_lowered  }
0x9b: {  	s22 =	simm.s32 $0x1BFF;
	s21 =	sshll.u32 s6, $0x1;
	s3 =	sadd.s32 s4, s19  }
0x9c: {  	s7 =	simm.s32 $0x0;
	s20 =	sshll.u32 s5, $0x1;
	s5 =	sadd.s32 s21, s3  }
0x9d: {  	[timem:s7], [sflag:s22] =	dma.local [hbm:s5], s20  }
0x9e: {  	_ =	swait.ge [sflag:s22], s20  }
0x9f: {  	s4 =	ssub.s32 $0x0, s20;
	[sflag:s22] =	ssyncset.done $0x0  }
0xa0: {  	[sflag:s22] =	ssyncadd.s32 s4;
	_ =	sdelay $0x1  }
0xa1: {  	s23 =	simm.s32 $0x1B8B  }
0xa2: {  	_ =	swait.ge [sflag:s23], $0x1  }
0xa3: {  	[sflag:s23] =	ssyncset.done $0x0  }
0xa4: {  	s25 =	simm.s32 $0x1B8E;
	s24 =	sld [smem:$0x3FFE];
	[sflag:s23] =	ssyncadd.s32 $0xFFFFFFFF  }
0xa5: {  	s26 =	simm.s32 $execute0_lowered;
	[smem:$0x3FD2] =	sst s25  }
0xa6: {  	s5 =	sshll.u32 s26, $0x1;
	_ =	strace $0x80000046;
	[dreg:$0x1] =	wrdreg $0xFFFFFFFF  }
0xa7: {  	s28 =	simm.s32 $_size_execute0_lowered;
	s3 =	sadd.s32 s3, s5;
	[dreg:$0x0] =	wrdreg $0x0  }
0xa8: {  	s5 =	sshll.u32 s28, $0x1;
	[dreg:$0x2] =	wrdreg s3  }
0xa9: {  	[dreg:$0x3] =	wrdreg s5  }
0xaa: {  	[dreg:$0x4] =	wrdreg $0xC0  }
0xab: {  	_ =	task [dreg:s7], $0x5FFFF  }
0xac: {  	[dreg:$0x1] =	wrdreg $0xFFFFFFFF  }
0xad: {  	[dreg:$0x0] =	wrdreg $0x60  }
0xae: {  	[dreg:$0x2] =	wrdreg s2  }
0xaf: {  	[dreg:$0x3] =	wrdreg s24  }
0xb0: {  	[dreg:$0x4] =	wrdreg $0x9  }
0xb1: {  	_ =	task.clear_ibuf [dreg:s7], $0x5FFFF;
	_ =	strace $0x90000046  }
0xb2: {  	s29 =	simm.s32 $0x9;
	_ =	strace $0x80000048  }
0xb3: {  	_ =	swait.ge [sflag:s29], $0x1  }
0xb4: {  	[sflag:s29] =	ssyncadd.s32 $0xFFFFFFFF  }
0xb5: {  	_ =	strace $0x90000048  }
0xb6: {  	_ =	sfence  }
0xb7: {  	s30 =	sld [smem:$0x0];
	_ =	sdelay $0x2  }
0xb8: {  	s31 =	sshll.u32 s1, $0xD;
	s1 =	sshrl.u32 s1, $0x2  }
0xb9: {  	s3 =	sand.u32 $0x4000, s31;
	s1 =	sadd.s32 s1, s30  }
0xba: {  	s0 =	sor.u32 s3, s0;
	s1 =	sshll.u32 s1, $0x11  }
0xbb: {  	s0 =	sor.u32 s1, s0  }
0xbc: {  	s0 =	sadd.s32 $0x8F2B, s0  }
0xbd: {  	[sflag:s0] =	ssyncadd.remote.s32 $0x1  }
0xbe: {  	_ =	sfence.sel $0xFFFF  }
0xbf: {  	[dreg:$0x0] =	wrdreg $0xFFFFFFFF;
	(pc) =	sbr.abs _section_cstart, $3  }
0xc0: {  	[dreg:$0x1] =	wrdreg $0xFFFFFFFF  }
0xc1: {  	_ =	task.clear_ibuf [dreg:s7], $0x2FFFF;
	_ =	strace $0x9FFFFFFF  }
0xc2: {  	(tm) =	ssettm $0x7FFFFFFF  }
0xc3: {  	_ =	shalt  }
tec
execute0_lowered:
.L_overlay_start_1:
0x0: {  	(tag) =	ssettag $0x1  }
0x1: {  	s1 =	rddreg [dreg:$0x0];
	s2 =	srdreg.scid  }
0x2: {  	s0 =	stileid.u32;
	s5 =	rddreg [dreg:$0x1];
	s10 =	simm.s32 $0x7  }
0x3: {  	s11 =	simm.s32 $0x108;
	s12 =	simm.s32 $0x4410;
	s13 =	simm.s32 $0x8610  }
0x4: {  	s14 =	simm.s32 $0x210;
	s15 =	simm.s32 $0xC810;
	s16 =	simm.s32 $0x1  }
0x5: {  	s17 =	simm.s32 $0x10A10;
	s18 =	simm.s32 $0x2;
	s19 =	simm.s32 $0x5  }
0x6: {  	s20 =	simm.s32 $0x11610;
	s21 =	simm.s32 $0x3;
	s22 =	simm.s32 $0x6  }
0x7: {  	s23 =	simm.s32 $0x12210;
	s24 =	simm.s32 $0x4;
	s25 =	simm.s32 $0x0  }
0x8: {  	s3 =	sand.u32 $0x1, s2;
	s4 =	sshll.u32 s0, $0x1;
	s2 =	simm.s32 $0x0  }
.Ltmp0:
0x9: {  	s4 =	sor.u32 s3, s4;
	[smem:$0x7FF] =	sst s2;
	(pc) =	sbr.rel .LBB2_1-.Ltmp0, $4  }
0xa: {  	s7 =	ssub.s32 $0x2, s3;
	s6 =	smul.u32 $0x882, s4;
	_ =	strace $0x80000047  }
0xb: {  	s3 =	smul.u32 $0x630, s4;
	s4 =	sadd.s32 $0xC00, s5;
	s8 =	sshrl.u32 s7, $0x1  }
0xc: {  	s5 =	sadd.s32 $0x62800, s5;
	s9 =	ssub.s32 s7, s8;
	s6 =	sadd.s32 s1, s6  }
0xd: {  	s7 =	sadd.s32 $0x18, s3;
	s8 =	sadd.s32 $0x30, s3;
	s9 =	smax.u32 s9, $0x1  }
.LBB2_18:
0xe: {  	_ =	swait.ge [sflag:s24], $0xC00  }
0xf: {  	[sflag:s24] =	ssyncset.done $0x0  }
0x10: {  	s25 =	sadd.s32 $0x1, s25;
	[sflag:s24] =	ssyncadd.s32 $0xFFFFF400  }
0x11: {  	p0 =	sne.s32 s25, s9;
	_ =	swait.ge [sflag:s19], $0xC00  }
.Ltmp1:
0x12: {  	[sflag:s19] =	ssyncset.done $0x0;
	(pc) =	sbr.rel @!p0 .LBB2_19-.Ltmp1, $4  }
0x13: {  	[sflag:s19] =	ssyncadd.s32 $0xFFFFF400  }
0x14: {  	_ =	swait.ge [sflag:s22], $0xC00  }
0x15: {  	[sflag:s22] =	ssyncset.done $0x0  }
0x16: {  	[sflag:s22] =	ssyncadd.s32 $0xFFFFF400  }
.LBB2_1:
0x17: {  	[tilespmem:s2], [sflag:$0x7] =	stream.linear.gather [hbm4b:s6+s2], $0x4410, $0x38;
	[tilespmem:$0x12E10] =	vst v63  }
0x18: {  	_ =	swait.ge [sflag:s10], $0x4410  }
0x19: {  	[sflag:s10] =	ssyncset.done $0x0  }
0x1a: {  	[sflag:s10] =	ssyncadd.s32 $0xFFFFBBF0  }
0x1b: {  	[tilespmem:s12], [sflag:$0x1] =	stream.indirect.gather [hbm4b:s4+s11], $0x40, s2, s11, $0xb8;
	[tilespmem:$0x12E10] =	vst v63  }
0x1c: {  	_ = 	snop  }
0x1d: {  	[tilespmem:s13], [sflag:$0x2] =	stream.indirect.gather [hbm4b:s4+s11], $0x40, s11, s11, $0xb8;
	[tilespmem:$0x12E10] =	vst v63  }
0x1e: {  	s26 =	simm.s32 $0x0  }
0x1f: {  	[tilespmem:s15], [sflag:$0x3] =	stream.indirect.gather [hbm4b:s4+s11], $0x40, s14, s11, $0xb8;
	[tilespmem:$0x12E10] =	vst v63  }
.LBB2_2:
0x20: {  	_ =	swait.ge [sflag:s16], $0x4200  }
0x21: {  	p0 =	seq.s32 s26, $0x0;
	[sflag:s16] =	ssyncset.done $0x0  }
0x22: {  	s1 =	simm.s32 @!p0 $0x4;
	[sflag:s16] =	ssyncadd.s32 $0xFFFFBE00  }
0x23: {  	_ =	swait.ge @!p0 [sflag:s1], $0xC00  }
0x24: {  	[sflag:s1] =	ssyncset.done @!p0 $0x0  }
0x25: {  	s28 =	simm.s32 $0x4570;
	[sflag:s1] =	ssyncadd.s32 @!p0 $0xFFFFF400  }
0x26: {  	v0 =	vld [tilespmem:s28+$0xFFFFFEE0]  }
0x27: {  	v1 =	vld [tilespmem:s28+$0xFFFFFEA0];
	_ =	sdelay $0x1  }
0x28: {  	v2 =	vld [tilespmem:s28+$0xFFFFFF20];
	_ =	sdelay $0x1  }
0x29: {  	v3 =	vld [tilespmem:s28+$0xFFFFFF60]  }
0x2a: {  	v4 =	vshll.u32 v1, $0x10;
	v5 =	vshll.u32 v0, $0x10;
	v0 =	vadd.f32 v0, v1  }
0x2b: {  	v1 =	vadd.f32 v5, v4;
	v4 =	vld [tilespmem:s28+$0xFFFFFFA0]  }
0x2c: {  	v5 =	vshll.u32 v2, $0x10;
	v0 =	vadd.f32 v2, v0  }
0x2d: {  	v2 =	vld [tilespmem:s28+$0xFFFFFFE0];
	v1 =	vadd.f32 v5, v1  }
0x2e: {  	v5 =	vshll.u32 v3, $0x10;
	v0 =	vadd.f32 v3, v0  }
0x2f: {  	v3 =	vld [tilespmem:s28+$0x20];
	v1 =	vadd.f32 v5, v1  }
0x30: {  	v5 =	vshll.u32 v4, $0x10;
	v0 =	vadd.f32 v4, v0  }
0x31: {  	v4 =	vld [tilespmem:s28+$0x60];
	v1 =	vadd.f32 v5, v1  }
0x32: {  	v5 =	vshll.u32 v2, $0x10;
	v0 =	vadd.f32 v2, v0  }
0x33: {  	v2 =	vld [tilespmem:s28+$0xA0];
	v1 =	vadd.f32 v5, v1  }
0x34: {  	v5 =	vshll.u32 v3, $0x10;
	v0 =	vadd.f32 v3, v0  }
0x35: {  	v3 =	vld [tilespmem:s28+$0xE0];
	v1 =	vadd.f32 v5, v1  }
0x36: {  	v5 =	vshll.u32 v4, $0x10;
	v0 =	vadd.f32 v4, v0  }
0x37: {  	v4 =	vld [tilespmem:s28+$0x120];
	v1 =	vadd.f32 v5, v1  }
0x38: {  	v5 =	vshll.u32 v2, $0x10;
	v0 =	vadd.f32 v2, v0  }
0x39: {  	v1 =	vadd.f32 v5, v1  }
0x3a: {  	v2 =	vshll.u32 v3, $0x10;
	v0 =	vadd.f32 v3, v0  }
0x3b: {  	v1 =	vadd.f32 v2, v1  }
0x3c: {  	v2 =	vshll.u32 v4, $0x10;
	v0 =	vadd.f32 v4, v0  }
0x3d: {  	s29 =	simm.s32 $0x0;
	v1 =	vadd.f32 v2, v1  }
0x3e: {  	[tilespmem:s29+$0x10A50] =	vst v0  }
0x3f: {  	[tilespmem:s29+$0x10A10] =	vst v1  }
0x40: {  	v0 =	vld [tilespmem:s28+$0xFFFFFEF0]  }
0x41: {  	v1 =	vld [tilespmem:s28+$0xFFFFFEB0];
	_ =	sdelay $0x1  }
0x42: {  	v2 =	vld [tilespmem:s28+$0xFFFFFF30];
	_ =	sdelay $0x1  }
0x43: {  	v3 =	vld [tilespmem:s28+$0xFFFFFF70]  }
0x44: {  	v4 =	vshll.u32 v1, $0x10;
	v5 =	vshll.u32 v0, $0x10;
	v0 =	vadd.f32 v0, v1  }
0x45: {  	v1 =	vadd.f32 v5, v4;
	v4 =	vld [tilespmem:s28+$0xFFFFFFB0]  }
0x46: {  	v5 =	vshll.u32 v2, $0x10;
	v0 =	vadd.f32 v2, v0  }
0x47: {  	v2 =	vld [tilespmem:s28+$0xFFFFFFF0];
	v1 =	vadd.f32 v5, v1  }
0x48: {  	v5 =	vshll.u32 v3, $0x10;
	v0 =	vadd.f32 v3, v0  }
0x49: {  	v3 =	vld [tilespmem:s28+$0x30];
	v1 =	vadd.f32 v5, v1  }
0x4a: {  	v5 =	vshll.u32 v4, $0x10;
	v0 =	vadd.f32 v4, v0  }
0x4b: {  	v4 =	vld [tilespmem:s28+$0x70];
	v1 =	vadd.f32 v5, v1  }
0x4c: {  	v5 =	vshll.u32 v2, $0x10;
	v0 =	vadd.f32 v2, v0  }
0x4d: {  	v2 =	vld [tilespmem:s28+$0xB0];
	v1 =	vadd.f32 v5, v1  }
0x4e: {  	v5 =	vshll.u32 v3, $0x10;
	v0 =	vadd.f32 v3, v0  }
0x4f: {  	v3 =	vld [tilespmem:s28+$0xF0];
	v1 =	vadd.f32 v5, v1  }
0x50: {  	v5 =	vshll.u32 v4, $0x10;
	v0 =	vadd.f32 v4, v0  }
0x51: {  	v4 =	vld [tilespmem:s28+$0x130];
	v1 =	vadd.f32 v5, v1  }
0x52: {  	v5 =	vshll.u32 v2, $0x10;
	v0 =	vadd.f32 v2, v0  }
0x53: {  	v1 =	vadd.f32 v5, v1  }
0x54: {  	v2 =	vshll.u32 v3, $0x10;
	v0 =	vadd.f32 v3, v0  }
0x55: {  	v1 =	vadd.f32 v2, v1  }
0x56: {  	v2 =	vshll.u32 v4, $0x10;
	v0 =	vadd.f32 v4, v0  }
0x57: {  	v1 =	vadd.f32 v2, v1  }
0x58: {  	[tilespmem:s29+$0x10A60] =	vst v0  }
0x59: {  	[tilespmem:s29+$0x10A20] =	vst v1  }
0x5a: {  	v0 =	vld [tilespmem:s28+$0xFFFFFEC0]  }
0x5b: {  	v1 =	vld [tilespmem:s28+$0xFFFFFF00];
	_ =	sdelay $0x1  }
0x5c: {  	v2 =	vld [tilespmem:s28+$0xFFFFFF40];
	_ =	sdelay $0x1  }
0x5d: {  	v3 =	vld [tilespmem:s28+$0xFFFFFF80]  }
0x5e: {  	v4 =	vshll.u32 v0, $0x10;
	v5 =	vshll.u32 v1, $0x10;
	v0 =	vadd.f32 v1, v0  }
0x5f: {  	v1 =	vadd.f32 v5, v4;
	v4 =	vld [tilespmem:s28+$0xFFFFFFC0]  }
0x60: {  	v5 =	vshll.u32 v2, $0x10;
	v0 =	vadd.f32 v2, v0  }
0x61: {  	v2 =	vld [tilespmem:s28+$0x0];
	v1 =	vadd.f32 v5, v1  }
0x62: {  	v5 =	vshll.u32 v3, $0x10;
	v0 =	vadd.f32 v3, v0  }
0x63: {  	v3 =	vld [tilespmem:s28+$0x40];
	v1 =	vadd.f32 v5, v1  }
0x64: {  	v5 =	vshll.u32 v4, $0x10;
	v0 =	vadd.f32 v4, v0  }
0x65: {  	v4 =	vld [tilespmem:s28+$0x80];
	v1 =	vadd.f32 v5, v1  }
0x66: {  	v5 =	vshll.u32 v2, $0x10;
	v0 =	vadd.f32 v2, v0  }
0x67: {  	v2 =	vld [tilespmem:s28+$0xC0];
	v1 =	vadd.f32 v5, v1  }
0x68: {  	v5 =	vshll.u32 v3, $0x10;
	v0 =	vadd.f32 v3, v0  }
0x69: {  	v3 =	vld [tilespmem:s28+$0x100];
	v1 =	vadd.f32 v5, v1  }
0x6a: {  	v5 =	vshll.u32 v4, $0x10;
	v0 =	vadd.f32 v4, v0  }
0x6b: {  	v4 =	vld [tilespmem:s28+$0x140];
	v1 =	vadd.f32 v5, v1  }
0x6c: {  	v5 =	vshll.u32 v2, $0x10;
	v0 =	vadd.f32 v2, v0  }
0x6d: {  	v1 =	vadd.f32 v5, v1  }
0x6e: {  	v2 =	vshll.u32 v3, $0x10;
	v0 =	vadd.f32 v3, v0  }
0x6f: {  	v1 =	vadd.f32 v2, v1  }
0x70: {  	v2 =	vshll.u32 v4, $0x10;
	v0 =	vadd.f32 v4, v0  }
0x71: {  	v1 =	vadd.f32 v2, v1  }
0x72: {  	[tilespmem:s29+$0x10A70] =	vst v0  }
0x73: {  	[tilespmem:s29+$0x10A30] =	vst v1  }
0x74: {  	v0 =	vld [tilespmem:s28+$0xFFFFFED0]  }
0x75: {  	v1 =	vld [tilespmem:s28+$0xFFFFFF10];
	_ =	sdelay $0x1  }
0x76: {  	v2 =	vld [tilespmem:s28+$0xFFFFFF50];
	_ =	sdelay $0x1  }
0x77: {  	v3 =	vld [tilespmem:s28+$0xFFFFFF90]  }
0x78: {  	v4 =	vadd.f32 v1, v0  }
0x79: {  	v5 =	vld [tilespmem:s28+$0xFFFFFFD0];
	v0 =	vshll.u32 v0, $0x10;
	v1 =	vshll.u32 v1, $0x10  }
0x7a: {  	v0 =	vadd.f32 v1, v0;
	v1 =	vadd.f32 v2, v4  }
0x7b: {  	v4 =	vld [tilespmem:s28+$0x10];
	v2 =	vshll.u32 v2, $0x10  }
0x7c: {  	v0 =	vadd.f32 v2, v0;
	v1 =	vadd.f32 v3, v1  }
0x7d: {  	v2 =	vld [tilespmem:s28+$0x50];
	v3 =	vshll.u32 v3, $0x10  }
0x7e: {  	v0 =	vadd.f32 v3, v0;
	v1 =	vadd.f32 v5, v1  }
0x7f: {  	v3 =	vld [tilespmem:s28+$0x90];
	v5 =	vshll.u32 v5, $0x10  }
0x80: {  	v5 =	vadd.f32 v5, v0;
	v1 =	vadd.f32 v4, v1  }
0x81: {  	v6 =	vld [tilespmem:s28+$0xD0];
	v4 =	vshll.u32 v4, $0x10  }
0x82: {  	v0 =	vld [tilespmem:s28+$0x150];
	v4 =	vadd.f32 v4, v5;
	v1 =	vadd.f32 v2, v1  }
0x83: {  	v5 =	vld [tilespmem:s28+$0x110];
	v2 =	vshll.u32 v2, $0x10  }
0x84: {  	v2 =	vadd.f32 v2, v4;
	v1 =	vadd.f32 v3, v1  }
0x85: {  	v3 =	vshll.u32 v3, $0x10  }
0x86: {  	v2 =	vadd.f32 v3, v2;
	v7 =	vadd.f32 v6, v1  }
0x87: {  	v3 =	vshll.u32 v6, $0x10;
	v1 =	vshll.u32 v0, $0x10  }
0x88: {  	s30 =	simm.s32 $0x200;
	v4 =	vshll.u32 v5, $0x10;
	v3 =	vadd.f32 v3, v2;
	v2 =	vadd.f32 v5, v7  }
.LBB2_3:
0x89: {  	p1 =	sne.s32 s30, $0x2E00  }
0x8a: {  	v3 =	vadd.f32 v4, v3;
	s28 =	sadd.s32 $0x2C0, s28;
	s1 =	smov.u32 s30;
	s30 =	sadd.s32 $0x200, s30  }
0x8b: {  	v0 =	vadd.f32 v0, v2  }
0x8c: {  	v1 =	vadd.f32 v1, v3  }
0x8d: {  	[tilespmem:s29+$0x10A80] =	vst v0  }
0x8e: {  	[tilespmem:s29+$0x10A40] =	vst v1  }
0x8f: {  	v0 =	vld [tilespmem:s28+$0xFFFFFEE0]  }
0x90: {  	v1 =	vld [tilespmem:s28+$0xFFFFFEA0];
	_ =	sdelay $0x1  }
0x91: {  	v2 =	vld [tilespmem:s28+$0xFFFFFF20];
	_ =	sdelay $0x1  }
0x92: {  	v3 =	vld [tilespmem:s28+$0xFFFFFF60]  }
0x93: {  	v5 =	vshll.u32 v0, $0x10;
	v4 =	vshll.u32 v1, $0x10;
	v0 =	vadd.f32 v0, v1  }
0x94: {  	v1 =	vadd.f32 v5, v4;
	v4 =	vld [tilespmem:s28+$0xFFFFFFA0]  }
0x95: {  	v5 =	vshll.u32 v2, $0x10;
	v0 =	vadd.f32 v2, v0  }
0x96: {  	v1 =	vadd.f32 v5, v1;
	v2 =	vld [tilespmem:s28+$0xFFFFFFE0]  }
0x97: {  	v5 =	vshll.u32 v3, $0x10;
	v0 =	vadd.f32 v3, v0  }
0x98: {  	v1 =	vadd.f32 v5, v1;
	v3 =	vld [tilespmem:s28+$0x20]  }
0x99: {  	v5 =	vshll.u32 v4, $0x10;
	v0 =	vadd.f32 v4, v0  }
0x9a: {  	v1 =	vadd.f32 v5, v1;
	v4 =	vld [tilespmem:s28+$0x60]  }
0x9b: {  	v5 =	vshll.u32 v2, $0x10;
	v0 =	vadd.f32 v2, v0  }
0x9c: {  	v1 =	vadd.f32 v5, v1;
	v2 =	vld [tilespmem:s28+$0xA0]  }
0x9d: {  	v5 =	vshll.u32 v3, $0x10;
	v0 =	vadd.f32 v3, v0  }
0x9e: {  	v1 =	vadd.f32 v5, v1;
	v3 =	vld [tilespmem:s28+$0xE0]  }
0x9f: {  	v5 =	vshll.u32 v4, $0x10;
	v0 =	vadd.f32 v4, v0  }
0xa0: {  	v1 =	vadd.f32 v5, v1;
	v4 =	vld [tilespmem:s28+$0x120]  }
0xa1: {  	v5 =	vshll.u32 v2, $0x10;
	v0 =	vadd.f32 v2, v0  }
0xa2: {  	v1 =	vadd.f32 v5, v1  }
0xa3: {  	v2 =	vshll.u32 v3, $0x10;
	v0 =	vadd.f32 v3, v0  }
0xa4: {  	v1 =	vadd.f32 v2, v1  }
0xa5: {  	v2 =	vshll.u32 v4, $0x10;
	v0 =	vadd.f32 v4, v0  }
0xa6: {  	s29 =	sshra.s32 s1, $0x2;
	v1 =	vadd.f32 v2, v1  }
0xa7: {  	[tilespmem:s29+$0x10A50] =	vst v0  }
0xa8: {  	[tilespmem:s29+$0x10A10] =	vst v1  }
0xa9: {  	v0 =	vld [tilespmem:s28+$0xFFFFFEF0]  }
0xaa: {  	v1 =	vld [tilespmem:s28+$0xFFFFFEB0];
	_ =	sdelay $0x1  }
0xab: {  	v2 =	vld [tilespmem:s28+$0xFFFFFF30];
	_ =	sdelay $0x1  }
0xac: {  	v3 =	vld [tilespmem:s28+$0xFFFFFF70]  }
0xad: {  	v5 =	vshll.u32 v0, $0x10;
	v4 =	vshll.u32 v1, $0x10;
	v0 =	vadd.f32 v0, v1  }
0xae: {  	v1 =	vadd.f32 v5, v4;
	v4 =	vld [tilespmem:s28+$0xFFFFFFB0]  }
0xaf: {  	v5 =	vshll.u32 v2, $0x10;
	v0 =	vadd.f32 v2, v0  }
0xb0: {  	v1 =	vadd.f32 v5, v1;
	v2 =	vld [tilespmem:s28+$0xFFFFFFF0]  }
0xb1: {  	v5 =	vshll.u32 v3, $0x10;
	v0 =	vadd.f32 v3, v0  }
0xb2: {  	v1 =	vadd.f32 v5, v1;
	v3 =	vld [tilespmem:s28+$0x30]  }
0xb3: {  	v5 =	vshll.u32 v4, $0x10;
	v0 =	vadd.f32 v4, v0  }
0xb4: {  	v1 =	vadd.f32 v5, v1;
	v4 =	vld [tilespmem:s28+$0x70]  }
0xb5: {  	v5 =	vshll.u32 v2, $0x10;
	v0 =	vadd.f32 v2, v0  }
0xb6: {  	v1 =	vadd.f32 v5, v1;
	v2 =	vld [tilespmem:s28+$0xB0]  }
0xb7: {  	v5 =	vshll.u32 v3, $0x10;
	v0 =	vadd.f32 v3, v0  }
0xb8: {  	v1 =	vadd.f32 v5, v1;
	v3 =	vld [tilespmem:s28+$0xF0]  }
0xb9: {  	v5 =	vshll.u32 v4, $0x10;
	v0 =	vadd.f32 v4, v0  }
0xba: {  	v1 =	vadd.f32 v5, v1;
	v4 =	vld [tilespmem:s28+$0x130]  }
0xbb: {  	v5 =	vshll.u32 v2, $0x10;
	v0 =	vadd.f32 v2, v0  }
0xbc: {  	v1 =	vadd.f32 v5, v1  }
0xbd: {  	v2 =	vshll.u32 v3, $0x10;
	v0 =	vadd.f32 v3, v0  }
0xbe: {  	v1 =	vadd.f32 v2, v1  }
0xbf: {  	v2 =	vshll.u32 v4, $0x10;
	v0 =	vadd.f32 v4, v0  }
0xc0: {  	v1 =	vadd.f32 v2, v1  }
0xc1: {  	[tilespmem:s29+$0x10A60] =	vst v0  }
0xc2: {  	[tilespmem:s29+$0x10A20] =	vst v1  }
0xc3: {  	v0 =	vld [tilespmem:s28+$0xFFFFFEC0]  }
0xc4: {  	v1 =	vld [tilespmem:s28+$0xFFFFFF00];
	_ =	sdelay $0x1  }
0xc5: {  	v2 =	vld [tilespmem:s28+$0xFFFFFF40];
	_ =	sdelay $0x1  }
0xc6: {  	v3 =	vshll.u32 v0, $0x10;
	v4 =	vld [tilespmem:s28+$0xFFFFFF80]  }
0xc7: {  	v5 =	vshll.u32 v1, $0x10;
	v0 =	vadd.f32 v1, v0  }
0xc8: {  	v1 =	vadd.f32 v5, v3;
	v3 =	vld [tilespmem:s28+$0xFFFFFFC0]  }
0xc9: {  	v5 =	vshll.u32 v2, $0x10;
	v0 =	vadd.f32 v2, v0  }
0xca: {  	v1 =	vadd.f32 v5, v1;
	v2 =	vld [tilespmem:s28+$0x0]  }
0xcb: {  	v5 =	vshll.u32 v4, $0x10;
	v0 =	vadd.f32 v4, v0  }
0xcc: {  	v1 =	vadd.f32 v5, v1;
	v4 =	vld [tilespmem:s28+$0x40]  }
0xcd: {  	v5 =	vshll.u32 v3, $0x10;
	v0 =	vadd.f32 v3, v0  }
0xce: {  	v1 =	vadd.f32 v5, v1;
	v3 =	vld [tilespmem:s28+$0x80]  }
0xcf: {  	v5 =	vshll.u32 v2, $0x10;
	v0 =	vadd.f32 v2, v0  }
0xd0: {  	v1 =	vadd.f32 v5, v1;
	v2 =	vld [tilespmem:s28+$0xC0]  }
0xd1: {  	v5 =	vshll.u32 v4, $0x10;
	v0 =	vadd.f32 v4, v0  }
0xd2: {  	v1 =	vadd.f32 v5, v1;
	v4 =	vld [tilespmem:s28+$0x100]  }
0xd3: {  	v5 =	vshll.u32 v3, $0x10;
	v0 =	vadd.f32 v3, v0  }
0xd4: {  	v1 =	vadd.f32 v5, v1;
	v3 =	vld [tilespmem:s28+$0x140]  }
0xd5: {  	v5 =	vshll.u32 v2, $0x10;
	v0 =	vadd.f32 v2, v0  }
0xd6: {  	v1 =	vadd.f32 v5, v1  }
0xd7: {  	v2 =	vshll.u32 v4, $0x10;
	v0 =	vadd.f32 v4, v0  }
0xd8: {  	v1 =	vadd.f32 v2, v1  }
0xd9: {  	v2 =	vshll.u32 v3, $0x10;
	v0 =	vadd.f32 v3, v0  }
0xda: {  	v1 =	vadd.f32 v2, v1  }
0xdb: {  	[tilespmem:s29+$0x10A70] =	vst v0  }
0xdc: {  	[tilespmem:s29+$0x10A30] =	vst v1  }
0xdd: {  	v0 =	vld [tilespmem:s28+$0xFFFFFED0]  }
0xde: {  	v1 =	vld [tilespmem:s28+$0xFFFFFF10]  }
0xdf: {  	v2 =	vld [tilespmem:s28+$0xFFFFFF50]  }
0xe0: {  	v3 =	vld [tilespmem:s28+$0xFFFFFF90]  }
0xe1: {  	v4 =	vld [tilespmem:s28+$0xFFFFFFD0]  }
0xe2: {  	v5 =	vshll.u32 v0, $0x10;
	v6 =	vld [tilespmem:s28+$0x10]  }
0xe3: {  	v7 =	vshll.u32 v1, $0x10;
	v0 =	vadd.f32 v1, v0;
	v8 =	vld [tilespmem:s28+$0x50]  }
0xe4: {  	v1 =	vadd.f32 v7, v5;
	v5 =	vshll.u32 v2, $0x10;
	v7 =	vld [tilespmem:s28+$0x90]  }
0xe5: {  	v0 =	vadd.f32 v2, v0;
	v2 =	vld [tilespmem:s28+$0xD0]  }
0xe6: {  	v1 =	vadd.f32 v5, v1;
	v5 =	vshll.u32 v3, $0x10;
	v9 =	vld [tilespmem:s28+$0x110]  }
0xe7: {  	v3 =	vadd.f32 v3, v0;
	v0 =	vld [tilespmem:s28+$0x150]  }
0xe8: {  	v1 =	vadd.f32 v5, v1;
	v5 =	vshll.u32 v4, $0x10  }
0xe9: {  	v3 =	vadd.f32 v4, v3  }
0xea: {  	v4 =	vshll.u32 v6, $0x10;
	v1 =	vadd.f32 v5, v1  }
0xeb: {  	v3 =	vadd.f32 v6, v3  }
0xec: {  	v5 =	vshll.u32 v8, $0x10;
	v4 =	vadd.f32 v4, v1;
	v1 =	vshll.u32 v0, $0x10  }
0xed: {  	v3 =	vadd.f32 v8, v3  }
0xee: {  	v4 =	vadd.f32 v5, v4;
	v5 =	vshll.u32 v7, $0x10  }
.Ltmp2:
0xef: {  	v3 =	vadd.f32 v7, v3;
	(pc) =	sbr.rel @p1 .LBB2_3-.Ltmp2, $4  }
0xf0: {  	v4 =	vadd.f32 v5, v4;
	v5 =	vshll.u32 v2, $0x10  }
0xf1: {  	v2 =	vadd.f32 v2, v3  }
0xf2: {  	v3 =	vadd.f32 v5, v4;
	v4 =	vshll.u32 v9, $0x10  }
0xf3: {  	v2 =	vadd.f32 v9, v2  }
0xf4: {  	v3 =	vadd.f32 v4, v3;
	s28 =	smul.u32 $0x48, s26;
	p1 =	sne.s32 s26, $0x15  }
.Ltmp3:
0xf5: {  	v0 =	vadd.f32 v0, v2;
	(pc) =	sbr.rel @p1 .LBB2_6-.Ltmp3, $4  }
0xf6: {  	v1 =	vadd.f32 v1, v3;
	s1 =	sadd.s32 s3, s28  }
0xf7: {  	[tilespmem:s29+$0x10A80] =	vst v0;
	s1 =	sshll.u32 s1, $0x4  }
0xf8: {  	[tilespmem:s29+$0x10A40] =	vst v1;
	s1 =	sadd.s32 s5, s1  }
0xf9: {  	[hbm4b:s1+s2] =	stream.linear.scatter [tilespmem:s17], [sflag:$0x4], $0xC00, $0x38;
	[tilespmem:$0x12E10] =	vst v63  }
.Ltmp4:
0xfa: {  	(pc) =	sbr.rel .LBB2_7-.Ltmp4, $4  }
0xfb: {  	_ = 	snop  }
0xfc: {  	_ =	swait.ge [sflag:s18], $0x4200  }
0xfd: {  	[sflag:s18] =	ssyncset.done $0x0  }
0xfe: {  	[sflag:s18] =	ssyncadd.s32 $0xFFFFBE00  }
.LBB2_6:
0xff: {  	s1 =	smul.u32 $0xC60, s26;
	_ =	sdelay $0x1  }
0x100: {  	s1 =	sshra.s32 s1, $0x2  }
.Ltmp5:
0x101: {  	s1 =	sadd.s32 $0x318, s1;
	(pc) =	sbr.rel @p0 .LBB2_8-.Ltmp5, $4  }
0x102: {  	[tilespmem:s12], [sflag:$0x1] =	stream.indirect.gather [hbm4b:s4+s11], $0x40, s1, s11, $0xb8;
	[tilespmem:$0x12E10] =	vst v63  }
0x103: {  	_ =	swait.ge [sflag:s18], $0x4200  }
0x104: {  	[sflag:s18] =	ssyncset.done $0x0  }
0x105: {  	[sflag:s18] =	ssyncadd.s32 $0xFFFFBE00  }
.LBB2_7:
0x106: {  	_ =	swait.ge [sflag:s19], $0xC00  }
0x107: {  	[sflag:s19] =	ssyncset.done $0x0  }
0x108: {  	[sflag:s19] =	ssyncadd.s32 $0xFFFFF400  }
.LBB2_8:
0x109: {  	s1 =	simm.s32 $0x0  }
0x10a: {  	v0 =	vld [tilespmem:s1+$0x8610]  }
0x10b: {  	v1 =	vld [tilespmem:s1+$0x8650];
	_ =	sdelay $0x1  }
0x10c: {  	v2 =	vld [tilespmem:s1+$0x8690];
	_ =	sdelay $0x1  }
0x10d: {  	v3 =	vld [tilespmem:s1+$0x86D0]  }
0x10e: {  	v4 =	vshll.u32 v0, $0x10;
	v5 =	vshll.u32 v1, $0x10;
	v0 =	vadd.f32 v1, v0  }
0x10f: {  	v1 =	vadd.f32 v5, v4;
	v4 =	vld [tilespmem:s1+$0x8710]  }
0x110: {  	v5 =	vshll.u32 v2, $0x10;
	v0 =	vadd.f32 v2, v0  }
0x111: {  	v2 =	vld [tilespmem:s1+$0x8750];
	v1 =	vadd.f32 v5, v1  }
0x112: {  	v5 =	vshll.u32 v3, $0x10;
	v0 =	vadd.f32 v3, v0  }
0x113: {  	v3 =	vld [tilespmem:s1+$0x8790];
	v1 =	vadd.f32 v5, v1  }
0x114: {  	v5 =	vshll.u32 v4, $0x10;
	v0 =	vadd.f32 v4, v0  }
0x115: {  	v4 =	vld [tilespmem:s1+$0x87D0];
	v1 =	vadd.f32 v5, v1  }
0x116: {  	v5 =	vshll.u32 v2, $0x10;
	v0 =	vadd.f32 v2, v0  }
0x117: {  	v2 =	vld [tilespmem:s1+$0x8810];
	v1 =	vadd.f32 v5, v1  }
0x118: {  	v5 =	vshll.u32 v3, $0x10;
	v0 =	vadd.f32 v3, v0  }
0x119: {  	v3 =	vld [tilespmem:s1+$0x8850];
	v1 =	vadd.f32 v5, v1  }
0x11a: {  	v5 =	vshll.u32 v4, $0x10;
	v0 =	vadd.f32 v4, v0  }
0x11b: {  	v4 =	vld [tilespmem:s1+$0x8890];
	v1 =	vadd.f32 v5, v1  }
0x11c: {  	v5 =	vshll.u32 v2, $0x10;
	v0 =	vadd.f32 v2, v0  }
0x11d: {  	v1 =	vadd.f32 v5, v1  }
0x11e: {  	v2 =	vshll.u32 v3, $0x10;
	v0 =	vadd.f32 v3, v0  }
0x11f: {  	v1 =	vadd.f32 v2, v1  }
0x120: {  	v2 =	vshll.u32 v4, $0x10;
	v0 =	vadd.f32 v4, v0  }
0x121: {  	s29 =	simm.s32 $0x11680;
	v1 =	vadd.f32 v2, v1  }
0x122: {  	[tilespmem:s29+$0xFFFFFFD0] =	vst v0  }
0x123: {  	[tilespmem:s29+$0xFFFFFF90] =	vst v1  }
0x124: {  	v0 =	vld [tilespmem:s1+$0x8620]  }
0x125: {  	v1 =	vld [tilespmem:s1+$0x8660];
	_ =	sdelay $0x1  }
0x126: {  	v2 =	vld [tilespmem:s1+$0x86A0];
	_ =	sdelay $0x1  }
0x127: {  	v3 =	vld [tilespmem:s1+$0x86E0]  }
0x128: {  	v4 =	vshll.u32 v0, $0x10;
	v5 =	vshll.u32 v1, $0x10;
	v0 =	vadd.f32 v1, v0  }
0x129: {  	v1 =	vadd.f32 v5, v4;
	v4 =	vld [tilespmem:s1+$0x8720]  }
0x12a: {  	v5 =	vshll.u32 v2, $0x10;
	v0 =	vadd.f32 v2, v0  }
0x12b: {  	v2 =	vld [tilespmem:s1+$0x8760];
	v1 =	vadd.f32 v5, v1  }
0x12c: {  	v5 =	vshll.u32 v3, $0x10;
	v0 =	vadd.f32 v3, v0  }
0x12d: {  	v3 =	vld [tilespmem:s1+$0x87A0];
	v1 =	vadd.f32 v5, v1  }
0x12e: {  	v5 =	vshll.u32 v4, $0x10;
	v0 =	vadd.f32 v4, v0  }
0x12f: {  	v4 =	vld [tilespmem:s1+$0x87E0];
	v1 =	vadd.f32 v5, v1  }
0x130: {  	v5 =	vshll.u32 v2, $0x10;
	v0 =	vadd.f32 v2, v0  }
0x131: {  	v2 =	vld [tilespmem:s1+$0x8820];
	v1 =	vadd.f32 v5, v1  }
0x132: {  	v5 =	vshll.u32 v3, $0x10;
	v0 =	vadd.f32 v3, v0  }
0x133: {  	v3 =	vld [tilespmem:s1+$0x8860];
	v1 =	vadd.f32 v5, v1  }
0x134: {  	v5 =	vshll.u32 v4, $0x10;
	v0 =	vadd.f32 v4, v0  }
0x135: {  	v4 =	vld [tilespmem:s1+$0x88A0];
	v1 =	vadd.f32 v5, v1  }
0x136: {  	v5 =	vshll.u32 v2, $0x10;
	v0 =	vadd.f32 v2, v0  }
0x137: {  	v1 =	vadd.f32 v5, v1  }
0x138: {  	v2 =	vshll.u32 v3, $0x10;
	v0 =	vadd.f32 v3, v0  }
0x139: {  	v1 =	vadd.f32 v2, v1  }
0x13a: {  	v2 =	vshll.u32 v4, $0x10;
	v0 =	vadd.f32 v4, v0  }
0x13b: {  	v1 =	vadd.f32 v2, v1  }
0x13c: {  	[tilespmem:s29+$0xFFFFFFE0] =	vst v0  }
0x13d: {  	[tilespmem:s29+$0xFFFFFFA0] =	vst v1  }
0x13e: {  	v0 =	vld [tilespmem:s1+$0x8630]  }
0x13f: {  	v1 =	vld [tilespmem:s1+$0x8670];
	_ =	sdelay $0x1  }
0x140: {  	v2 =	vld [tilespmem:s1+$0x86B0];
	_ =	sdelay $0x1  }
0x141: {  	v3 =	vld [tilespmem:s1+$0x86F0]  }
0x142: {  	v4 =	vshll.u32 v0, $0x10;
	v5 =	vshll.u32 v1, $0x10;
	v0 =	vadd.f32 v1, v0  }
0x143: {  	v1 =	vadd.f32 v5, v4;
	v4 =	vld [tilespmem:s1+$0x8730]  }
0x144: {  	v5 =	vshll.u32 v2, $0x10;
	v0 =	vadd.f32 v2, v0  }
0x145: {  	v2 =	vld [tilespmem:s1+$0x8770];
	v1 =	vadd.f32 v5, v1  }
0x146: {  	v5 =	vshll.u32 v3, $0x10;
	v0 =	vadd.f32 v3, v0  }
0x147: {  	v3 =	vld [tilespmem:s1+$0x87B0];
	v1 =	vadd.f32 v5, v1  }
0x148: {  	v5 =	vshll.u32 v4, $0x10;
	v0 =	vadd.f32 v4, v0  }
0x149: {  	v4 =	vld [tilespmem:s1+$0x87F0];
	v1 =	vadd.f32 v5, v1  }
0x14a: {  	v5 =	vshll.u32 v2, $0x10;
	v0 =	vadd.f32 v2, v0  }
0x14b: {  	v2 =	vld [tilespmem:s1+$0x8830];
	v1 =	vadd.f32 v5, v1  }
0x14c: {  	v5 =	vshll.u32 v3, $0x10;
	v0 =	vadd.f32 v3, v0  }
0x14d: {  	v3 =	vld [tilespmem:s1+$0x8870];
	v1 =	vadd.f32 v5, v1  }
0x14e: {  	v5 =	vshll.u32 v4, $0x10;
	v0 =	vadd.f32 v4, v0  }
0x14f: {  	v4 =	vld [tilespmem:s1+$0x88B0];
	v1 =	vadd.f32 v5, v1  }
0x150: {  	v5 =	vshll.u32 v2, $0x10;
	v0 =	vadd.f32 v2, v0  }
0x151: {  	v1 =	vadd.f32 v5, v1  }
0x152: {  	v2 =	vshll.u32 v3, $0x10;
	v0 =	vadd.f32 v3, v0  }
0x153: {  	v1 =	vadd.f32 v2, v1  }
0x154: {  	v2 =	vshll.u32 v4, $0x10;
	v0 =	vadd.f32 v4, v0  }
0x155: {  	v1 =	vadd.f32 v2, v1  }
0x156: {  	[tilespmem:s29+$0xFFFFFFF0] =	vst v0  }
0x157: {  	[tilespmem:s29+$0xFFFFFFB0] =	vst v1  }
0x158: {  	v0 =	vld [tilespmem:s1+$0x8640]  }
0x159: {  	v1 =	vld [tilespmem:s1+$0x8680];
	_ =	sdelay $0x1  }
0x15a: {  	v2 =	vld [tilespmem:s1+$0x86C0];
	_ =	sdelay $0x1  }
0x15b: {  	v3 =	vld [tilespmem:s1+$0x8700]  }
0x15c: {  	v4 =	vshll.u32 v0, $0x10;
	v5 =	vshll.u32 v1, $0x10  }
0x15d: {  	v6 =	vld [tilespmem:s1+$0x8740];
	v0 =	vadd.f32 v1, v0;
	v1 =	vadd.f32 v5, v4  }
0x15e: {  	v4 =	vshll.u32 v2, $0x10  }
0x15f: {  	v5 =	vld [tilespmem:s1+$0x8780];
	v0 =	vadd.f32 v2, v0;
	v1 =	vadd.f32 v4, v1  }
0x160: {  	v2 =	vshll.u32 v3, $0x10  }
0x161: {  	v4 =	vld [tilespmem:s1+$0x87C0];
	v0 =	vadd.f32 v3, v0;
	v1 =	vadd.f32 v2, v1  }
0x162: {  	v2 =	vshll.u32 v6, $0x10  }
0x163: {  	v3 =	vld [tilespmem:s1+$0x8800];
	v0 =	vadd.f32 v6, v0;
	v1 =	vadd.f32 v2, v1  }
0x164: {  	v2 =	vshll.u32 v5, $0x10  }
0x165: {  	v6 =	vld [tilespmem:s1+$0x8840];
	v5 =	vadd.f32 v5, v0;
	v1 =	vadd.f32 v2, v1  }
0x166: {  	v0 =	vld [tilespmem:s1+$0x8880];
	v2 =	vshll.u32 v4, $0x10  }
0x167: {  	v4 =	vadd.f32 v4, v5;
	v1 =	vadd.f32 v2, v1  }
0x168: {  	v2 =	vshll.u32 v3, $0x10  }
0x169: {  	v3 =	vadd.f32 v3, v4;
	v2 =	vadd.f32 v2, v1;
	v1 =	vld [tilespmem:s1+$0x88C0]  }
0x16a: {  	v5 =	vshll.u32 v6, $0x10  }
0x16b: {  	s31 =	simm.s32 $0xB00;
	s30 =	simm.s32 $0x11680;
	v4 =	vadd.f32 v6, v3;
	v3 =	vshll.u32 v0, $0x10;
	v2 =	vadd.f32 v5, v2  }
.LBB2_9:
0x16c: {  	p2 =	sne.s32 s31, $0xFD00  }
0x16d: {  	v0 =	vadd.f32 v0, v4;
	s29 =	sadd.s32 $0x80, s29;
	s1 =	smov.u32 s31;
	s31 =	sadd.s32 $0xB00, s31  }
0x16e: {  	v2 =	vadd.f32 v3, v2;
	v3 =	vshll.u32 v1, $0x10  }
0x16f: {  	v0 =	vadd.f32 v1, v0  }
0x170: {  	v1 =	vadd.f32 v3, v2  }
0x171: {  	s1 =	sshra.s32 s1, $0x2;
	[tilespmem:s30+$0x0] =	vst v0  }
0x172: {  	[tilespmem:s30+$0xFFFFFFC0] =	vst v1;
	s30 =	smov.u32 s29  }
0x173: {  	v0 =	vld [tilespmem:s1+$0x8610]  }
0x174: {  	v1 =	vld [tilespmem:s1+$0x8650];
	_ =	sdelay $0x1  }
0x175: {  	v2 =	vld [tilespmem:s1+$0x8690];
	_ =	sdelay $0x1  }
0x176: {  	v3 =	vld [tilespmem:s1+$0x86D0]  }
0x177: {  	v4 =	vshll.u32 v0, $0x10;
	v5 =	vshll.u32 v1, $0x10;
	v0 =	vadd.f32 v1, v0  }
0x178: {  	v1 =	vadd.f32 v5, v4;
	v4 =	vld [tilespmem:s1+$0x8710]  }
0x179: {  	v5 =	vshll.u32 v2, $0x10;
	v0 =	vadd.f32 v2, v0  }
0x17a: {  	v1 =	vadd.f32 v5, v1;
	v2 =	vld [tilespmem:s1+$0x8750]  }
0x17b: {  	v5 =	vshll.u32 v3, $0x10;
	v0 =	vadd.f32 v3, v0  }
0x17c: {  	v1 =	vadd.f32 v5, v1;
	v3 =	vld [tilespmem:s1+$0x8790]  }
0x17d: {  	v5 =	vshll.u32 v4, $0x10;
	v0 =	vadd.f32 v4, v0  }
0x17e: {  	v1 =	vadd.f32 v5, v1;
	v4 =	vld [tilespmem:s1+$0x87D0]  }
0x17f: {  	v5 =	vshll.u32 v2, $0x10;
	v0 =	vadd.f32 v2, v0  }
0x180: {  	v1 =	vadd.f32 v5, v1;
	v2 =	vld [tilespmem:s1+$0x8810]  }
0x181: {  	v5 =	vshll.u32 v3, $0x10;
	v0 =	vadd.f32 v3, v0  }
0x182: {  	v1 =	vadd.f32 v5, v1;
	v3 =	vld [tilespmem:s1+$0x8850]  }
0x183: {  	v5 =	vshll.u32 v4, $0x10;
	v0 =	vadd.f32 v4, v0  }
0x184: {  	v1 =	vadd.f32 v5, v1;
	v4 =	vld [tilespmem:s1+$0x8890]  }
0x185: {  	v5 =	vshll.u32 v2, $0x10;
	v0 =	vadd.f32 v2, v0  }
0x186: {  	v1 =	vadd.f32 v5, v1  }
0x187: {  	v2 =	vshll.u32 v3, $0x10;
	v0 =	vadd.f32 v3, v0  }
0x188: {  	v1 =	vadd.f32 v2, v1  }
0x189: {  	v2 =	vshll.u32 v4, $0x10;
	v0 =	vadd.f32 v4, v0  }
0x18a: {  	v1 =	vadd.f32 v2, v1  }
0x18b: {  	[tilespmem:s29+$0xFFFFFFD0] =	vst v0  }
0x18c: {  	[tilespmem:s29+$0xFFFFFF90] =	vst v1  }
0x18d: {  	v0 =	vld [tilespmem:s1+$0x8620]  }
0x18e: {  	v1 =	vld [tilespmem:s1+$0x8660];
	_ =	sdelay $0x1  }
0x18f: {  	v2 =	vld [tilespmem:s1+$0x86A0];
	_ =	sdelay $0x1  }
0x190: {  	v3 =	vld [tilespmem:s1+$0x86E0]  }
0x191: {  	v4 =	vshll.u32 v0, $0x10;
	v5 =	vshll.u32 v1, $0x10;
	v0 =	vadd.f32 v1, v0  }
0x192: {  	v1 =	vadd.f32 v5, v4;
	v4 =	vld [tilespmem:s1+$0x8720]  }
0x193: {  	v5 =	vshll.u32 v2, $0x10;
	v0 =	vadd.f32 v2, v0  }
0x194: {  	v1 =	vadd.f32 v5, v1;
	v2 =	vld [tilespmem:s1+$0x8760]  }
0x195: {  	v5 =	vshll.u32 v3, $0x10;
	v0 =	vadd.f32 v3, v0  }
0x196: {  	v1 =	vadd.f32 v5, v1;
	v3 =	vld [tilespmem:s1+$0x87A0]  }
0x197: {  	v5 =	vshll.u32 v4, $0x10;
	v0 =	vadd.f32 v4, v0  }
0x198: {  	v1 =	vadd.f32 v5, v1;
	v4 =	vld [tilespmem:s1+$0x87E0]  }
0x199: {  	v5 =	vshll.u32 v2, $0x10;
	v0 =	vadd.f32 v2, v0  }
0x19a: {  	v1 =	vadd.f32 v5, v1;
	v2 =	vld [tilespmem:s1+$0x8820]  }
0x19b: {  	v5 =	vshll.u32 v3, $0x10;
	v0 =	vadd.f32 v3, v0  }
0x19c: {  	v1 =	vadd.f32 v5, v1;
	v3 =	vld [tilespmem:s1+$0x8860]  }
0x19d: {  	v5 =	vshll.u32 v4, $0x10;
	v0 =	vadd.f32 v4, v0  }
0x19e: {  	v1 =	vadd.f32 v5, v1;
	v4 =	vld [tilespmem:s1+$0x88A0]  }
0x19f: {  	v5 =	vshll.u32 v2, $0x10;
	v0 =	vadd.f32 v2, v0  }
0x1a0: {  	v1 =	vadd.f32 v5, v1  }
0x1a1: {  	v2 =	vshll.u32 v3, $0x10;
	v0 =	vadd.f32 v3, v0  }
0x1a2: {  	v1 =	vadd.f32 v2, v1  }
0x1a3: {  	v2 =	vshll.u32 v4, $0x10;
	v0 =	vadd.f32 v4, v0  }
0x1a4: {  	v1 =	vadd.f32 v2, v1  }
0x1a5: {  	[tilespmem:s29+$0xFFFFFFE0] =	vst v0  }
0x1a6: {  	[tilespmem:s29+$0xFFFFFFA0] =	vst v1  }
0x1a7: {  	v0 =	vld [tilespmem:s1+$0x8630]  }
0x1a8: {  	v1 =	vld [tilespmem:s1+$0x8670];
	_ =	sdelay $0x1  }
0x1a9: {  	v2 =	vld [tilespmem:s1+$0x86B0];
	_ =	sdelay $0x1  }
0x1aa: {  	v3 =	vshll.u32 v0, $0x10;
	v4 =	vld [tilespmem:s1+$0x86F0]  }
0x1ab: {  	v5 =	vshll.u32 v1, $0x10;
	v0 =	vadd.f32 v1, v0  }
0x1ac: {  	v1 =	vadd.f32 v5, v3;
	v3 =	vld [tilespmem:s1+$0x8730]  }
0x1ad: {  	v5 =	vshll.u32 v2, $0x10;
	v0 =	vadd.f32 v2, v0  }
0x1ae: {  	v1 =	vadd.f32 v5, v1;
	v2 =	vld [tilespmem:s1+$0x8770]  }
0x1af: {  	v5 =	vshll.u32 v4, $0x10;
	v0 =	vadd.f32 v4, v0  }
0x1b0: {  	v1 =	vadd.f32 v5, v1;
	v4 =	vld [tilespmem:s1+$0x87B0]  }
0x1b1: {  	v5 =	vshll.u32 v3, $0x10;
	v0 =	vadd.f32 v3, v0  }
0x1b2: {  	v1 =	vadd.f32 v5, v1;
	v3 =	vld [tilespmem:s1+$0x87F0]  }
0x1b3: {  	v5 =	vshll.u32 v2, $0x10;
	v0 =	vadd.f32 v2, v0  }
0x1b4: {  	v1 =	vadd.f32 v5, v1;
	v2 =	vld [tilespmem:s1+$0x8830]  }
0x1b5: {  	v5 =	vshll.u32 v4, $0x10;
	v0 =	vadd.f32 v4, v0  }
0x1b6: {  	v1 =	vadd.f32 v5, v1;
	v4 =	vld [tilespmem:s1+$0x8870]  }
0x1b7: {  	v5 =	vshll.u32 v3, $0x10;
	v0 =	vadd.f32 v3, v0  }
0x1b8: {  	v1 =	vadd.f32 v5, v1;
	v3 =	vld [tilespmem:s1+$0x88B0]  }
0x1b9: {  	v5 =	vshll.u32 v2, $0x10;
	v0 =	vadd.f32 v2, v0  }
0x1ba: {  	v1 =	vadd.f32 v5, v1  }
0x1bb: {  	v2 =	vshll.u32 v4, $0x10;
	v0 =	vadd.f32 v4, v0  }
0x1bc: {  	v1 =	vadd.f32 v2, v1  }
0x1bd: {  	v2 =	vshll.u32 v3, $0x10;
	v0 =	vadd.f32 v3, v0  }
0x1be: {  	v1 =	vadd.f32 v2, v1  }
0x1bf: {  	[tilespmem:s29+$0xFFFFFFF0] =	vst v0  }
0x1c0: {  	[tilespmem:s29+$0xFFFFFFB0] =	vst v1  }
0x1c1: {  	v0 =	vld [tilespmem:s1+$0x8640]  }
0x1c2: {  	v1 =	vld [tilespmem:s1+$0x8680]  }
0x1c3: {  	v2 =	vld [tilespmem:s1+$0x86C0]  }
0x1c4: {  	v3 =	vld [tilespmem:s1+$0x8700]  }
0x1c5: {  	v4 =	vld [tilespmem:s1+$0x8740]  }
0x1c6: {  	v5 =	vshll.u32 v0, $0x10;
	v6 =	vld [tilespmem:s1+$0x8780]  }
0x1c7: {  	v7 =	vshll.u32 v1, $0x10;
	v0 =	vadd.f32 v1, v0;
	v8 =	vld [tilespmem:s1+$0x87C0]  }
0x1c8: {  	v1 =	vadd.f32 v7, v5;
	v5 =	vshll.u32 v2, $0x10;
	v7 =	vld [tilespmem:s1+$0x8800]  }
0x1c9: {  	v2 =	vadd.f32 v2, v0;
	v9 =	vld [tilespmem:s1+$0x8840]  }
0x1ca: {  	v10 =	vshll.u32 v3, $0x10;
	v5 =	vadd.f32 v5, v1;
	v0 =	vld [tilespmem:s1+$0x8880]  }
0x1cb: {  	v2 =	vadd.f32 v3, v2;
	v1 =	vld [tilespmem:s1+$0x88C0]  }
0x1cc: {  	v3 =	vadd.f32 v10, v5;
	v5 =	vshll.u32 v4, $0x10  }
0x1cd: {  	v2 =	vadd.f32 v4, v2  }
0x1ce: {  	v4 =	vshll.u32 v6, $0x10;
	v3 =	vadd.f32 v5, v3  }
0x1cf: {  	v2 =	vadd.f32 v6, v2  }
0x1d0: {  	v3 =	vadd.f32 v4, v3;
	v4 =	vshll.u32 v8, $0x10  }
0x1d1: {  	v2 =	vadd.f32 v8, v2  }
.Ltmp6:
0x1d2: {  	v3 =	vadd.f32 v4, v3;
	v4 =	vshll.u32 v7, $0x10;
	(pc) =	sbr.rel @p2 .LBB2_9-.Ltmp6, $4  }
0x1d3: {  	v2 =	vadd.f32 v7, v2  }
0x1d4: {  	v5 =	vshll.u32 v9, $0x10;
	v3 =	vadd.f32 v4, v3  }
0x1d5: {  	v4 =	vadd.f32 v9, v2  }
0x1d6: {  	v2 =	vadd.f32 v5, v3;
	v3 =	vshll.u32 v0, $0x10  }
0x1d7: {  	v0 =	vadd.f32 v0, v4  }
0x1d8: {  	v2 =	vadd.f32 v3, v2  }
.Ltmp7:
0x1d9: {  	v62 =	vshll.u32 v1, $0x10;
	s1 =	sadd.s32 s7, s28;
	v0 =	vadd.f32 v1, v0;
	(pc) =	sbr.rel @p1 .LBB2_12-.Ltmp7, $4  }
0x1da: {  	s1 =	sshll.u32 s1, $0x4;
	v63 =	vadd.f32 v62, v2  }
0x1db: {  	s1 =	sand.u32 $0x1FFFFF80, s1;
	[tilespmem:s30+$0x0] =	vst v0  }
0x1dc: {  	s1 =	sadd.s32 s5, s1;
	[tilespmem:s30+$0xFFFFFFC0] =	vst v63  }
0x1dd: {  	[hbm4b:s1+s2] =	stream.linear.scatter [tilespmem:s20], [sflag:$0x5], $0xC00, $0x38;
	[tilespmem:$0x12E10] =	vst v63  }
.Ltmp8:
0x1de: {  	(pc) =	sbr.rel .LBB2_13-.Ltmp8, $4  }
0x1df: {  	_ = 	snop  }
0x1e0: {  	_ =	swait.ge [sflag:s21], $0x4200  }
0x1e1: {  	[sflag:s21] =	ssyncset.done $0x0  }
0x1e2: {  	[sflag:s21] =	ssyncadd.s32 $0xFFFFBE00  }
.LBB2_12:
0x1e3: {  	s1 =	smul.u32 $0xC60, s26;
	_ =	sdelay $0x1  }
0x1e4: {  	s1 =	sshra.s32 s1, $0x2  }
.Ltmp9:
0x1e5: {  	s1 =	sadd.s32 $0x420, s1;
	(pc) =	sbr.rel @p0 .LBB2_14-.Ltmp9, $4  }
0x1e6: {  	[tilespmem:s13], [sflag:$0x2] =	stream.indirect.gather [hbm4b:s4+s11], $0x40, s1, s11, $0xb8;
	[tilespmem:$0x12E10] =	vst v63  }
0x1e7: {  	_ =	swait.ge [sflag:s21], $0x4200  }
0x1e8: {  	[sflag:s21] =	ssyncset.done $0x0  }
0x1e9: {  	[sflag:s21] =	ssyncadd.s32 $0xFFFFBE00  }
.LBB2_13:
0x1ea: {  	_ =	swait.ge [sflag:s22], $0xC00  }
0x1eb: {  	[sflag:s22] =	ssyncset.done $0x0  }
0x1ec: {  	[sflag:s22] =	ssyncadd.s32 $0xFFFFF400  }
.LBB2_14:
0x1ed: {  	s1 =	simm.s32 $0x0  }
0x1ee: {  	v0 =	vld [tilespmem:s1+$0xC810]  }
0x1ef: {  	v1 =	vld [tilespmem:s1+$0xC850];
	_ =	sdelay $0x1  }
0x1f0: {  	v2 =	vld [tilespmem:s1+$0xC890];
	_ =	sdelay $0x1  }
0x1f1: {  	v3 =	vld [tilespmem:s1+$0xC8D0]  }
0x1f2: {  	v4 =	vshll.u32 v0, $0x10;
	v5 =	vshll.u32 v1, $0x10;
	v0 =	vadd.f32 v1, v0  }
0x1f3: {  	v1 =	vadd.f32 v5, v4;
	v4 =	vld [tilespmem:s1+$0xC910]  }
0x1f4: {  	v5 =	vshll.u32 v2, $0x10;
	v0 =	vadd.f32 v2, v0  }
0x1f5: {  	v2 =	vld [tilespmem:s1+$0xC950];
	v1 =	vadd.f32 v5, v1  }
0x1f6: {  	v5 =	vshll.u32 v3, $0x10;
	v0 =	vadd.f32 v3, v0  }
0x1f7: {  	v3 =	vld [tilespmem:s1+$0xC990];
	v1 =	vadd.f32 v5, v1  }
0x1f8: {  	v5 =	vshll.u32 v4, $0x10;
	v0 =	vadd.f32 v4, v0  }
0x1f9: {  	v4 =	vld [tilespmem:s1+$0xC9D0];
	v1 =	vadd.f32 v5, v1  }
0x1fa: {  	v5 =	vshll.u32 v2, $0x10;
	v0 =	vadd.f32 v2, v0  }
0x1fb: {  	v2 =	vld [tilespmem:s1+$0xCA10];
	v1 =	vadd.f32 v5, v1  }
0x1fc: {  	v5 =	vshll.u32 v3, $0x10;
	v0 =	vadd.f32 v3, v0  }
0x1fd: {  	v3 =	vld [tilespmem:s1+$0xCA50];
	v1 =	vadd.f32 v5, v1  }
0x1fe: {  	v5 =	vshll.u32 v4, $0x10;
	v0 =	vadd.f32 v4, v0  }
0x1ff: {  	v4 =	vld [tilespmem:s1+$0xCA90];
	v1 =	vadd.f32 v5, v1  }
0x200: {  	v5 =	vshll.u32 v2, $0x10;
	v0 =	vadd.f32 v2, v0  }
0x201: {  	v1 =	vadd.f32 v5, v1  }
0x202: {  	v2 =	vshll.u32 v3, $0x10;
	v0 =	vadd.f32 v3, v0  }
0x203: {  	v1 =	vadd.f32 v2, v1  }
0x204: {  	v2 =	vshll.u32 v4, $0x10;
	v0 =	vadd.f32 v4, v0  }
0x205: {  	s29 =	simm.s32 $0x12280;
	v1 =	vadd.f32 v2, v1  }
0x206: {  	[tilespmem:s29+$0xFFFFFFD0] =	vst v0  }
0x207: {  	[tilespmem:s29+$0xFFFFFF90] =	vst v1  }
0x208: {  	v0 =	vld [tilespmem:s1+$0xC820]  }
0x209: {  	v1 =	vld [tilespmem:s1+$0xC860];
	_ =	sdelay $0x1  }
0x20a: {  	v2 =	vld [tilespmem:s1+$0xC8A0];
	_ =	sdelay $0x1  }
0x20b: {  	v3 =	vld [tilespmem:s1+$0xC8E0]  }
0x20c: {  	v4 =	vshll.u32 v0, $0x10;
	v5 =	vshll.u32 v1, $0x10;
	v0 =	vadd.f32 v1, v0  }
0x20d: {  	v1 =	vadd.f32 v5, v4;
	v4 =	vld [tilespmem:s1+$0xC920]  }
0x20e: {  	v5 =	vshll.u32 v2, $0x10;
	v0 =	vadd.f32 v2, v0  }
0x20f: {  	v2 =	vld [tilespmem:s1+$0xC960];
	v1 =	vadd.f32 v5, v1  }
0x210: {  	v5 =	vshll.u32 v3, $0x10;
	v0 =	vadd.f32 v3, v0  }
0x211: {  	v3 =	vld [tilespmem:s1+$0xC9A0];
	v1 =	vadd.f32 v5, v1  }
0x212: {  	v5 =	vshll.u32 v4, $0x10;
	v0 =	vadd.f32 v4, v0  }
0x213: {  	v4 =	vld [tilespmem:s1+$0xC9E0];
	v1 =	vadd.f32 v5, v1  }
0x214: {  	v5 =	vshll.u32 v2, $0x10;
	v0 =	vadd.f32 v2, v0  }
0x215: {  	v2 =	vld [tilespmem:s1+$0xCA20];
	v1 =	vadd.f32 v5, v1  }
0x216: {  	v5 =	vshll.u32 v3, $0x10;
	v0 =	vadd.f32 v3, v0  }
0x217: {  	v3 =	vld [tilespmem:s1+$0xCA60];
	v1 =	vadd.f32 v5, v1  }
0x218: {  	v5 =	vshll.u32 v4, $0x10;
	v0 =	vadd.f32 v4, v0  }
0x219: {  	v4 =	vld [tilespmem:s1+$0xCAA0];
	v1 =	vadd.f32 v5, v1  }
0x21a: {  	v5 =	vshll.u32 v2, $0x10;
	v0 =	vadd.f32 v2, v0  }
0x21b: {  	v1 =	vadd.f32 v5, v1  }
0x21c: {  	v2 =	vshll.u32 v3, $0x10;
	v0 =	vadd.f32 v3, v0  }
0x21d: {  	v1 =	vadd.f32 v2, v1  }
0x21e: {  	v2 =	vshll.u32 v4, $0x10;
	v0 =	vadd.f32 v4, v0  }
0x21f: {  	v1 =	vadd.f32 v2, v1  }
0x220: {  	[tilespmem:s29+$0xFFFFFFE0] =	vst v0  }
0x221: {  	[tilespmem:s29+$0xFFFFFFA0] =	vst v1  }
0x222: {  	v0 =	vld [tilespmem:s1+$0xC830]  }
0x223: {  	v1 =	vld [tilespmem:s1+$0xC870];
	_ =	sdelay $0x1  }
0x224: {  	v2 =	vld [tilespmem:s1+$0xC8B0];
	_ =	sdelay $0x1  }
0x225: {  	v3 =	vld [tilespmem:s1+$0xC8F0]  }
0x226: {  	v4 =	vshll.u32 v0, $0x10;
	v5 =	vshll.u32 v1, $0x10;
	v0 =	vadd.f32 v1, v0  }
0x227: {  	v1 =	vadd.f32 v5, v4;
	v4 =	vld [tilespmem:s1+$0xC930]  }
0x228: {  	v5 =	vshll.u32 v2, $0x10;
	v0 =	vadd.f32 v2, v0  }
0x229: {  	v2 =	vld [tilespmem:s1+$0xC970];
	v1 =	vadd.f32 v5, v1  }
0x22a: {  	v5 =	vshll.u32 v3, $0x10;
	v0 =	vadd.f32 v3, v0  }
0x22b: {  	v3 =	vld [tilespmem:s1+$0xC9B0];
	v1 =	vadd.f32 v5, v1  }
0x22c: {  	v5 =	vshll.u32 v4, $0x10;
	v0 =	vadd.f32 v4, v0  }
0x22d: {  	v4 =	vld [tilespmem:s1+$0xC9F0];
	v1 =	vadd.f32 v5, v1  }
0x22e: {  	v5 =	vshll.u32 v2, $0x10;
	v0 =	vadd.f32 v2, v0  }
0x22f: {  	v2 =	vld [tilespmem:s1+$0xCA30];
	v1 =	vadd.f32 v5, v1  }
0x230: {  	v5 =	vshll.u32 v3, $0x10;
	v0 =	vadd.f32 v3, v0  }
0x231: {  	v3 =	vld [tilespmem:s1+$0xCA70];
	v1 =	vadd.f32 v5, v1  }
0x232: {  	v5 =	vshll.u32 v4, $0x10;
	v0 =	vadd.f32 v4, v0  }
0x233: {  	v4 =	vld [tilespmem:s1+$0xCAB0];
	v1 =	vadd.f32 v5, v1  }
0x234: {  	v5 =	vshll.u32 v2, $0x10;
	v0 =	vadd.f32 v2, v0  }
0x235: {  	v1 =	vadd.f32 v5, v1  }
0x236: {  	v2 =	vshll.u32 v3, $0x10;
	v0 =	vadd.f32 v3, v0  }
0x237: {  	v1 =	vadd.f32 v2, v1  }
0x238: {  	v2 =	vshll.u32 v4, $0x10;
	v0 =	vadd.f32 v4, v0  }
0x239: {  	v1 =	vadd.f32 v2, v1  }
0x23a: {  	[tilespmem:s29+$0xFFFFFFF0] =	vst v0  }
0x23b: {  	[tilespmem:s29+$0xFFFFFFB0] =	vst v1  }
0x23c: {  	v0 =	vld [tilespmem:s1+$0xC840]  }
0x23d: {  	v1 =	vld [tilespmem:s1+$0xC880];
	_ =	sdelay $0x1  }
0x23e: {  	v2 =	vld [tilespmem:s1+$0xC8C0];
	_ =	sdelay $0x1  }
0x23f: {  	v3 =	vld [tilespmem:s1+$0xC900]  }
0x240: {  	v4 =	vshll.u32 v0, $0x10;
	v5 =	vshll.u32 v1, $0x10  }
0x241: {  	v6 =	vld [tilespmem:s1+$0xC940];
	v0 =	vadd.f32 v1, v0;
	v1 =	vadd.f32 v5, v4  }
0x242: {  	v4 =	vshll.u32 v2, $0x10  }
0x243: {  	v5 =	vld [tilespmem:s1+$0xC980];
	v0 =	vadd.f32 v2, v0;
	v1 =	vadd.f32 v4, v1  }
0x244: {  	v2 =	vshll.u32 v3, $0x10  }
0x245: {  	v4 =	vld [tilespmem:s1+$0xC9C0];
	v0 =	vadd.f32 v3, v0;
	v1 =	vadd.f32 v2, v1  }
0x246: {  	v2 =	vshll.u32 v6, $0x10  }
0x247: {  	v3 =	vld [tilespmem:s1+$0xCA00];
	v0 =	vadd.f32 v6, v0;
	v1 =	vadd.f32 v2, v1  }
0x248: {  	v2 =	vshll.u32 v5, $0x10  }
0x249: {  	v6 =	vld [tilespmem:s1+$0xCA40];
	v5 =	vadd.f32 v5, v0;
	v1 =	vadd.f32 v2, v1  }
0x24a: {  	v0 =	vld [tilespmem:s1+$0xCA80];
	v2 =	vshll.u32 v4, $0x10  }
0x24b: {  	v4 =	vadd.f32 v4, v5;
	v1 =	vadd.f32 v2, v1  }
0x24c: {  	v2 =	vshll.u32 v3, $0x10  }
0x24d: {  	v3 =	vadd.f32 v3, v4;
	v2 =	vadd.f32 v2, v1;
	v1 =	vld [tilespmem:s1+$0xCAC0]  }
0x24e: {  	v5 =	vshll.u32 v6, $0x10  }
0x24f: {  	s31 =	simm.s32 $0xB00;
	s30 =	simm.s32 $0x12280;
	v4 =	vadd.f32 v6, v3;
	v3 =	vshll.u32 v0, $0x10;
	v2 =	vadd.f32 v5, v2  }
.LBB2_15:
0x250: {  	p0 =	sne.s32 s31, $0xFD00  }
0x251: {  	v0 =	vadd.f32 v0, v4;
	s29 =	sadd.s32 $0x80, s29;
	s1 =	smov.u32 s31;
	s31 =	sadd.s32 $0xB00, s31  }
0x252: {  	v2 =	vadd.f32 v3, v2;
	v3 =	vshll.u32 v1, $0x10  }
0x253: {  	v0 =	vadd.f32 v1, v0  }
0x254: {  	v1 =	vadd.f32 v3, v2  }
0x255: {  	s1 =	sshra.s32 s1, $0x2;
	[tilespmem:s30+$0x0] =	vst v0  }
0x256: {  	[tilespmem:s30+$0xFFFFFFC0] =	vst v1;
	s30 =	smov.u32 s29  }
0x257: {  	v0 =	vld [tilespmem:s1+$0xC810]  }
0x258: {  	v1 =	vld [tilespmem:s1+$0xC850];
	_ =	sdelay $0x1  }
0x259: {  	v2 =	vld [tilespmem:s1+$0xC890];
	_ =	sdelay $0x1  }
0x25a: {  	v3 =	vld [tilespmem:s1+$0xC8D0]  }
0x25b: {  	v4 =	vshll.u32 v0, $0x10;
	v5 =	vshll.u32 v1, $0x10;
	v0 =	vadd.f32 v1, v0  }
0x25c: {  	v1 =	vadd.f32 v5, v4;
	v4 =	vld [tilespmem:s1+$0xC910]  }
0x25d: {  	v5 =	vshll.u32 v2, $0x10;
	v0 =	vadd.f32 v2, v0  }
0x25e: {  	v1 =	vadd.f32 v5, v1;
	v2 =	vld [tilespmem:s1+$0xC950]  }
0x25f: {  	v5 =	vshll.u32 v3, $0x10;
	v0 =	vadd.f32 v3, v0  }
0x260: {  	v1 =	vadd.f32 v5, v1;
	v3 =	vld [tilespmem:s1+$0xC990]  }
0x261: {  	v5 =	vshll.u32 v4, $0x10;
	v0 =	vadd.f32 v4, v0  }
0x262: {  	v1 =	vadd.f32 v5, v1;
	v4 =	vld [tilespmem:s1+$0xC9D0]  }
0x263: {  	v5 =	vshll.u32 v2, $0x10;
	v0 =	vadd.f32 v2, v0  }
0x264: {  	v1 =	vadd.f32 v5, v1;
	v2 =	vld [tilespmem:s1+$0xCA10]  }
0x265: {  	v5 =	vshll.u32 v3, $0x10;
	v0 =	vadd.f32 v3, v0  }
0x266: {  	v1 =	vadd.f32 v5, v1;
	v3 =	vld [tilespmem:s1+$0xCA50]  }
0x267: {  	v5 =	vshll.u32 v4, $0x10;
	v0 =	vadd.f32 v4, v0  }
0x268: {  	v1 =	vadd.f32 v5, v1;
	v4 =	vld [tilespmem:s1+$0xCA90]  }
0x269: {  	v5 =	vshll.u32 v2, $0x10;
	v0 =	vadd.f32 v2, v0  }
0x26a: {  	v1 =	vadd.f32 v5, v1  }
0x26b: {  	v2 =	vshll.u32 v3, $0x10;
	v0 =	vadd.f32 v3, v0  }
0x26c: {  	v1 =	vadd.f32 v2, v1  }
0x26d: {  	v2 =	vshll.u32 v4, $0x10;
	v0 =	vadd.f32 v4, v0  }
0x26e: {  	v1 =	vadd.f32 v2, v1  }
0x26f: {  	[tilespmem:s29+$0xFFFFFFD0] =	vst v0  }
0x270: {  	[tilespmem:s29+$0xFFFFFF90] =	vst v1  }
0x271: {  	v0 =	vld [tilespmem:s1+$0xC820]  }
0x272: {  	v1 =	vld [tilespmem:s1+$0xC860];
	_ =	sdelay $0x1  }
0x273: {  	v2 =	vld [tilespmem:s1+$0xC8A0];
	_ =	sdelay $0x1  }
0x274: {  	v3 =	vld [tilespmem:s1+$0xC8E0]  }
0x275: {  	v4 =	vshll.u32 v0, $0x10;
	v5 =	vshll.u32 v1, $0x10;
	v0 =	vadd.f32 v1, v0  }
0x276: {  	v1 =	vadd.f32 v5, v4;
	v4 =	vld [tilespmem:s1+$0xC920]  }
0x277: {  	v5 =	vshll.u32 v2, $0x10;
	v0 =	vadd.f32 v2, v0  }
0x278: {  	v1 =	vadd.f32 v5, v1;
	v2 =	vld [tilespmem:s1+$0xC960]  }
0x279: {  	v5 =	vshll.u32 v3, $0x10;
	v0 =	vadd.f32 v3, v0  }
0x27a: {  	v1 =	vadd.f32 v5, v1;
	v3 =	vld [tilespmem:s1+$0xC9A0]  }
0x27b: {  	v5 =	vshll.u32 v4, $0x10;
	v0 =	vadd.f32 v4, v0  }
0x27c: {  	v1 =	vadd.f32 v5, v1;
	v4 =	vld [tilespmem:s1+$0xC9E0]  }
0x27d: {  	v5 =	vshll.u32 v2, $0x10;
	v0 =	vadd.f32 v2, v0  }
0x27e: {  	v1 =	vadd.f32 v5, v1;
	v2 =	vld [tilespmem:s1+$0xCA20]  }
0x27f: {  	v5 =	vshll.u32 v3, $0x10;
	v0 =	vadd.f32 v3, v0  }
0x280: {  	v1 =	vadd.f32 v5, v1;
	v3 =	vld [tilespmem:s1+$0xCA60]  }
0x281: {  	v5 =	vshll.u32 v4, $0x10;
	v0 =	vadd.f32 v4, v0  }
0x282: {  	v1 =	vadd.f32 v5, v1;
	v4 =	vld [tilespmem:s1+$0xCAA0]  }
0x283: {  	v5 =	vshll.u32 v2, $0x10;
	v0 =	vadd.f32 v2, v0  }
0x284: {  	v1 =	vadd.f32 v5, v1  }
0x285: {  	v2 =	vshll.u32 v3, $0x10;
	v0 =	vadd.f32 v3, v0  }
0x286: {  	v1 =	vadd.f32 v2, v1  }
0x287: {  	v2 =	vshll.u32 v4, $0x10;
	v0 =	vadd.f32 v4, v0  }
0x288: {  	v1 =	vadd.f32 v2, v1  }
0x289: {  	[tilespmem:s29+$0xFFFFFFE0] =	vst v0  }
0x28a: {  	[tilespmem:s29+$0xFFFFFFA0] =	vst v1  }
0x28b: {  	v0 =	vld [tilespmem:s1+$0xC830]  }
0x28c: {  	v1 =	vld [tilespmem:s1+$0xC870];
	_ =	sdelay $0x1  }
0x28d: {  	v2 =	vld [tilespmem:s1+$0xC8B0];
	_ =	sdelay $0x1  }
0x28e: {  	v3 =	vshll.u32 v0, $0x10;
	v4 =	vld [tilespmem:s1+$0xC8F0]  }
0x28f: {  	v5 =	vshll.u32 v1, $0x10;
	v0 =	vadd.f32 v1, v0  }
0x290: {  	v1 =	vadd.f32 v5, v3;
	v3 =	vld [tilespmem:s1+$0xC930]  }
0x291: {  	v5 =	vshll.u32 v2, $0x10;
	v0 =	vadd.f32 v2, v0  }
0x292: {  	v1 =	vadd.f32 v5, v1;
	v2 =	vld [tilespmem:s1+$0xC970]  }
0x293: {  	v5 =	vshll.u32 v4, $0x10;
	v0 =	vadd.f32 v4, v0  }
0x294: {  	v1 =	vadd.f32 v5, v1;
	v4 =	vld [tilespmem:s1+$0xC9B0]  }
0x295: {  	v5 =	vshll.u32 v3, $0x10;
	v0 =	vadd.f32 v3, v0  }
0x296: {  	v1 =	vadd.f32 v5, v1;
	v3 =	vld [tilespmem:s1+$0xC9F0]  }
0x297: {  	v5 =	vshll.u32 v2, $0x10;
	v0 =	vadd.f32 v2, v0  }
0x298: {  	v1 =	vadd.f32 v5, v1;
	v2 =	vld [tilespmem:s1+$0xCA30]  }
0x299: {  	v5 =	vshll.u32 v4, $0x10;
	v0 =	vadd.f32 v4, v0  }
0x29a: {  	v1 =	vadd.f32 v5, v1;
	v4 =	vld [tilespmem:s1+$0xCA70]  }
0x29b: {  	v5 =	vshll.u32 v3, $0x10;
	v0 =	vadd.f32 v3, v0  }
0x29c: {  	v1 =	vadd.f32 v5, v1;
	v3 =	vld [tilespmem:s1+$0xCAB0]  }
0x29d: {  	v5 =	vshll.u32 v2, $0x10;
	v0 =	vadd.f32 v2, v0  }
0x29e: {  	v1 =	vadd.f32 v5, v1  }
0x29f: {  	v2 =	vshll.u32 v4, $0x10;
	v0 =	vadd.f32 v4, v0  }
0x2a0: {  	v1 =	vadd.f32 v2, v1  }
0x2a1: {  	v2 =	vshll.u32 v3, $0x10;
	v0 =	vadd.f32 v3, v0  }
0x2a2: {  	v1 =	vadd.f32 v2, v1  }
0x2a3: {  	[tilespmem:s29+$0xFFFFFFF0] =	vst v0  }
0x2a4: {  	[tilespmem:s29+$0xFFFFFFB0] =	vst v1  }
0x2a5: {  	v0 =	vld [tilespmem:s1+$0xC840]  }
0x2a6: {  	v1 =	vld [tilespmem:s1+$0xC880]  }
0x2a7: {  	v2 =	vld [tilespmem:s1+$0xC8C0]  }
0x2a8: {  	v3 =	vld [tilespmem:s1+$0xC900]  }
0x2a9: {  	v4 =	vld [tilespmem:s1+$0xC940]  }
0x2aa: {  	v5 =	vshll.u32 v0, $0x10;
	v6 =	vld [tilespmem:s1+$0xC980]  }
0x2ab: {  	v7 =	vshll.u32 v1, $0x10;
	v0 =	vadd.f32 v1, v0;
	v8 =	vld [tilespmem:s1+$0xC9C0]  }
0x2ac: {  	v1 =	vadd.f32 v7, v5;
	v5 =	vshll.u32 v2, $0x10;
	v7 =	vld [tilespmem:s1+$0xCA00]  }
0x2ad: {  	v2 =	vadd.f32 v2, v0;
	v9 =	vld [tilespmem:s1+$0xCA40]  }
0x2ae: {  	v10 =	vshll.u32 v3, $0x10;
	v5 =	vadd.f32 v5, v1;
	v0 =	vld [tilespmem:s1+$0xCA80]  }
0x2af: {  	v2 =	vadd.f32 v3, v2;
	v1 =	vld [tilespmem:s1+$0xCAC0]  }
0x2b0: {  	v3 =	vadd.f32 v10, v5;
	v5 =	vshll.u32 v4, $0x10  }
0x2b1: {  	v2 =	vadd.f32 v4, v2  }
0x2b2: {  	v4 =	vshll.u32 v6, $0x10;
	v3 =	vadd.f32 v5, v3  }
0x2b3: {  	v2 =	vadd.f32 v6, v2  }
0x2b4: {  	v3 =	vadd.f32 v4, v3;
	v4 =	vshll.u32 v8, $0x10  }
0x2b5: {  	v2 =	vadd.f32 v8, v2  }
.Ltmp10:
0x2b6: {  	v3 =	vadd.f32 v4, v3;
	v4 =	vshll.u32 v7, $0x10;
	(pc) =	sbr.rel @p0 .LBB2_15-.Ltmp10, $4  }
0x2b7: {  	v2 =	vadd.f32 v7, v2  }
0x2b8: {  	v5 =	vshll.u32 v9, $0x10;
	v3 =	vadd.f32 v4, v3  }
0x2b9: {  	v4 =	vadd.f32 v9, v2  }
0x2ba: {  	v2 =	vadd.f32 v5, v3;
	v3 =	vshll.u32 v0, $0x10  }
0x2bb: {  	v0 =	vadd.f32 v0, v4  }
0x2bc: {  	p0 =	seq.s32 s26, $0x15;
	v2 =	vadd.f32 v3, v2  }
.Ltmp11:
0x2bd: {  	v62 =	vshll.u32 v1, $0x10;
	s1 =	sadd.s32 s8, s28;
	v0 =	vadd.f32 v1, v0;
	(pc) =	sbr.rel @p0 .LBB2_18-.Ltmp11, $4  }
0x2be: {  	s1 =	sshll.u32 s1, $0x4;
	v63 =	vadd.f32 v62, v2  }
0x2bf: {  	s1 =	sand.u32 $0x1FFFFF80, s1;
	[tilespmem:s30+$0x0] =	vst v0  }
0x2c0: {  	s1 =	sadd.s32 s5, s1;
	[tilespmem:s30+$0xFFFFFFC0] =	vst v63  }
0x2c1: {  	[hbm4b:s1+s2] =	stream.linear.scatter [tilespmem:s23], [sflag:$0x6], $0xC00, $0x38;
	[tilespmem:$0x12E10] =	vst v63  }
0x2c2: {  	s1 =	smul.u32 $0xC60, s26  }
.Ltmp12:
0x2c3: {  	_ = 	snop;
	(pc) =	sbr.rel .LBB2_2-.Ltmp12, $4  }
0x2c4: {  	_ = 	snop  }
0x2c5: {  	s1 =	sshra.s32 s1, $0x2  }
0x2c6: {  	s26 =	sadd.s32 $0x1, s26;
	s1 =	sadd.s32 $0x528, s1  }
0x2c7: {  	[tilespmem:s15], [sflag:$0x3] =	stream.indirect.gather [hbm4b:s4+s11], $0x40, s1, s11, $0xb8;
	[tilespmem:$0x12E10] =	vst v63  }
.LBB2_19:
0x2c8: {  	_ =	sfence.sel $0x180000  }
0x2c9: {  	[bflag:$0x0] =	sbarrier.arrive $0xFFFF  }
0x2ca: {  	_ =	strace $0x90000047  }
0x2cb: {  	[bflag:$0x2] =	sbarrier.arrive $0xFFFF  }
0x2cc: {  	p0 =	sne.s32 s0, $0x0;
	s0 =	rddreg [dreg:$0x2]  }
0x2cd: {  	s0 =	sadd.s32 @!p0 $0x100000, s0  }
0x2ce: {  	[sflag:s0] =	ssyncadd.tile.s32 @!p0 $0x1;
	_ =	shalt  }
.Lfunc_end2:
_tile_overlayer_lowered:
.L_overlay_start_2:
0x2cf: {  	(tag) =	ssettag $0x2  }
0x2d0: {  	s0 =	rddreg [dreg:$0x0];
	s2 =	stileid.u32  }
0x2d1: {  	s1 =	rddreg [dreg:$0x1];
	p0 =	sne.s32 s2, $0x0  }
0x2d2: {  	s3 =	rddreg [dreg:$0x2];
	[bflag:$0x3] =	sbarrier.arrive $0xFFFF;
	s2 =	simm.s32 @!p0 $0x1C07  }
0x2d3: {  	[timem:s3], [sflag:s2] =	dma.local @!p0 [hbm:s0], s1  }
0x2d4: {  	s0 =	simm.s32 @!p0 $0x7  }
0x2d5: {  	_ =	swait.ge @!p0 [sflag:s0], s1  }
0x2d6: {  	s1 =	ssub.s32 @!p0 $0x0, s1;
	[sflag:s0] =	ssyncset.done @!p0 $0x0  }
0x2d7: {  	[sflag:s0] =	ssyncadd.s32 @!p0 s1  }
0x2d8: {  	[bflag:$0x3] =	sbarrier.arrive $0xFFFF  }
0x2d9: {  	_ =	shalt  }

</sc_bundles>
